<compile_context>
chip_gen: v7x
topology: tpu7x:2x2x1
jax: 0.10.2.dev20260603
libtpu: 0.0.44.dev20260713+nightly
codegen_flags: <defaults>
</compile_context>

<pallas_src>
import functools

import jax
import jax.numpy as jnp
from jax import lax
from jax.experimental import pallas as pl
from jax.experimental.pallas import tpu as pltpu
from jax.experimental.pallas import tpu_sc as plsc

B, S, D = 16, 2048, 128
L = 16
BP = 2

_info = plsc.get_sparse_core_info()
NC, NS = _info.num_cores, _info.num_subcores
NW = NC * NS
SW = S // NW
NG = B // BP
NBUF = 5


def _embed_body(x_hbm, tok_hbm, pos_hbm, out_hbm,
                idx2, idxf, pos_v, bufs, gsems, osems):
    wid = lax.axis_index("s") * NC + lax.axis_index("c")
    s0 = wid * SW
    blk = pl.multiple_of((wid // 2) * (2 * SW), 2 * SW)
    h0 = pl.multiple_of((wid % 2) * SW, SW)

    st_idx = pltpu.async_copy(x_hbm.at[:, pl.ds(blk, 2 * SW)], idx2, gsems[0])
    st_pos = pltpu.async_copy(pos_hbm.at[pl.ds(s0, SW)], pos_v, gsems[1])
    st_idx.wait()

    def start_gather(k):
        return pltpu.async_copy(
            tok_hbm.at[idxf.at[pl.ds(k * BP * SW, BP * SW)]],
            bufs[k % NBUF], gsems[k % NBUF])

    def rearrange(b):
        for j in range(SW // L):
            idxf[pl.ds(b * SW + j * L, L)] = idx2[b, pl.ds(h0 + j * L, L)]

    for b in range(BP):
        rearrange(b)
    gcp = {0: start_gather(0)}
    for b in range(BP, B):
        rearrange(b)
    gcp[1] = start_gather(1)
    gcp[2] = start_gather(2)
    st_pos.wait()

    ocp = [[] for _ in range(NBUF)]
    for k in range(NG):
        buf = bufs[k % NBUF]
        if k + 3 < NG:
            for cp in ocp[(k + 3) % NBUF]:
                cp.wait()
            ocp[(k + 3) % NBUF] = []
            gcp[k + 3] = start_gather(k + 3)
        gcp.pop(k).wait()

        def add_row(r, carry, buf=buf):
            for c in range(D // L):
                sl = pl.ds(c * L, L)
                p = pos_v[r, sl]
                plsc.addupdate(buf.at[r, sl], p)
                plsc.addupdate(buf.at[SW + r, sl], p)
            return carry

        lax.fori_loop(0, SW, add_row, 0)

        ocp[k % NBUF] = [
            pltpu.async_copy(buf.at[pl.ds(h * SW, SW)],
                             out_hbm.at[k * BP + h, pl.ds(s0, SW)],
                             osems[k % NBUF])
            for h in range(BP)
        ]

    for cps in ocp:
        for cp in cps:
            cp.wait()


def _embed_entry(x_hbm, tok_hbm, pos_hbm, out_hbm,
                 idx2, idxf, pos_v, b0, b1, b2, b3, b4,
                 g0, g1, g2, g3, g4, o0, o1, o2, o3, o4):
    _embed_body(x_hbm, tok_hbm, pos_hbm, out_hbm, idx2, idxf, pos_v,
                (b0, b1, b2, b3, b4), (g0, g1, g2, g3, g4),
                (o0, o1, o2, o3, o4))


_embed = functools.partial(
    pl.kernel,
    out_type=jax.ShapeDtypeStruct((B, S, D), jnp.float32),
    mesh=plsc.VectorSubcoreMesh(core_axis_name="c", subcore_axis_name="s"),
    scratch_types=(
        [pltpu.VMEM((B, 2 * SW), jnp.int32),
         pltpu.VMEM((B * SW,), jnp.int32),
         pltpu.VMEM((SW, D), jnp.float32)]
        + [pltpu.VMEM((BP * SW, D), jnp.float32)] * NBUF
        + [pltpu.SemaphoreType.DMA] * (2 * NBUF)
    ),
)(_embed_entry)


def kernel(x, token_embd, pos_embd):
    return _embed(x.astype(jnp.int32), token_embd, pos_embd)

# --- scband reference (transcript-rebuilt; emitter-appended) ---
"""Pipeline reference for scband-embedding-30348238913602 (READ-ONLY COPY).

The authoritative reference and input builder live on the scoring server;
editing this copy changes nothing except your own understanding.
"""

import jax, jax.numpy as jnp
import numpy as np

VOCAB = 100000
EMB = 128
CTX = 2048
BATCH = 16
SEQ = 2048

def setup_inputs(seed: int = 0) -> dict:
    key = jax.random.key(seed)
    k1, k2, k3 = jax.random.split(key, 3)
    x = jax.random.randint(k1, (BATCH, SEQ), 0, VOCAB, dtype=jnp.int64 if jax.config.read('jax_enable_x64') else jnp.int32)
    token_embd = jax.random.normal(k2, (VOCAB, EMB), dtype=jnp.float32)
    pos_embd = jax.random.normal(k3, (CTX, EMB), dtype=jnp.float32)
    return {"x": x, "token_embd": token_embd, "pos_embd": pos_embd}

def reference(x, token_embd, pos_embd):
    # token embedding lookup: gather rows of token table
    tok = jnp.take(token_embd, x, axis=0)            # [B, S, EMB]
    # positional embedding: arange over seq dim, unsqueeze batch dim
    pos = jnp.arange(x.shape[-1])[None, :]           # [1, S]
    pe = jnp.take(pos_embd, pos, axis=0)             # [1, S, EMB]
    return pe + tok

if __name__ == "__main__":
    import jax
    _d = setup_inputs()
    print(jax.jit(kernel)(*tuple(_d.values())))

</pallas_src>

<mosaic_0001>
#map = affine_map<(d0, d1) -> (0, 0)>
#map1 = affine_map<(d0, d1) -> (0, 0, 0)>
module attributes {stable_mosaic.version = 14 : i64} {
  func.func @_embed_entry(%arg0: i32, %arg1: i32, %arg2: memref<16x2048xi32, #tpu.memory_space<hbm>>, %arg3: memref<100000x128xf32, #tpu.memory_space<hbm>>, %arg4: memref<2048x128xf32, #tpu.memory_space<hbm>>, %arg5: memref<16x2048x128xf32, #tpu.memory_space<hbm>>, %arg6: memref<16x128xi32, #tpu.memory_space<vmem>>, %arg7: memref<1024xi32, #tpu.memory_space<vmem>>, %arg8: memref<64x128xf32, #tpu.memory_space<vmem>>, %arg9: memref<128x128xf32, #tpu.memory_space<vmem>>, %arg10: memref<128x128xf32, #tpu.memory_space<vmem>>, %arg11: memref<128x128xf32, #tpu.memory_space<vmem>>, %arg12: memref<128x128xf32, #tpu.memory_space<vmem>>, %arg13: memref<128x128xf32, #tpu.memory_space<vmem>>, %arg14: memref<!tpu.dma_semaphore, #tpu.memory_space<semaphore_mem>>, %arg15: memref<!tpu.dma_semaphore, #tpu.memory_space<semaphore_mem>>, %arg16: memref<!tpu.dma_semaphore, #tpu.memory_space<semaphore_mem>>, %arg17: memref<!tpu.dma_semaphore, #tpu.memory_space<semaphore_mem>>, %arg18: memref<!tpu.dma_semaphore, #tpu.memory_space<semaphore_mem>>, %arg19: memref<!tpu.dma_semaphore, #tpu.memory_space<semaphore_mem>>, %arg20: memref<!tpu.dma_semaphore, #tpu.memory_space<semaphore_mem>>, %arg21: memref<!tpu.dma_semaphore, #tpu.memory_space<semaphore_mem>>, %arg22: memref<!tpu.dma_semaphore, #tpu.memory_space<semaphore_mem>>, %arg23: memref<!tpu.dma_semaphore, #tpu.memory_space<semaphore_mem>>) attributes {dimension_semantics = [#tpu.dimension_semantics<core_parallel>, #tpu.dimension_semantics<subcore_parallel>], iteration_bounds = array<i64: 2, 16>, scalar_prefetch = 0 : i64, scratch_operands = 18 : i64, tpu.core_type = #tpu.core_type<sc_vector_subcore>, window_params = [{transform_indices = #map}, {transform_indices = #map}, {transform_indices = #map}, {transform_indices = #map1}]} {
    %mul3A = arith.constant 2 : i32
    %mul3A_0 = arith.muli %arg1, %mul3A : i32
    %add3A = arith.addi %mul3A_0, %arg0 : i32
    %mul3A_1 = arith.constant 64 : i32
    %mul3A_2 = arith.muli %add3A, %mul3A_1 : i32
    %jit3A = arith.constant 2 : i32
    %div3A = arith.divsi %add3A, %jit3A : i32
    %sign3A = arith.constant 0 : i32
    %sign3A_3 = arith.cmpi sgt, %add3A, %sign3A : i32
    %sign3A_4 = arith.extui %sign3A_3 : i1 to i32
    %sign3A_5 = arith.constant 0 : i32
    %sign3A_6 = arith.cmpi slt, %add3A, %sign3A_5 : i32
    %sign3A_7 = arith.extui %sign3A_6 : i1 to i32
    %sign3A_8 = arith.subi %sign3A_4, %sign3A_7 : i32
    %sign3A_9 = arith.constant 0 : i32
    %sign3A_10 = arith.cmpi sgt, %jit3A, %sign3A_9 : i32
    %sign3A_11 = arith.extui %sign3A_10 : i1 to i32
    %sign3A_12 = arith.constant 0 : i32
    %sign3A_13 = arith.cmpi slt, %jit3A, %sign3A_12 : i32
    %sign3A_14 = arith.extui %sign3A_13 : i1 to i32
    %sign3A_15 = arith.subi %sign3A_11, %sign3A_14 : i32
    %ne3A = arith.cmpi ne, %sign3A_8, %sign3A_15 : i32
    %rem3A = arith.remsi %add3A, %jit3A : i32
    %ne3A_16 = arith.constant 0 : i32
    %ne3A_17 = arith.cmpi ne, %rem3A, %ne3A_16 : i32
    %and3A = arith.andi %ne3A, %ne3A_17 : i1
    %sub3A = arith.constant 1 : i32
    %sub3A_18 = arith.subi %div3A, %sub3A : i32
    %select_n3A = arith.select %and3A, %sub3A_18, %div3A : i32
    %mul3A_19 = arith.constant 128 : i32
    %mul3A_20 = arith.muli %select_n3A, %mul3A_19 : i32
    %multiple_of3A = tpu.assume_multiple %mul3A_20, 128 : i32
    %jit3A_21 = arith.constant 2 : i32
    %eq3A = arith.constant 0 : i32
    %eq3A_22 = arith.cmpi eq, %jit3A_21, %eq3A : i32
    %jit3A_23 = arith.constant 1 : i32
    %select_n3A_24 = arith.select %eq3A_22, %jit3A_23, %jit3A_21 : i32
    %rem3A_25 = arith.remsi %add3A, %select_n3A_24 : i32
    %ne3A_26 = arith.constant 0 : i32
    %ne3A_27 = arith.cmpi ne, %rem3A_25, %ne3A_26 : i32
    %lt3A = arith.constant 0 : i32
    %lt3A_28 = arith.cmpi slt, %rem3A_25, %lt3A : i32
    %lt3A_29 = arith.constant 0 : i32
    %lt3A_30 = arith.cmpi slt, %select_n3A_24, %lt3A_29 : i32
    %ne3A_31 = arith.xori %lt3A_28, %lt3A_30 : i1
    %and3A_32 = arith.andi %ne3A_31, %ne3A_27 : i1
    %add3A_33 = arith.addi %rem3A_25, %select_n3A_24 : i32
    %select_n3A_34 = arith.select %and3A_32, %add3A_33, %rem3A_25 : i32
    %mul3A_35 = arith.constant 64 : i32
    %mul3A_36 = arith.muli %select_n3A_34, %mul3A_35 : i32
    %multiple_of3A_37 = tpu.assume_multiple %mul3A_36, 64 : i32
    %dma_start3A = arith.constant 0 : i32
    %dma_start3A_38 = tpu.memref_slice %arg2[%dma_start3A, %multiple_of3A] : memref<16x2048xi32, #tpu.memory_space<hbm>> -> memref<16x128xi32, #tpu.memory_space<hbm>>
    %dma_start3A_39 = arith.constant 0 : i32
    %dma_start3A_40 = tpu.memref_slice %arg2[%dma_start3A_39, %multiple_of3A] : memref<16x2048xi32, #tpu.memory_space<hbm>> -> memref<16x128xi32, #tpu.memory_space<hbm>>
    tpu.enqueue_dma source(%dma_start3A_40 : memref<16x128xi32, #tpu.memory_space<hbm>>) target(%arg6 : memref<16x128xi32, #tpu.memory_space<vmem>>) target_semaphore(%arg14 : memref<!tpu.dma_semaphore, #tpu.memory_space<semaphore_mem>>)
    %dma_start3A_41 = arith.constant 0 : i32
    %dma_start3A_42 = tpu.memref_slice %arg4[%mul3A_2, %dma_start3A_41] : memref<2048x128xf32, #tpu.memory_space<hbm>> -> memref<64x128xf32, #tpu.memory_space<hbm>>
    %dma_start3A_43 = arith.constant 0 : i32
    %dma_start3A_44 = tpu.memref_slice %arg4[%mul3A_2, %dma_start3A_43] : memref<2048x128xf32, #tpu.memory_space<hbm>> -> memref<64x128xf32, #tpu.memory_space<hbm>>
    tpu.enqueue_dma source(%dma_start3A_44 : memref<64x128xf32, #tpu.memory_space<hbm>>) target(%arg8 : memref<64x128xf32, #tpu.memory_space<vmem>>) target_semaphore(%arg15 : memref<!tpu.dma_semaphore, #tpu.memory_space<semaphore_mem>>)
    %dma_wait3A = arith.constant 0 : i32
    %dma_wait3A_45 = tpu.memref_slice %arg2[%dma_wait3A, %multiple_of3A] : memref<16x2048xi32, #tpu.memory_space<hbm>> -> memref<16x128xi32, #tpu.memory_space<hbm>>
    %dma_wait3A_46 = arith.constant 0 : i32
    %dma_wait3A_47 = tpu.memref_slice %arg2[%dma_wait3A_46, %multiple_of3A] : memref<16x2048xi32, #tpu.memory_space<hbm>> -> memref<16x128xi32, #tpu.memory_space<hbm>>
    tpu.wait_dma2 semaphore(%arg14 : memref<!tpu.dma_semaphore, #tpu.memory_space<semaphore_mem>>) src(%dma_wait3A_47 : memref<16x128xi32, #tpu.memory_space<hbm>>) dst(%arg6 : memref<16x128xi32, #tpu.memory_space<vmem>>)
    %add3A_48 = arith.constant 0 : i32
    %add3A_49 = arith.addi %multiple_of3A_37, %add3A_48 : i32
    %get3A = arith.constant 0 : i32
    %get3A_50 = arith.index_cast %get3A : i32 to index
    %get3A_51 = arith.index_cast %add3A_49 : i32 to index
    %get3A_52 = tpu.vector_load %arg6[%get3A_50, %get3A_51] {strides = array<i32>} : memref<16x128xi32, #tpu.memory_space<vmem>>, vector<1x16xi32>,
    %get3A_53 = vector.shape_cast %get3A_52 : vector<1x16xi32> to vector<16xi32>
    %swap3A = arith.constant 0 : index
    %swap3A_54 = tpu.vector_load %arg7[%swap3A] {strides = array<i32>} : memref<1024xi32, #tpu.memory_space<vmem>>, vector<16xi32>,
    %swap3A_55 = vector.shape_cast %swap3A_54 : vector<16xi32> to vector<16xi32>
    %swap3A_56 = vector.shape_cast %get3A_53 : vector<16xi32> to vector<16xi32>
    tpu.vector_store %arg7[%swap3A], %swap3A_56 {strides = array<i32>} : memref<1024xi32, #tpu.memory_space<vmem>>, vector<16xi32>,
    %add3A_57 = arith.constant 16 : i32
    %add3A_58 = arith.addi %multiple_of3A_37, %add3A_57 : i32
    %get3A_59 = arith.constant 0 : i32
    %get3A_60 = arith.index_cast %get3A_59 : i32 to index
    %get3A_61 = arith.index_cast %add3A_58 : i32 to index
    %get3A_62 = tpu.vector_load %arg6[%get3A_60, %get3A_61] {strides = array<i32>} : memref<16x128xi32, #tpu.memory_space<vmem>>, vector<1x16xi32>,
    %get3A_63 = vector.shape_cast %get3A_62 : vector<1x16xi32> to vector<16xi32>
    %swap3A_64 = arith.constant 16 : index
    %swap3A_65 = tpu.vector_load %arg7[%swap3A_64] {strides = array<i32>} : memref<1024xi32, #tpu.memory_space<vmem>>, vector<16xi32>,
    %swap3A_66 = vector.shape_cast %swap3A_65 : vector<16xi32> to vector<16xi32>
    %swap3A_67 = vector.shape_cast %get3A_63 : vector<16xi32> to vector<16xi32>
    tpu.vector_store %arg7[%swap3A_64], %swap3A_67 {strides = array<i32>} : memref<1024xi32, #tpu.memory_space<vmem>>, vector<16xi32>,
    %add3A_68 = arith.constant 32 : i32
    %add3A_69 = arith.addi %multiple_of3A_37, %add3A_68 : i32
    %get3A_70 = arith.constant 0 : i32
    %get3A_71 = arith.index_cast %get3A_70 : i32 to index
    %get3A_72 = arith.index_cast %add3A_69 : i32 to index
    %get3A_73 = tpu.vector_load %arg6[%get3A_71, %get3A_72] {strides = array<i32>} : memref<16x128xi32, #tpu.memory_space<vmem>>, vector<1x16xi32>,
    %get3A_74 = vector.shape_cast %get3A_73 : vector<1x16xi32> to vector<16xi32>
    %swap3A_75 = arith.constant 32 : index
    %swap3A_76 = tpu.vector_load %arg7[%swap3A_75] {strides = array<i32>} : memref<1024xi32, #tpu.memory_space<vmem>>, vector<16xi32>,
    %swap3A_77 = vector.shape_cast %swap3A_76 : vector<16xi32> to vector<16xi32>
    %swap3A_78 = vector.shape_cast %get3A_74 : vector<16xi32> to vector<16xi32>
    tpu.vector_store %arg7[%swap3A_75], %swap3A_78 {strides = array<i32>} : memref<1024xi32, #tpu.memory_space<vmem>>, vector<16xi32>,
    %add3A_79 = arith.constant 48 : i32
    %add3A_80 = arith.addi %multiple_of3A_37, %add3A_79 : i32
    %get3A_81 = arith.constant 0 : i32
    %get3A_82 = arith.index_cast %get3A_81 : i32 to index
    %get3A_83 = arith.index_cast %add3A_80 : i32 to index
    %get3A_84 = tpu.vector_load %arg6[%get3A_82, %get3A_83] {strides = array<i32>} : memref<16x128xi32, #tpu.memory_space<vmem>>, vector<1x16xi32>,
    %get3A_85 = vector.shape_cast %get3A_84 : vector<1x16xi32> to vector<16xi32>
    %swap3A_86 = arith.constant 48 : index
    %swap3A_87 = tpu.vector_load %arg7[%swap3A_86] {strides = array<i32>} : memref<1024xi32, #tpu.memory_space<vmem>>, vector<16xi32>,
    %swap3A_88 = vector.shape_cast %swap3A_87 : vector<16xi32> to vector<16xi32>
    %swap3A_89 = vector.shape_cast %get3A_85 : vector<16xi32> to vector<16xi32>
    tpu.vector_store %arg7[%swap3A_86], %swap3A_89 {strides = array<i32>} : memref<1024xi32, #tpu.memory_space<vmem>>, vector<16xi32>,
    %add3A_90 = arith.constant 0 : i32
    %add3A_91 = arith.addi %multiple_of3A_37, %add3A_90 : i32
    %get3A_92 = arith.constant 1 : i32
    %get3A_93 = arith.index_cast %get3A_92 : i32 to index
    %get3A_94 = arith.index_cast %add3A_91 : i32 to index
    %get3A_95 = tpu.vector_load %arg6[%get3A_93, %get3A_94] {strides = array<i32>} : memref<16x128xi32, #tpu.memory_space<vmem>>, vector<1x16xi32>,
    %get3A_96 = vector.shape_cast %get3A_95 : vector<1x16xi32> to vector<16xi32>
    %swap3A_97 = arith.constant 64 : index
    %swap3A_98 = tpu.vector_load %arg7[%swap3A_97] {strides = array<i32>} : memref<1024xi32, #tpu.memory_space<vmem>>, vector<16xi32>,
    %swap3A_99 = vector.shape_cast %swap3A_98 : vector<16xi32> to vector<16xi32>
    %swap3A_100 = vector.shape_cast %get3A_96 : vector<16xi32> to vector<16xi32>
    tpu.vector_store %arg7[%swap3A_97], %swap3A_100 {strides = array<i32>} : memref<1024xi32, #tpu.memory_space<vmem>>, vector<16xi32>,
    %add3A_101 = arith.constant 16 : i32
    %add3A_102 = arith.addi %multiple_of3A_37, %add3A_101 : i32
    %get3A_103 = arith.constant 1 : i32
    %get3A_104 = arith.index_cast %get3A_103 : i32 to index
    %get3A_105 = arith.index_cast %add3A_102 : i32 to index
    %get3A_106 = tpu.vector_load %arg6[%get3A_104, %get3A_105] {strides = array<i32>} : memref<16x128xi32, #tpu.memory_space<vmem>>, vector<1x16xi32>,
    %get3A_107 = vector.shape_cast %get3A_106 : vector<1x16xi32> to vector<16xi32>
    %swap3A_108 = arith.constant 80 : index
    %swap3A_109 = tpu.vector_load %arg7[%swap3A_108] {strides = array<i32>} : memref<1024xi32, #tpu.memory_space<vmem>>, vector<16xi32>,
    %swap3A_110 = vector.shape_cast %swap3A_109 : vector<16xi32> to vector<16xi32>
    %swap3A_111 = vector.shape_cast %get3A_107 : vector<16xi32> to vector<16xi32>
    tpu.vector_store %arg7[%swap3A_108], %swap3A_111 {strides = array<i32>} : memref<1024xi32, #tpu.memory_space<vmem>>, vector<16xi32>,
    %add3A_112 = arith.constant 32 : i32
    %add3A_113 = arith.addi %multiple_of3A_37, %add3A_112 : i32
    %get3A_114 = arith.constant 1 : i32
    %get3A_115 = arith.index_cast %get3A_114 : i32 to index
    %get3A_116 = arith.index_cast %add3A_113 : i32 to index
    %get3A_117 = tpu.vector_load %arg6[%get3A_115, %get3A_116] {strides = array<i32>} : memref<16x128xi32, #tpu.memory_space<vmem>>, vector<1x16xi32>,
    %get3A_118 = vector.shape_cast %get3A_117 : vector<1x16xi32> to vector<16xi32>
    %swap3A_119 = arith.constant 96 : index
    %swap3A_120 = tpu.vector_load %arg7[%swap3A_119] {strides = array<i32>} : memref<1024xi32, #tpu.memory_space<vmem>>, vector<16xi32>,
    %swap3A_121 = vector.shape_cast %swap3A_120 : vector<16xi32> to vector<16xi32>
    %swap3A_122 = vector.shape_cast %get3A_118 : vector<16xi32> to vector<16xi32>
    tpu.vector_store %arg7[%swap3A_119], %swap3A_122 {strides = array<i32>} : memref<1024xi32, #tpu.memory_space<vmem>>, vector<16xi32>,
    %add3A_123 = arith.constant 48 : i32
    %add3A_124 = arith.addi %multiple_of3A_37, %add3A_123 : i32
    %get3A_125 = arith.constant 1 : i32
    %get3A_126 = arith.index_cast %get3A_125 : i32 to index
    %get3A_127 = arith.index_cast %add3A_124 : i32 to index
    %get3A_128 = tpu.vector_load %arg6[%get3A_126, %get3A_127] {strides = array<i32>} : memref<16x128xi32, #tpu.memory_space<vmem>>, vector<1x16xi32>,
    %get3A_129 = vector.shape_cast %get3A_128 : vector<1x16xi32> to vector<16xi32>
    %swap3A_130 = arith.constant 112 : index
    %swap3A_131 = tpu.vector_load %arg7[%swap3A_130] {strides = array<i32>} : memref<1024xi32, #tpu.memory_space<vmem>>, vector<16xi32>,
    %swap3A_132 = vector.shape_cast %swap3A_131 : vector<16xi32> to vector<16xi32>
    %swap3A_133 = vector.shape_cast %get3A_129 : vector<16xi32> to vector<16xi32>
    tpu.vector_store %arg7[%swap3A_130], %swap3A_133 {strides = array<i32>} : memref<1024xi32, #tpu.memory_space<vmem>>, vector<16xi32>,
    %dma_start3A_134 = arith.constant 0 : i32
    %dma_start3A_135 = tpu.memref_slice %arg7[%dma_start3A_134] : memref<1024xi32, #tpu.memory_space<vmem>> -> memref<128xi32, #tpu.memory_space<vmem>>
    %dma_start3A_136 = arith.constant 0 : i32
    %dma_start3A_137 = arith.constant 0 : i32
    %dma_start3A_138 = tpu.memref_slice %arg3[%dma_start3A_136, %dma_start3A_137] : memref<100000x128xf32, #tpu.memory_space<hbm>> -> memref<100000x128xf32, #tpu.memory_space<hbm>>
    tpu.enqueue_indirect_dma source(%dma_start3A_138 : memref<100000x128xf32, #tpu.memory_space<hbm>>) target(%arg9 : memref<128x128xf32, #tpu.memory_space<vmem>>) offsets(%dma_start3A_135 : memref<128xi32, #tpu.memory_space<vmem>>) semaphore(%arg14 : memref<!tpu.dma_semaphore, #tpu.memory_space<semaphore_mem>>)
    %add3A_139 = arith.constant 0 : i32
    %add3A_140 = arith.addi %multiple_of3A_37, %add3A_139 : i32
    %get3A_141 = arith.constant 2 : i32
    %get3A_142 = arith.index_cast %get3A_141 : i32 to index
    %get3A_143 = arith.index_cast %add3A_140 : i32 to index
    %get3A_144 = tpu.vector_load %arg6[%get3A_142, %get3A_143] {strides = array<i32>} : memref<16x128xi32, #tpu.memory_space<vmem>>, vector<1x16xi32>,
    %get3A_145 = vector.shape_cast %get3A_144 : vector<1x16xi32> to vector<16xi32>
    %swap3A_146 = arith.constant 128 : index
    %swap3A_147 = tpu.vector_load %arg7[%swap3A_146] {strides = array<i32>} : memref<1024xi32, #tpu.memory_space<vmem>>, vector<16xi32>,
    %swap3A_148 = vector.shape_cast %swap3A_147 : vector<16xi32> to vector<16xi32>
    %swap3A_149 = vector.shape_cast %get3A_145 : vector<16xi32> to vector<16xi32>
    tpu.vector_store %arg7[%swap3A_146], %swap3A_149 {strides = array<i32>} : memref<1024xi32, #tpu.memory_space<vmem>>, vector<16xi32>,
    %add3A_150 = arith.constant 16 : i32
    %add3A_151 = arith.addi %multiple_of3A_37, %add3A_150 : i32
    %get3A_152 = arith.constant 2 : i32
    %get3A_153 = arith.index_cast %get3A_152 : i32 to index
    %get3A_154 = arith.index_cast %add3A_151 : i32 to index
    %get3A_155 = tpu.vector_load %arg6[%get3A_153, %get3A_154] {strides = array<i32>} : memref<16x128xi32, #tpu.memory_space<vmem>>, vector<1x16xi32>,
    %get3A_156 = vector.shape_cast %get3A_155 : vector<1x16xi32> to vector<16xi32>
    %swap3A_157 = arith.constant 144 : index
    %swap3A_158 = tpu.vector_load %arg7[%swap3A_157] {strides = array<i32>} : memref<1024xi32, #tpu.memory_space<vmem>>, vector<16xi32>,
    %swap3A_159 = vector.shape_cast %swap3A_158 : vector<16xi32> to vector<16xi32>
    %swap3A_160 = vector.shape_cast %get3A_156 : vector<16xi32> to vector<16xi32>
    tpu.vector_store %arg7[%swap3A_157], %swap3A_160 {strides = array<i32>} : memref<1024xi32, #tpu.memory_space<vmem>>, vector<16xi32>,
    %add3A_161 = arith.constant 32 : i32
    %add3A_162 = arith.addi %multiple_of3A_37, %add3A_161 : i32
    %get3A_163 = arith.constant 2 : i32
    %get3A_164 = arith.index_cast %get3A_163 : i32 to index
    %get3A_165 = arith.index_cast %add3A_162 : i32 to index
    %get3A_166 = tpu.vector_load %arg6[%get3A_164, %get3A_165] {strides = array<i32>} : memref<16x128xi32, #tpu.memory_space<vmem>>, vector<1x16xi32>,
    %get3A_167 = vector.shape_cast %get3A_166 : vector<1x16xi32> to vector<16xi32>
    %swap3A_168 = arith.constant 160 : index
    %swap3A_169 = tpu.vector_load %arg7[%swap3A_168] {strides = array<i32>} : memref<1024xi32, #tpu.memory_space<vmem>>, vector<16xi32>,
    %swap3A_170 = vector.shape_cast %swap3A_169 : vector<16xi32> to vector<16xi32>
    %swap3A_171 = vector.shape_cast %get3A_167 : vector<16xi32> to vector<16xi32>
    tpu.vector_store %arg7[%swap3A_168], %swap3A_171 {strides = array<i32>} : memref<1024xi32, #tpu.memory_space<vmem>>, vector<16xi32>,
    %add3A_172 = arith.constant 48 : i32
    %add3A_173 = arith.addi %multiple_of3A_37, %add3A_172 : i32
    %get3A_174 = arith.constant 2 : i32
    %get3A_175 = arith.index_cast %get3A_174 : i32 to index
    %get3A_176 = arith.index_cast %add3A_173 : i32 to index
    %get3A_177 = tpu.vector_load %arg6[%get3A_175, %get3A_176] {strides = array<i32>} : memref<16x128xi32, #tpu.memory_space<vmem>>, vector<1x16xi32>,
    %get3A_178 = vector.shape_cast %get3A_177 : vector<1x16xi32> to vector<16xi32>
    %swap3A_179 = arith.constant 176 : index
    %swap3A_180 = tpu.vector_load %arg7[%swap3A_179] {strides = array<i32>} : memref<1024xi32, #tpu.memory_space<vmem>>, vector<16xi32>,
    %swap3A_181 = vector.shape_cast %swap3A_180 : vector<16xi32> to vector<16xi32>
    %swap3A_182 = vector.shape_cast %get3A_178 : vector<16xi32> to vector<16xi32>
    tpu.vector_store %arg7[%swap3A_179], %swap3A_182 {strides = array<i32>} : memref<1024xi32, #tpu.memory_space<vmem>>, vector<16xi32>,
    %add3A_183 = arith.constant 0 : i32
    %add3A_184 = arith.addi %multiple_of3A_37, %add3A_183 : i32
    %get3A_185 = arith.constant 3 : i32
    %get3A_186 = arith.index_cast %get3A_185 : i32 to index
    %get3A_187 = arith.index_cast %add3A_184 : i32 to index
    %get3A_188 = tpu.vector_load %arg6[%get3A_186, %get3A_187] {strides = array<i32>} : memref<16x128xi32, #tpu.memory_space<vmem>>, vector<1x16xi32>,
    %get3A_189 = vector.shape_cast %get3A_188 : vector<1x16xi32> to vector<16xi32>
    %swap3A_190 = arith.constant 192 : index
    %swap3A_191 = tpu.vector_load %arg7[%swap3A_190] {strides = array<i32>} : memref<1024xi32, #tpu.memory_space<vmem>>, vector<16xi32>,
    %swap3A_192 = vector.shape_cast %swap3A_191 : vector<16xi32> to vector<16xi32>
    %swap3A_193 = vector.shape_cast %get3A_189 : vector<16xi32> to vector<16xi32>
    tpu.vector_store %arg7[%swap3A_190], %swap3A_193 {strides = array<i32>} : memref<1024xi32, #tpu.memory_space<vmem>>, vector<16xi32>,
    %add3A_194 = arith.constant 16 : i32
    %add3A_195 = arith.addi %multiple_of3A_37, %add3A_194 : i32
    %get3A_196 = arith.constant 3 : i32
    %get3A_197 = arith.index_cast %get3A_196 : i32 to index
    %get3A_198 = arith.index_cast %add3A_195 : i32 to index
    %get3A_199 = tpu.vector_load %arg6[%get3A_197, %get3A_198] {strides = array<i32>} : memref<16x128xi32, #tpu.memory_space<vmem>>, vector<1x16xi32>,
    %get3A_200 = vector.shape_cast %get3A_199 : vector<1x16xi32> to vector<16xi32>
    %swap3A_201 = arith.constant 208 : index
    %swap3A_202 = tpu.vector_load %arg7[%swap3A_201] {strides = array<i32>} : memref<1024xi32, #tpu.memory_space<vmem>>, vector<16xi32>,
    %swap3A_203 = vector.shape_cast %swap3A_202 : vector<16xi32> to vector<16xi32>
    %swap3A_204 = vector.shape_cast %get3A_200 : vector<16xi32> to vector<16xi32>
    tpu.vector_store %arg7[%swap3A_201], %swap3A_204 {strides = array<i32>} : memref<1024xi32, #tpu.memory_space<vmem>>, vector<16xi32>,
    %add3A_205 = arith.constant 32 : i32
    %add3A_206 = arith.addi %multiple_of3A_37, %add3A_205 : i32
    %get3A_207 = arith.constant 3 : i32
    %get3A_208 = arith.index_cast %get3A_207 : i32 to index
    %get3A_209 = arith.index_cast %add3A_206 : i32 to index
    %get3A_210 = tpu.vector_load %arg6[%get3A_208, %get3A_209] {strides = array<i32>} : memref<16x128xi32, #tpu.memory_space<vmem>>, vector<1x16xi32>,
    %get3A_211 = vector.shape_cast %get3A_210 : vector<1x16xi32> to vector<16xi32>
    %swap3A_212 = arith.constant 224 : index
    %swap3A_213 = tpu.vector_load %arg7[%swap3A_212] {strides = array<i32>} : memref<1024xi32, #tpu.memory_space<vmem>>, vector<16xi32>,
    %swap3A_214 = vector.shape_cast %swap3A_213 : vector<16xi32> to vector<16xi32>
    %swap3A_215 = vector.shape_cast %get3A_211 : vector<16xi32> to vector<16xi32>
    tpu.vector_store %arg7[%swap3A_212], %swap3A_215 {strides = array<i32>} : memref<1024xi32, #tpu.memory_space<vmem>>, vector<16xi32>,
    %add3A_216 = arith.constant 48 : i32
    %add3A_217 = arith.addi %multiple_of3A_37, %add3A_216 : i32
    %get3A_218 = arith.constant 3 : i32
    %get3A_219 = arith.index_cast %get3A_218 : i32 to index
    %get3A_220 = arith.index_cast %add3A_217 : i32 to index
    %get3A_221 = tpu.vector_load %arg6[%get3A_219, %get3A_220] {strides = array<i32>} : memref<16x128xi32, #tpu.memory_space<vmem>>, vector<1x16xi32>,
    %get3A_222 = vector.shape_cast %get3A_221 : vector<1x16xi32> to vector<16xi32>
    %swap3A_223 = arith.constant 240 : index
    %swap3A_224 = tpu.vector_load %arg7[%swap3A_223] {strides = array<i32>} : memref<1024xi32, #tpu.memory_space<vmem>>, vector<16xi32>,
    %swap3A_225 = vector.shape_cast %swap3A_224 : vector<16xi32> to vector<16xi32>
    %swap3A_226 = vector.shape_cast %get3A_222 : vector<16xi32> to vector<16xi32>
    tpu.vector_store %arg7[%swap3A_223], %swap3A_226 {strides = array<i32>} : memref<1024xi32, #tpu.memory_space<vmem>>, vector<16xi32>,
    %add3A_227 = arith.constant 0 : i32
    %add3A_228 = arith.addi %multiple_of3A_37, %add3A_227 : i32
    %get3A_229 = arith.constant 4 : i32
    %get3A_230 = arith.index_cast %get3A_229 : i32 to index
    %get3A_231 = arith.index_cast %add3A_228 : i32 to index
    %get3A_232 = tpu.vector_load %arg6[%get3A_230, %get3A_231] {strides = array<i32>} : memref<16x128xi32, #tpu.memory_space<vmem>>, vector<1x16xi32>,
    %get3A_233 = vector.shape_cast %get3A_232 : vector<1x16xi32> to vector<16xi32>
    %swap3A_234 = arith.constant 256 : index
    %swap3A_235 = tpu.vector_load %arg7[%swap3A_234] {strides = array<i32>} : memref<1024xi32, #tpu.memory_space<vmem>>, vector<16xi32>,
    %swap3A_236 = vector.shape_cast %swap3A_235 : vector<16xi32> to vector<16xi32>
    %swap3A_237 = vector.shape_cast %get3A_233 : vector<16xi32> to vector<16xi32>
    tpu.vector_store %arg7[%swap3A_234], %swap3A_237 {strides = array<i32>} : memref<1024xi32, #tpu.memory_space<vmem>>, vector<16xi32>,
    %add3A_238 = arith.constant 16 : i32
    %add3A_239 = arith.addi %multiple_of3A_37, %add3A_238 : i32
    %get3A_240 = arith.constant 4 : i32
    %get3A_241 = arith.index_cast %get3A_240 : i32 to index
    %get3A_242 = arith.index_cast %add3A_239 : i32 to index
    %get3A_243 = tpu.vector_load %arg6[%get3A_241, %get3A_242] {strides = array<i32>} : memref<16x128xi32, #tpu.memory_space<vmem>>, vector<1x16xi32>,
    %get3A_244 = vector.shape_cast %get3A_243 : vector<1x16xi32> to vector<16xi32>
    %swap3A_245 = arith.constant 272 : index
    %swap3A_246 = tpu.vector_load %arg7[%swap3A_245] {strides = array<i32>} : memref<1024xi32, #tpu.memory_space<vmem>>, vector<16xi32>,
    %swap3A_247 = vector.shape_cast %swap3A_246 : vector<16xi32> to vector<16xi32>
    %swap3A_248 = vector.shape_cast %get3A_244 : vector<16xi32> to vector<16xi32>
    tpu.vector_store %arg7[%swap3A_245], %swap3A_248 {strides = array<i32>} : memref<1024xi32, #tpu.memory_space<vmem>>, vector<16xi32>,
    %add3A_249 = arith.constant 32 : i32
    %add3A_250 = arith.addi %multiple_of3A_37, %add3A_249 : i32
    %get3A_251 = arith.constant 4 : i32
    %get3A_252 = arith.index_cast %get3A_251 : i32 to index
    %get3A_253 = arith.index_cast %add3A_250 : i32 to index
    %get3A_254 = tpu.vector_load %arg6[%get3A_252, %get3A_253] {strides = array<i32>} : memref<16x128xi32, #tpu.memory_space<vmem>>, vector<1x16xi32>,
    %get3A_255 = vector.shape_cast %get3A_254 : vector<1x16xi32> to vector<16xi32>
    %swap3A_256 = arith.constant 288 : index
    %swap3A_257 = tpu.vector_load %arg7[%swap3A_256] {strides = array<i32>} : memref<1024xi32, #tpu.memory_space<vmem>>, vector<16xi32>,
    %swap3A_258 = vector.shape_cast %swap3A_257 : vector<16xi32> to vector<16xi32>
    %swap3A_259 = vector.shape_cast %get3A_255 : vector<16xi32> to vector<16xi32>
    tpu.vector_store %arg7[%swap3A_256], %swap3A_259 {strides = array<i32>} : memref<1024xi32, #tpu.memory_space<vmem>>, vector<16xi32>,
    %add3A_260 = arith.constant 48 : i32
    %add3A_261 = arith.addi %multiple_of3A_37, %add3A_260 : i32
    %get3A_262 = arith.constant 4 : i32
    %get3A_263 = arith.index_cast %get3A_262 : i32 to index
    %get3A_264 = arith.index_cast %add3A_261 : i32 to index
    %get3A_265 = tpu.vector_load %arg6[%get3A_263, %get3A_264] {strides = array<i32>} : memref<16x128xi32, #tpu.memory_space<vmem>>, vector<1x16xi32>,
    %get3A_266 = vector.shape_cast %get3A_265 : vector<1x16xi32> to vector<16xi32>
    %swap3A_267 = arith.constant 304 : index
    %swap3A_268 = tpu.vector_load %arg7[%swap3A_267] {strides = array<i32>} : memref<1024xi32, #tpu.memory_space<vmem>>, vector<16xi32>,
    %swap3A_269 = vector.shape_cast %swap3A_268 : vector<16xi32> to vector<16xi32>
    %swap3A_270 = vector.shape_cast %get3A_266 : vector<16xi32> to vector<16xi32>
    tpu.vector_store %arg7[%swap3A_267], %swap3A_270 {strides = array<i32>} : memref<1024xi32, #tpu.memory_space<vmem>>, vector<16xi32>,
    %add3A_271 = arith.constant 0 : i32
    %add3A_272 = arith.addi %multiple_of3A_37, %add3A_271 : i32
    %get3A_273 = arith.constant 5 : i32
    %get3A_274 = arith.index_cast %get3A_273 : i32 to index
    %get3A_275 = arith.index_cast %add3A_272 : i32 to index
    %get3A_276 = tpu.vector_load %arg6[%get3A_274, %get3A_275] {strides = array<i32>} : memref<16x128xi32, #tpu.memory_space<vmem>>, vector<1x16xi32>,
    %get3A_277 = vector.shape_cast %get3A_276 : vector<1x16xi32> to vector<16xi32>
    %swap3A_278 = arith.constant 320 : index
    %swap3A_279 = tpu.vector_load %arg7[%swap3A_278] {strides = array<i32>} : memref<1024xi32, #tpu.memory_space<vmem>>, vector<16xi32>,
    %swap3A_280 = vector.shape_cast %swap3A_279 : vector<16xi32> to vector<16xi32>
    %swap3A_281 = vector.shape_cast %get3A_277 : vector<16xi32> to vector<16xi32>
    tpu.vector_store %arg7[%swap3A_278], %swap3A_281 {strides = array<i32>} : memref<1024xi32, #tpu.memory_space<vmem>>, vector<16xi32>,
    %add3A_282 = arith.constant 16 : i32
    %add3A_283 = arith.addi %multiple_of3A_37, %add3A_282 : i32
    %get3A_284 = arith.constant 5 : i32
    %get3A_285 = arith.index_cast %get3A_284 : i32 to index
    %get3A_286 = arith.index_cast %add3A_283 : i32 to index
    %get3A_287 = tpu.vector_load %arg6[%get3A_285, %get3A_286] {strides = array<i32>} : memref<16x128xi32, #tpu.memory_space<vmem>>, vector<1x16xi32>,
    %get3A_288 = vector.shape_cast %get3A_287 : vector<1x16xi32> to vector<16xi32>
    %swap3A_289 = arith.constant 336 : index
    %swap3A_290 = tpu.vector_load %arg7[%swap3A_289] {strides = array<i32>} : memref<1024xi32, #tpu.memory_space<vmem>>, vector<16xi32>,
    %swap3A_291 = vector.shape_cast %swap3A_290 : vector<16xi32> to vector<16xi32>
    %swap3A_292 = vector.shape_cast %get3A_288 : vector<16xi32> to vector<16xi32>
    tpu.vector_store %arg7[%swap3A_289], %swap3A_292 {strides = array<i32>} : memref<1024xi32, #tpu.memory_space<vmem>>, vector<16xi32>,
    %add3A_293 = arith.constant 32 : i32
    %add3A_294 = arith.addi %multiple_of3A_37, %add3A_293 : i32
    %get3A_295 = arith.constant 5 : i32
    %get3A_296 = arith.index_cast %get3A_295 : i32 to index
    %get3A_297 = arith.index_cast %add3A_294 : i32 to index
    %get3A_298 = tpu.vector_load %arg6[%get3A_296, %get3A_297] {strides = array<i32>} : memref<16x128xi32, #tpu.memory_space<vmem>>, vector<1x16xi32>,
    %get3A_299 = vector.shape_cast %get3A_298 : vector<1x16xi32> to vector<16xi32>
    %swap3A_300 = arith.constant 352 : index
    %swap3A_301 = tpu.vector_load %arg7[%swap3A_300] {strides = array<i32>} : memref<1024xi32, #tpu.memory_space<vmem>>, vector<16xi32>,
    %swap3A_302 = vector.shape_cast %swap3A_301 : vector<16xi32> to vector<16xi32>
    %swap3A_303 = vector.shape_cast %get3A_299 : vector<16xi32> to vector<16xi32>
    tpu.vector_store %arg7[%swap3A_300], %swap3A_303 {strides = array<i32>} : memref<1024xi32, #tpu.memory_space<vmem>>, vector<16xi32>,
    %add3A_304 = arith.constant 48 : i32
    %add3A_305 = arith.addi %multiple_of3A_37, %add3A_304 : i32
    %get3A_306 = arith.constant 5 : i32
    %get3A_307 = arith.index_cast %get3A_306 : i32 to index
    %get3A_308 = arith.index_cast %add3A_305 : i32 to index
    %get3A_309 = tpu.vector_load %arg6[%get3A_307, %get3A_308] {strides = array<i32>} : memref<16x128xi32, #tpu.memory_space<vmem>>, vector<1x16xi32>,
    %get3A_310 = vector.shape_cast %get3A_309 : vector<1x16xi32> to vector<16xi32>
    %swap3A_311 = arith.constant 368 : index
    %swap3A_312 = tpu.vector_load %arg7[%swap3A_311] {strides = array<i32>} : memref<1024xi32, #tpu.memory_space<vmem>>, vector<16xi32>,
    %swap3A_313 = vector.shape_cast %swap3A_312 : vector<16xi32> to vector<16xi32>
    %swap3A_314 = vector.shape_cast %get3A_310 : vector<16xi32> to vector<16xi32>
    tpu.vector_store %arg7[%swap3A_311], %swap3A_314 {strides = array<i32>} : memref<1024xi32, #tpu.memory_space<vmem>>, vector<16xi32>,
    %add3A_315 = arith.constant 0 : i32
    %add3A_316 = arith.addi %multiple_of3A_37, %add3A_315 : i32
    %get3A_317 = arith.constant 6 : i32
    %get3A_318 = arith.index_cast %get3A_317 : i32 to index
    %get3A_319 = arith.index_cast %add3A_316 : i32 to index
    %get3A_320 = tpu.vector_load %arg6[%get3A_318, %get3A_319] {strides = array<i32>} : memref<16x128xi32, #tpu.memory_space<vmem>>, vector<1x16xi32>,
    %get3A_321 = vector.shape_cast %get3A_320 : vector<1x16xi32> to vector<16xi32>
    %swap3A_322 = arith.constant 384 : index
    %swap3A_323 = tpu.vector_load %arg7[%swap3A_322] {strides = array<i32>} : memref<1024xi32, #tpu.memory_space<vmem>>, vector<16xi32>,
    %swap3A_324 = vector.shape_cast %swap3A_323 : vector<16xi32> to vector<16xi32>
    %swap3A_325 = vector.shape_cast %get3A_321 : vector<16xi32> to vector<16xi32>
    tpu.vector_store %arg7[%swap3A_322], %swap3A_325 {strides = array<i32>} : memref<1024xi32, #tpu.memory_space<vmem>>, vector<16xi32>,
    %add3A_326 = arith.constant 16 : i32
    %add3A_327 = arith.addi %multiple_of3A_37, %add3A_326 : i32
    %get3A_328 = arith.constant 6 : i32
    %get3A_329 = arith.index_cast %get3A_328 : i32 to index
    %get3A_330 = arith.index_cast %add3A_327 : i32 to index
    %get3A_331 = tpu.vector_load %arg6[%get3A_329, %get3A_330] {strides = array<i32>} : memref<16x128xi32, #tpu.memory_space<vmem>>, vector<1x16xi32>,
    %get3A_332 = vector.shape_cast %get3A_331 : vector<1x16xi32> to vector<16xi32>
    %swap3A_333 = arith.constant 400 : index
    %swap3A_334 = tpu.vector_load %arg7[%swap3A_333] {strides = array<i32>} : memref<1024xi32, #tpu.memory_space<vmem>>, vector<16xi32>,
    %swap3A_335 = vector.shape_cast %swap3A_334 : vector<16xi32> to vector<16xi32>
    %swap3A_336 = vector.shape_cast %get3A_332 : vector<16xi32> to vector<16xi32>
    tpu.vector_store %arg7[%swap3A_333], %swap3A_336 {strides = array<i32>} : memref<1024xi32, #tpu.memory_space<vmem>>, vector<16xi32>,
    %add3A_337 = arith.constant 32 : i32
    %add3A_338 = arith.addi %multiple_of3A_37, %add3A_337 : i32
    %get3A_339 = arith.constant 6 : i32
    %get3A_340 = arith.index_cast %get3A_339 : i32 to index
    %get3A_341 = arith.index_cast %add3A_338 : i32 to index
    %get3A_342 = tpu.vector_load %arg6[%get3A_340, %get3A_341] {strides = array<i32>} : memref<16x128xi32, #tpu.memory_space<vmem>>, vector<1x16xi32>,
    %get3A_343 = vector.shape_cast %get3A_342 : vector<1x16xi32> to vector<16xi32>
    %swap3A_344 = arith.constant 416 : index
    %swap3A_345 = tpu.vector_load %arg7[%swap3A_344] {strides = array<i32>} : memref<1024xi32, #tpu.memory_space<vmem>>, vector<16xi32>,
    %swap3A_346 = vector.shape_cast %swap3A_345 : vector<16xi32> to vector<16xi32>
    %swap3A_347 = vector.shape_cast %get3A_343 : vector<16xi32> to vector<16xi32>
    tpu.vector_store %arg7[%swap3A_344], %swap3A_347 {strides = array<i32>} : memref<1024xi32, #tpu.memory_space<vmem>>, vector<16xi32>,
    %add3A_348 = arith.constant 48 : i32
    %add3A_349 = arith.addi %multiple_of3A_37, %add3A_348 : i32
    %get3A_350 = arith.constant 6 : i32
    %get3A_351 = arith.index_cast %get3A_350 : i32 to index
    %get3A_352 = arith.index_cast %add3A_349 : i32 to index
    %get3A_353 = tpu.vector_load %arg6[%get3A_351, %get3A_352] {strides = array<i32>} : memref<16x128xi32, #tpu.memory_space<vmem>>, vector<1x16xi32>,
    %get3A_354 = vector.shape_cast %get3A_353 : vector<1x16xi32> to vector<16xi32>
    %swap3A_355 = arith.constant 432 : index
    %swap3A_356 = tpu.vector_load %arg7[%swap3A_355] {strides = array<i32>} : memref<1024xi32, #tpu.memory_space<vmem>>, vector<16xi32>,
    %swap3A_357 = vector.shape_cast %swap3A_356 : vector<16xi32> to vector<16xi32>
    %swap3A_358 = vector.shape_cast %get3A_354 : vector<16xi32> to vector<16xi32>
    tpu.vector_store %arg7[%swap3A_355], %swap3A_358 {strides = array<i32>} : memref<1024xi32, #tpu.memory_space<vmem>>, vector<16xi32>,
    %add3A_359 = arith.constant 0 : i32
    %add3A_360 = arith.addi %multiple_of3A_37, %add3A_359 : i32
    %get3A_361 = arith.constant 7 : i32
    %get3A_362 = arith.index_cast %get3A_361 : i32 to index
    %get3A_363 = arith.index_cast %add3A_360 : i32 to index
    %get3A_364 = tpu.vector_load %arg6[%get3A_362, %get3A_363] {strides = array<i32>} : memref<16x128xi32, #tpu.memory_space<vmem>>, vector<1x16xi32>,
    %get3A_365 = vector.shape_cast %get3A_364 : vector<1x16xi32> to vector<16xi32>
    %swap3A_366 = arith.constant 448 : index
    %swap3A_367 = tpu.vector_load %arg7[%swap3A_366] {strides = array<i32>} : memref<1024xi32, #tpu.memory_space<vmem>>, vector<16xi32>,
    %swap3A_368 = vector.shape_cast %swap3A_367 : vector<16xi32> to vector<16xi32>
    %swap3A_369 = vector.shape_cast %get3A_365 : vector<16xi32> to vector<16xi32>
    tpu.vector_store %arg7[%swap3A_366], %swap3A_369 {strides = array<i32>} : memref<1024xi32, #tpu.memory_space<vmem>>, vector<16xi32>,
    %add3A_370 = arith.constant 16 : i32
    %add3A_371 = arith.addi %multiple_of3A_37, %add3A_370 : i32
    %get3A_372 = arith.constant 7 : i32
    %get3A_373 = arith.index_cast %get3A_372 : i32 to index
    %get3A_374 = arith.index_cast %add3A_371 : i32 to index
    %get3A_375 = tpu.vector_load %arg6[%get3A_373, %get3A_374] {strides = array<i32>} : memref<16x128xi32, #tpu.memory_space<vmem>>, vector<1x16xi32>,
    %get3A_376 = vector.shape_cast %get3A_375 : vector<1x16xi32> to vector<16xi32>
    %swap3A_377 = arith.constant 464 : index
    %swap3A_378 = tpu.vector_load %arg7[%swap3A_377] {strides = array<i32>} : memref<1024xi32, #tpu.memory_space<vmem>>, vector<16xi32>,
    %swap3A_379 = vector.shape_cast %swap3A_378 : vector<16xi32> to vector<16xi32>
    %swap3A_380 = vector.shape_cast %get3A_376 : vector<16xi32> to vector<16xi32>
    tpu.vector_store %arg7[%swap3A_377], %swap3A_380 {strides = array<i32>} : memref<1024xi32, #tpu.memory_space<vmem>>, vector<16xi32>,
    %add3A_381 = arith.constant 32 : i32
    %add3A_382 = arith.addi %multiple_of3A_37, %add3A_381 : i32
    %get3A_383 = arith.constant 7 : i32
    %get3A_384 = arith.index_cast %get3A_383 : i32 to index
    %get3A_385 = arith.index_cast %add3A_382 : i32 to index
    %get3A_386 = tpu.vector_load %arg6[%get3A_384, %get3A_385] {strides = array<i32>} : memref<16x128xi32, #tpu.memory_space<vmem>>, vector<1x16xi32>,
    %get3A_387 = vector.shape_cast %get3A_386 : vector<1x16xi32> to vector<16xi32>
    %swap3A_388 = arith.constant 480 : index
    %swap3A_389 = tpu.vector_load %arg7[%swap3A_388] {strides = array<i32>} : memref<1024xi32, #tpu.memory_space<vmem>>, vector<16xi32>,
    %swap3A_390 = vector.shape_cast %swap3A_389 : vector<16xi32> to vector<16xi32>
    %swap3A_391 = vector.shape_cast %get3A_387 : vector<16xi32> to vector<16xi32>
    tpu.vector_store %arg7[%swap3A_388], %swap3A_391 {strides = array<i32>} : memref<1024xi32, #tpu.memory_space<vmem>>, vector<16xi32>,
    %add3A_392 = arith.constant 48 : i32
    %add3A_393 = arith.addi %multiple_of3A_37, %add3A_392 : i32
    %get3A_394 = arith.constant 7 : i32
    %get3A_395 = arith.index_cast %get3A_394 : i32 to index
    %get3A_396 = arith.index_cast %add3A_393 : i32 to index
    %get3A_397 = tpu.vector_load %arg6[%get3A_395, %get3A_396] {strides = array<i32>} : memref<16x128xi32, #tpu.memory_space<vmem>>, vector<1x16xi32>,
    %get3A_398 = vector.shape_cast %get3A_397 : vector<1x16xi32> to vector<16xi32>
    %swap3A_399 = arith.constant 496 : index
    %swap3A_400 = tpu.vector_load %arg7[%swap3A_399] {strides = array<i32>} : memref<1024xi32, #tpu.memory_space<vmem>>, vector<16xi32>,
    %swap3A_401 = vector.shape_cast %swap3A_400 : vector<16xi32> to vector<16xi32>
    %swap3A_402 = vector.shape_cast %get3A_398 : vector<16xi32> to vector<16xi32>
    tpu.vector_store %arg7[%swap3A_399], %swap3A_402 {strides = array<i32>} : memref<1024xi32, #tpu.memory_space<vmem>>, vector<16xi32>,
    %add3A_403 = arith.constant 0 : i32
    %add3A_404 = arith.addi %multiple_of3A_37, %add3A_403 : i32
    %get3A_405 = arith.constant 8 : i32
    %get3A_406 = arith.index_cast %get3A_405 : i32 to index
    %get3A_407 = arith.index_cast %add3A_404 : i32 to index
    %get3A_408 = tpu.vector_load %arg6[%get3A_406, %get3A_407] {strides = array<i32>} : memref<16x128xi32, #tpu.memory_space<vmem>>, vector<1x16xi32>,
    %get3A_409 = vector.shape_cast %get3A_408 : vector<1x16xi32> to vector<16xi32>
    %swap3A_410 = arith.constant 512 : index
    %swap3A_411 = tpu.vector_load %arg7[%swap3A_410] {strides = array<i32>} : memref<1024xi32, #tpu.memory_space<vmem>>, vector<16xi32>,
    %swap3A_412 = vector.shape_cast %swap3A_411 : vector<16xi32> to vector<16xi32>
    %swap3A_413 = vector.shape_cast %get3A_409 : vector<16xi32> to vector<16xi32>
    tpu.vector_store %arg7[%swap3A_410], %swap3A_413 {strides = array<i32>} : memref<1024xi32, #tpu.memory_space<vmem>>, vector<16xi32>,
    %add3A_414 = arith.constant 16 : i32
    %add3A_415 = arith.addi %multiple_of3A_37, %add3A_414 : i32
    %get3A_416 = arith.constant 8 : i32
    %get3A_417 = arith.index_cast %get3A_416 : i32 to index
    %get3A_418 = arith.index_cast %add3A_415 : i32 to index
    %get3A_419 = tpu.vector_load %arg6[%get3A_417, %get3A_418] {strides = array<i32>} : memref<16x128xi32, #tpu.memory_space<vmem>>, vector<1x16xi32>,
    %get3A_420 = vector.shape_cast %get3A_419 : vector<1x16xi32> to vector<16xi32>
    %swap3A_421 = arith.constant 528 : index
    %swap3A_422 = tpu.vector_load %arg7[%swap3A_421] {strides = array<i32>} : memref<1024xi32, #tpu.memory_space<vmem>>, vector<16xi32>,
    %swap3A_423 = vector.shape_cast %swap3A_422 : vector<16xi32> to vector<16xi32>
    %swap3A_424 = vector.shape_cast %get3A_420 : vector<16xi32> to vector<16xi32>
    tpu.vector_store %arg7[%swap3A_421], %swap3A_424 {strides = array<i32>} : memref<1024xi32, #tpu.memory_space<vmem>>, vector<16xi32>,
    %add3A_425 = arith.constant 32 : i32
    %add3A_426 = arith.addi %multiple_of3A_37, %add3A_425 : i32
    %get3A_427 = arith.constant 8 : i32
    %get3A_428 = arith.index_cast %get3A_427 : i32 to index
    %get3A_429 = arith.index_cast %add3A_426 : i32 to index
    %get3A_430 = tpu.vector_load %arg6[%get3A_428, %get3A_429] {strides = array<i32>} : memref<16x128xi32, #tpu.memory_space<vmem>>, vector<1x16xi32>,
    %get3A_431 = vector.shape_cast %get3A_430 : vector<1x16xi32> to vector<16xi32>
    %swap3A_432 = arith.constant 544 : index
    %swap3A_433 = tpu.vector_load %arg7[%swap3A_432] {strides = array<i32>} : memref<1024xi32, #tpu.memory_space<vmem>>, vector<16xi32>,
    %swap3A_434 = vector.shape_cast %swap3A_433 : vector<16xi32> to vector<16xi32>
    %swap3A_435 = vector.shape_cast %get3A_431 : vector<16xi32> to vector<16xi32>
    tpu.vector_store %arg7[%swap3A_432], %swap3A_435 {strides = array<i32>} : memref<1024xi32, #tpu.memory_space<vmem>>, vector<16xi32>,
    %add3A_436 = arith.constant 48 : i32
    %add3A_437 = arith.addi %multiple_of3A_37, %add3A_436 : i32
    %get3A_438 = arith.constant 8 : i32
    %get3A_439 = arith.index_cast %get3A_438 : i32 to index
    %get3A_440 = arith.index_cast %add3A_437 : i32 to index
    %get3A_441 = tpu.vector_load %arg6[%get3A_439, %get3A_440] {strides = array<i32>} : memref<16x128xi32, #tpu.memory_space<vmem>>, vector<1x16xi32>,
    %get3A_442 = vector.shape_cast %get3A_441 : vector<1x16xi32> to vector<16xi32>
    %swap3A_443 = arith.constant 560 : index
    %swap3A_444 = tpu.vector_load %arg7[%swap3A_443] {strides = array<i32>} : memref<1024xi32, #tpu.memory_space<vmem>>, vector<16xi32>,
    %swap3A_445 = vector.shape_cast %swap3A_444 : vector<16xi32> to vector<16xi32>
    %swap3A_446 = vector.shape_cast %get3A_442 : vector<16xi32> to vector<16xi32>
    tpu.vector_store %arg7[%swap3A_443], %swap3A_446 {strides = array<i32>} : memref<1024xi32, #tpu.memory_space<vmem>>, vector<16xi32>,
    %add3A_447 = arith.constant 0 : i32
    %add3A_448 = arith.addi %multiple_of3A_37, %add3A_447 : i32
    %get3A_449 = arith.constant 9 : i32
    %get3A_450 = arith.index_cast %get3A_449 : i32 to index
    %get3A_451 = arith.index_cast %add3A_448 : i32 to index
    %get3A_452 = tpu.vector_load %arg6[%get3A_450, %get3A_451] {strides = array<i32>} : memref<16x128xi32, #tpu.memory_space<vmem>>, vector<1x16xi32>,
    %get3A_453 = vector.shape_cast %get3A_452 : vector<1x16xi32> to vector<16xi32>
    %swap3A_454 = arith.constant 576 : index
    %swap3A_455 = tpu.vector_load %arg7[%swap3A_454] {strides = array<i32>} : memref<1024xi32, #tpu.memory_space<vmem>>, vector<16xi32>,
    %swap3A_456 = vector.shape_cast %swap3A_455 : vector<16xi32> to vector<16xi32>
    %swap3A_457 = vector.shape_cast %get3A_453 : vector<16xi32> to vector<16xi32>
    tpu.vector_store %arg7[%swap3A_454], %swap3A_457 {strides = array<i32>} : memref<1024xi32, #tpu.memory_space<vmem>>, vector<16xi32>,
    %add3A_458 = arith.constant 16 : i32
    %add3A_459 = arith.addi %multiple_of3A_37, %add3A_458 : i32
    %get3A_460 = arith.constant 9 : i32
    %get3A_461 = arith.index_cast %get3A_460 : i32 to index
    %get3A_462 = arith.index_cast %add3A_459 : i32 to index
    %get3A_463 = tpu.vector_load %arg6[%get3A_461, %get3A_462] {strides = array<i32>} : memref<16x128xi32, #tpu.memory_space<vmem>>, vector<1x16xi32>,
    %get3A_464 = vector.shape_cast %get3A_463 : vector<1x16xi32> to vector<16xi32>
    %swap3A_465 = arith.constant 592 : index
    %swap3A_466 = tpu.vector_load %arg7[%swap3A_465] {strides = array<i32>} : memref<1024xi32, #tpu.memory_space<vmem>>, vector<16xi32>,
    %swap3A_467 = vector.shape_cast %swap3A_466 : vector<16xi32> to vector<16xi32>
    %swap3A_468 = vector.shape_cast %get3A_464 : vector<16xi32> to vector<16xi32>
    tpu.vector_store %arg7[%swap3A_465], %swap3A_468 {strides = array<i32>} : memref<1024xi32, #tpu.memory_space<vmem>>, vector<16xi32>,
    %add3A_469 = arith.constant 32 : i32
    %add3A_470 = arith.addi %multiple_of3A_37, %add3A_469 : i32
    %get3A_471 = arith.constant 9 : i32
    %get3A_472 = arith.index_cast %get3A_471 : i32 to index
    %get3A_473 = arith.index_cast %add3A_470 : i32 to index
    %get3A_474 = tpu.vector_load %arg6[%get3A_472, %get3A_473] {strides = array<i32>} : memref<16x128xi32, #tpu.memory_space<vmem>>, vector<1x16xi32>,
    %get3A_475 = vector.shape_cast %get3A_474 : vector<1x16xi32> to vector<16xi32>
    %swap3A_476 = arith.constant 608 : index
    %swap3A_477 = tpu.vector_load %arg7[%swap3A_476] {strides = array<i32>} : memref<1024xi32, #tpu.memory_space<vmem>>, vector<16xi32>,
    %swap3A_478 = vector.shape_cast %swap3A_477 : vector<16xi32> to vector<16xi32>
    %swap3A_479 = vector.shape_cast %get3A_475 : vector<16xi32> to vector<16xi32>
    tpu.vector_store %arg7[%swap3A_476], %swap3A_479 {strides = array<i32>} : memref<1024xi32, #tpu.memory_space<vmem>>, vector<16xi32>,
    %add3A_480 = arith.constant 48 : i32
    %add3A_481 = arith.addi %multiple_of3A_37, %add3A_480 : i32
    %get3A_482 = arith.constant 9 : i32
    %get3A_483 = arith.index_cast %get3A_482 : i32 to index
    %get3A_484 = arith.index_cast %add3A_481 : i32 to index
    %get3A_485 = tpu.vector_load %arg6[%get3A_483, %get3A_484] {strides = array<i32>} : memref<16x128xi32, #tpu.memory_space<vmem>>, vector<1x16xi32>,
    %get3A_486 = vector.shape_cast %get3A_485 : vector<1x16xi32> to vector<16xi32>
    %swap3A_487 = arith.constant 624 : index
    %swap3A_488 = tpu.vector_load %arg7[%swap3A_487] {strides = array<i32>} : memref<1024xi32, #tpu.memory_space<vmem>>, vector<16xi32>,
    %swap3A_489 = vector.shape_cast %swap3A_488 : vector<16xi32> to vector<16xi32>
    %swap3A_490 = vector.shape_cast %get3A_486 : vector<16xi32> to vector<16xi32>
    tpu.vector_store %arg7[%swap3A_487], %swap3A_490 {strides = array<i32>} : memref<1024xi32, #tpu.memory_space<vmem>>, vector<16xi32>,
    %add3A_491 = arith.constant 0 : i32
    %add3A_492 = arith.addi %multiple_of3A_37, %add3A_491 : i32
    %get3A_493 = arith.constant 10 : i32
    %get3A_494 = arith.index_cast %get3A_493 : i32 to index
    %get3A_495 = arith.index_cast %add3A_492 : i32 to index
    %get3A_496 = tpu.vector_load %arg6[%get3A_494, %get3A_495] {strides = array<i32>} : memref<16x128xi32, #tpu.memory_space<vmem>>, vector<1x16xi32>,
    %get3A_497 = vector.shape_cast %get3A_496 : vector<1x16xi32> to vector<16xi32>
    %swap3A_498 = arith.constant 640 : index
    %swap3A_499 = tpu.vector_load %arg7[%swap3A_498] {strides = array<i32>} : memref<1024xi32, #tpu.memory_space<vmem>>, vector<16xi32>,
    %swap3A_500 = vector.shape_cast %swap3A_499 : vector<16xi32> to vector<16xi32>
    %swap3A_501 = vector.shape_cast %get3A_497 : vector<16xi32> to vector<16xi32>
    tpu.vector_store %arg7[%swap3A_498], %swap3A_501 {strides = array<i32>} : memref<1024xi32, #tpu.memory_space<vmem>>, vector<16xi32>,
    %add3A_502 = arith.constant 16 : i32
    %add3A_503 = arith.addi %multiple_of3A_37, %add3A_502 : i32
    %get3A_504 = arith.constant 10 : i32
    %get3A_505 = arith.index_cast %get3A_504 : i32 to index
    %get3A_506 = arith.index_cast %add3A_503 : i32 to index
    %get3A_507 = tpu.vector_load %arg6[%get3A_505, %get3A_506] {strides = array<i32>} : memref<16x128xi32, #tpu.memory_space<vmem>>, vector<1x16xi32>,
    %get3A_508 = vector.shape_cast %get3A_507 : vector<1x16xi32> to vector<16xi32>
    %swap3A_509 = arith.constant 656 : index
    %swap3A_510 = tpu.vector_load %arg7[%swap3A_509] {strides = array<i32>} : memref<1024xi32, #tpu.memory_space<vmem>>, vector<16xi32>,
    %swap3A_511 = vector.shape_cast %swap3A_510 : vector<16xi32> to vector<16xi32>
    %swap3A_512 = vector.shape_cast %get3A_508 : vector<16xi32> to vector<16xi32>
    tpu.vector_store %arg7[%swap3A_509], %swap3A_512 {strides = array<i32>} : memref<1024xi32, #tpu.memory_space<vmem>>, vector<16xi32>,
    %add3A_513 = arith.constant 32 : i32
    %add3A_514 = arith.addi %multiple_of3A_37, %add3A_513 : i32
    %get3A_515 = arith.constant 10 : i32
    %get3A_516 = arith.index_cast %get3A_515 : i32 to index
    %get3A_517 = arith.index_cast %add3A_514 : i32 to index
    %get3A_518 = tpu.vector_load %arg6[%get3A_516, %get3A_517] {strides = array<i32>} : memref<16x128xi32, #tpu.memory_space<vmem>>, vector<1x16xi32>,
    %get3A_519 = vector.shape_cast %get3A_518 : vector<1x16xi32> to vector<16xi32>
    %swap3A_520 = arith.constant 672 : index
    %swap3A_521 = tpu.vector_load %arg7[%swap3A_520] {strides = array<i32>} : memref<1024xi32, #tpu.memory_space<vmem>>, vector<16xi32>,
    %swap3A_522 = vector.shape_cast %swap3A_521 : vector<16xi32> to vector<16xi32>
    %swap3A_523 = vector.shape_cast %get3A_519 : vector<16xi32> to vector<16xi32>
    tpu.vector_store %arg7[%swap3A_520], %swap3A_523 {strides = array<i32>} : memref<1024xi32, #tpu.memory_space<vmem>>, vector<16xi32>,
    %add3A_524 = arith.constant 48 : i32
    %add3A_525 = arith.addi %multiple_of3A_37, %add3A_524 : i32
    %get3A_526 = arith.constant 10 : i32
    %get3A_527 = arith.index_cast %get3A_526 : i32 to index
    %get3A_528 = arith.index_cast %add3A_525 : i32 to index
    %get3A_529 = tpu.vector_load %arg6[%get3A_527, %get3A_528] {strides = array<i32>} : memref<16x128xi32, #tpu.memory_space<vmem>>, vector<1x16xi32>,
    %get3A_530 = vector.shape_cast %get3A_529 : vector<1x16xi32> to vector<16xi32>
    %swap3A_531 = arith.constant 688 : index
    %swap3A_532 = tpu.vector_load %arg7[%swap3A_531] {strides = array<i32>} : memref<1024xi32, #tpu.memory_space<vmem>>, vector<16xi32>,
    %swap3A_533 = vector.shape_cast %swap3A_532 : vector<16xi32> to vector<16xi32>
    %swap3A_534 = vector.shape_cast %get3A_530 : vector<16xi32> to vector<16xi32>
    tpu.vector_store %arg7[%swap3A_531], %swap3A_534 {strides = array<i32>} : memref<1024xi32, #tpu.memory_space<vmem>>, vector<16xi32>,
    %add3A_535 = arith.constant 0 : i32
    %add3A_536 = arith.addi %multiple_of3A_37, %add3A_535 : i32
    %get3A_537 = arith.constant 11 : i32
    %get3A_538 = arith.index_cast %get3A_537 : i32 to index
    %get3A_539 = arith.index_cast %add3A_536 : i32 to index
    %get3A_540 = tpu.vector_load %arg6[%get3A_538, %get3A_539] {strides = array<i32>} : memref<16x128xi32, #tpu.memory_space<vmem>>, vector<1x16xi32>,
    %get3A_541 = vector.shape_cast %get3A_540 : vector<1x16xi32> to vector<16xi32>
    %swap3A_542 = arith.constant 704 : index
    %swap3A_543 = tpu.vector_load %arg7[%swap3A_542] {strides = array<i32>} : memref<1024xi32, #tpu.memory_space<vmem>>, vector<16xi32>,
    %swap3A_544 = vector.shape_cast %swap3A_543 : vector<16xi32> to vector<16xi32>
    %swap3A_545 = vector.shape_cast %get3A_541 : vector<16xi32> to vector<16xi32>
    tpu.vector_store %arg7[%swap3A_542], %swap3A_545 {strides = array<i32>} : memref<1024xi32, #tpu.memory_space<vmem>>, vector<16xi32>,
    %add3A_546 = arith.constant 16 : i32
    %add3A_547 = arith.addi %multiple_of3A_37, %add3A_546 : i32
    %get3A_548 = arith.constant 11 : i32
    %get3A_549 = arith.index_cast %get3A_548 : i32 to index
    %get3A_550 = arith.index_cast %add3A_547 : i32 to index
    %get3A_551 = tpu.vector_load %arg6[%get3A_549, %get3A_550] {strides = array<i32>} : memref<16x128xi32, #tpu.memory_space<vmem>>, vector<1x16xi32>,
    %get3A_552 = vector.shape_cast %get3A_551 : vector<1x16xi32> to vector<16xi32>
    %swap3A_553 = arith.constant 720 : index
    %swap3A_554 = tpu.vector_load %arg7[%swap3A_553] {strides = array<i32>} : memref<1024xi32, #tpu.memory_space<vmem>>, vector<16xi32>,
    %swap3A_555 = vector.shape_cast %swap3A_554 : vector<16xi32> to vector<16xi32>
    %swap3A_556 = vector.shape_cast %get3A_552 : vector<16xi32> to vector<16xi32>
    tpu.vector_store %arg7[%swap3A_553], %swap3A_556 {strides = array<i32>} : memref<1024xi32, #tpu.memory_space<vmem>>, vector<16xi32>,
    %add3A_557 = arith.constant 32 : i32
    %add3A_558 = arith.addi %multiple_of3A_37, %add3A_557 : i32
    %get3A_559 = arith.constant 11 : i32
    %get3A_560 = arith.index_cast %get3A_559 : i32 to index
    %get3A_561 = arith.index_cast %add3A_558 : i32 to index
    %get3A_562 = tpu.vector_load %arg6[%get3A_560, %get3A_561] {strides = array<i32>} : memref<16x128xi32, #tpu.memory_space<vmem>>, vector<1x16xi32>,
    %get3A_563 = vector.shape_cast %get3A_562 : vector<1x16xi32> to vector<16xi32>
    %swap3A_564 = arith.constant 736 : index
    %swap3A_565 = tpu.vector_load %arg7[%swap3A_564] {strides = array<i32>} : memref<1024xi32, #tpu.memory_space<vmem>>, vector<16xi32>,
    %swap3A_566 = vector.shape_cast %swap3A_565 : vector<16xi32> to vector<16xi32>
    %swap3A_567 = vector.shape_cast %get3A_563 : vector<16xi32> to vector<16xi32>
    tpu.vector_store %arg7[%swap3A_564], %swap3A_567 {strides = array<i32>} : memref<1024xi32, #tpu.memory_space<vmem>>, vector<16xi32>,
    %add3A_568 = arith.constant 48 : i32
    %add3A_569 = arith.addi %multiple_of3A_37, %add3A_568 : i32
    %get3A_570 = arith.constant 11 : i32
    %get3A_571 = arith.index_cast %get3A_570 : i32 to index
    %get3A_572 = arith.index_cast %add3A_569 : i32 to index
    %get3A_573 = tpu.vector_load %arg6[%get3A_571, %get3A_572] {strides = array<i32>} : memref<16x128xi32, #tpu.memory_space<vmem>>, vector<1x16xi32>,
    %get3A_574 = vector.shape_cast %get3A_573 : vector<1x16xi32> to vector<16xi32>
    %swap3A_575 = arith.constant 752 : index
    %swap3A_576 = tpu.vector_load %arg7[%swap3A_575] {strides = array<i32>} : memref<1024xi32, #tpu.memory_space<vmem>>, vector<16xi32>,
    %swap3A_577 = vector.shape_cast %swap3A_576 : vector<16xi32> to vector<16xi32>
    %swap3A_578 = vector.shape_cast %get3A_574 : vector<16xi32> to vector<16xi32>
    tpu.vector_store %arg7[%swap3A_575], %swap3A_578 {strides = array<i32>} : memref<1024xi32, #tpu.memory_space<vmem>>, vector<16xi32>,
    %add3A_579 = arith.constant 0 : i32
    %add3A_580 = arith.addi %multiple_of3A_37, %add3A_579 : i32
    %get3A_581 = arith.constant 12 : i32
    %get3A_582 = arith.index_cast %get3A_581 : i32 to index
    %get3A_583 = arith.index_cast %add3A_580 : i32 to index
    %get3A_584 = tpu.vector_load %arg6[%get3A_582, %get3A_583] {strides = array<i32>} : memref<16x128xi32, #tpu.memory_space<vmem>>, vector<1x16xi32>,
    %get3A_585 = vector.shape_cast %get3A_584 : vector<1x16xi32> to vector<16xi32>
    %swap3A_586 = arith.constant 768 : index
    %swap3A_587 = tpu.vector_load %arg7[%swap3A_586] {strides = array<i32>} : memref<1024xi32, #tpu.memory_space<vmem>>, vector<16xi32>,
    %swap3A_588 = vector.shape_cast %swap3A_587 : vector<16xi32> to vector<16xi32>
    %swap3A_589 = vector.shape_cast %get3A_585 : vector<16xi32> to vector<16xi32>
    tpu.vector_store %arg7[%swap3A_586], %swap3A_589 {strides = array<i32>} : memref<1024xi32, #tpu.memory_space<vmem>>, vector<16xi32>,
    %add3A_590 = arith.constant 16 : i32
    %add3A_591 = arith.addi %multiple_of3A_37, %add3A_590 : i32
    %get3A_592 = arith.constant 12 : i32
    %get3A_593 = arith.index_cast %get3A_592 : i32 to index
    %get3A_594 = arith.index_cast %add3A_591 : i32 to index
    %get3A_595 = tpu.vector_load %arg6[%get3A_593, %get3A_594] {strides = array<i32>} : memref<16x128xi32, #tpu.memory_space<vmem>>, vector<1x16xi32>,
    %get3A_596 = vector.shape_cast %get3A_595 : vector<1x16xi32> to vector<16xi32>
    %swap3A_597 = arith.constant 784 : index
    %swap3A_598 = tpu.vector_load %arg7[%swap3A_597] {strides = array<i32>} : memref<1024xi32, #tpu.memory_space<vmem>>, vector<16xi32>,
    %swap3A_599 = vector.shape_cast %swap3A_598 : vector<16xi32> to vector<16xi32>
    %swap3A_600 = vector.shape_cast %get3A_596 : vector<16xi32> to vector<16xi32>
    tpu.vector_store %arg7[%swap3A_597], %swap3A_600 {strides = array<i32>} : memref<1024xi32, #tpu.memory_space<vmem>>, vector<16xi32>,
    %add3A_601 = arith.constant 32 : i32
    %add3A_602 = arith.addi %multiple_of3A_37, %add3A_601 : i32
    %get3A_603 = arith.constant 12 : i32
    %get3A_604 = arith.index_cast %get3A_603 : i32 to index
    %get3A_605 = arith.index_cast %add3A_602 : i32 to index
    %get3A_606 = tpu.vector_load %arg6[%get3A_604, %get3A_605] {strides = array<i32>} : memref<16x128xi32, #tpu.memory_space<vmem>>, vector<1x16xi32>,
    %get3A_607 = vector.shape_cast %get3A_606 : vector<1x16xi32> to vector<16xi32>
    %swap3A_608 = arith.constant 800 : index
    %swap3A_609 = tpu.vector_load %arg7[%swap3A_608] {strides = array<i32>} : memref<1024xi32, #tpu.memory_space<vmem>>, vector<16xi32>,
    %swap3A_610 = vector.shape_cast %swap3A_609 : vector<16xi32> to vector<16xi32>
    %swap3A_611 = vector.shape_cast %get3A_607 : vector<16xi32> to vector<16xi32>
    tpu.vector_store %arg7[%swap3A_608], %swap3A_611 {strides = array<i32>} : memref<1024xi32, #tpu.memory_space<vmem>>, vector<16xi32>,
    %add3A_612 = arith.constant 48 : i32
    %add3A_613 = arith.addi %multiple_of3A_37, %add3A_612 : i32
    %get3A_614 = arith.constant 12 : i32
    %get3A_615 = arith.index_cast %get3A_614 : i32 to index
    %get3A_616 = arith.index_cast %add3A_613 : i32 to index
    %get3A_617 = tpu.vector_load %arg6[%get3A_615, %get3A_616] {strides = array<i32>} : memref<16x128xi32, #tpu.memory_space<vmem>>, vector<1x16xi32>,
    %get3A_618 = vector.shape_cast %get3A_617 : vector<1x16xi32> to vector<16xi32>
    %swap3A_619 = arith.constant 816 : index
    %swap3A_620 = tpu.vector_load %arg7[%swap3A_619] {strides = array<i32>} : memref<1024xi32, #tpu.memory_space<vmem>>, vector<16xi32>,
    %swap3A_621 = vector.shape_cast %swap3A_620 : vector<16xi32> to vector<16xi32>
    %swap3A_622 = vector.shape_cast %get3A_618 : vector<16xi32> to vector<16xi32>
    tpu.vector_store %arg7[%swap3A_619], %swap3A_622 {strides = array<i32>} : memref<1024xi32, #tpu.memory_space<vmem>>, vector<16xi32>,
    %add3A_623 = arith.constant 0 : i32
    %add3A_624 = arith.addi %multiple_of3A_37, %add3A_623 : i32
    %get3A_625 = arith.constant 13 : i32
    %get3A_626 = arith.index_cast %get3A_625 : i32 to index
    %get3A_627 = arith.index_cast %add3A_624 : i32 to index
    %get3A_628 = tpu.vector_load %arg6[%get3A_626, %get3A_627] {strides = array<i32>} : memref<16x128xi32, #tpu.memory_space<vmem>>, vector<1x16xi32>,
    %get3A_629 = vector.shape_cast %get3A_628 : vector<1x16xi32> to vector<16xi32>
    %swap3A_630 = arith.constant 832 : index
    %swap3A_631 = tpu.vector_load %arg7[%swap3A_630] {strides = array<i32>} : memref<1024xi32, #tpu.memory_space<vmem>>, vector<16xi32>,
    %swap3A_632 = vector.shape_cast %swap3A_631 : vector<16xi32> to vector<16xi32>
    %swap3A_633 = vector.shape_cast %get3A_629 : vector<16xi32> to vector<16xi32>
    tpu.vector_store %arg7[%swap3A_630], %swap3A_633 {strides = array<i32>} : memref<1024xi32, #tpu.memory_space<vmem>>, vector<16xi32>,
    %add3A_634 = arith.constant 16 : i32
    %add3A_635 = arith.addi %multiple_of3A_37, %add3A_634 : i32
    %get3A_636 = arith.constant 13 : i32
    %get3A_637 = arith.index_cast %get3A_636 : i32 to index
    %get3A_638 = arith.index_cast %add3A_635 : i32 to index
    %get3A_639 = tpu.vector_load %arg6[%get3A_637, %get3A_638] {strides = array<i32>} : memref<16x128xi32, #tpu.memory_space<vmem>>, vector<1x16xi32>,
    %get3A_640 = vector.shape_cast %get3A_639 : vector<1x16xi32> to vector<16xi32>
    %swap3A_641 = arith.constant 848 : index
    %swap3A_642 = tpu.vector_load %arg7[%swap3A_641] {strides = array<i32>} : memref<1024xi32, #tpu.memory_space<vmem>>, vector<16xi32>,
    %swap3A_643 = vector.shape_cast %swap3A_642 : vector<16xi32> to vector<16xi32>
    %swap3A_644 = vector.shape_cast %get3A_640 : vector<16xi32> to vector<16xi32>
    tpu.vector_store %arg7[%swap3A_641], %swap3A_644 {strides = array<i32>} : memref<1024xi32, #tpu.memory_space<vmem>>, vector<16xi32>,
    %add3A_645 = arith.constant 32 : i32
    %add3A_646 = arith.addi %multiple_of3A_37, %add3A_645 : i32
    %get3A_647 = arith.constant 13 : i32
    %get3A_648 = arith.index_cast %get3A_647 : i32 to index
    %get3A_649 = arith.index_cast %add3A_646 : i32 to index
    %get3A_650 = tpu.vector_load %arg6[%get3A_648, %get3A_649] {strides = array<i32>} : memref<16x128xi32, #tpu.memory_space<vmem>>, vector<1x16xi32>,
    %get3A_651 = vector.shape_cast %get3A_650 : vector<1x16xi32> to vector<16xi32>
    %swap3A_652 = arith.constant 864 : index
    %swap3A_653 = tpu.vector_load %arg7[%swap3A_652] {strides = array<i32>} : memref<1024xi32, #tpu.memory_space<vmem>>, vector<16xi32>,
    %swap3A_654 = vector.shape_cast %swap3A_653 : vector<16xi32> to vector<16xi32>
    %swap3A_655 = vector.shape_cast %get3A_651 : vector<16xi32> to vector<16xi32>
    tpu.vector_store %arg7[%swap3A_652], %swap3A_655 {strides = array<i32>} : memref<1024xi32, #tpu.memory_space<vmem>>, vector<16xi32>,
    %add3A_656 = arith.constant 48 : i32
    %add3A_657 = arith.addi %multiple_of3A_37, %add3A_656 : i32
    %get3A_658 = arith.constant 13 : i32
    %get3A_659 = arith.index_cast %get3A_658 : i32 to index
    %get3A_660 = arith.index_cast %add3A_657 : i32 to index
    %get3A_661 = tpu.vector_load %arg6[%get3A_659, %get3A_660] {strides = array<i32>} : memref<16x128xi32, #tpu.memory_space<vmem>>, vector<1x16xi32>,
    %get3A_662 = vector.shape_cast %get3A_661 : vector<1x16xi32> to vector<16xi32>
    %swap3A_663 = arith.constant 880 : index
    %swap3A_664 = tpu.vector_load %arg7[%swap3A_663] {strides = array<i32>} : memref<1024xi32, #tpu.memory_space<vmem>>, vector<16xi32>,
    %swap3A_665 = vector.shape_cast %swap3A_664 : vector<16xi32> to vector<16xi32>
    %swap3A_666 = vector.shape_cast %get3A_662 : vector<16xi32> to vector<16xi32>
    tpu.vector_store %arg7[%swap3A_663], %swap3A_666 {strides = array<i32>} : memref<1024xi32, #tpu.memory_space<vmem>>, vector<16xi32>,
    %add3A_667 = arith.constant 0 : i32
    %add3A_668 = arith.addi %multiple_of3A_37, %add3A_667 : i32
    %get3A_669 = arith.constant 14 : i32
    %get3A_670 = arith.index_cast %get3A_669 : i32 to index
    %get3A_671 = arith.index_cast %add3A_668 : i32 to index
    %get3A_672 = tpu.vector_load %arg6[%get3A_670, %get3A_671] {strides = array<i32>} : memref<16x128xi32, #tpu.memory_space<vmem>>, vector<1x16xi32>,
    %get3A_673 = vector.shape_cast %get3A_672 : vector<1x16xi32> to vector<16xi32>
    %swap3A_674 = arith.constant 896 : index
    %swap3A_675 = tpu.vector_load %arg7[%swap3A_674] {strides = array<i32>} : memref<1024xi32, #tpu.memory_space<vmem>>, vector<16xi32>,
    %swap3A_676 = vector.shape_cast %swap3A_675 : vector<16xi32> to vector<16xi32>
    %swap3A_677 = vector.shape_cast %get3A_673 : vector<16xi32> to vector<16xi32>
    tpu.vector_store %arg7[%swap3A_674], %swap3A_677 {strides = array<i32>} : memref<1024xi32, #tpu.memory_space<vmem>>, vector<16xi32>,
    %add3A_678 = arith.constant 16 : i32
    %add3A_679 = arith.addi %multiple_of3A_37, %add3A_678 : i32
    %get3A_680 = arith.constant 14 : i32
    %get3A_681 = arith.index_cast %get3A_680 : i32 to index
    %get3A_682 = arith.index_cast %add3A_679 : i32 to index
    %get3A_683 = tpu.vector_load %arg6[%get3A_681, %get3A_682] {strides = array<i32>} : memref<16x128xi32, #tpu.memory_space<vmem>>, vector<1x16xi32>,
    %get3A_684 = vector.shape_cast %get3A_683 : vector<1x16xi32> to vector<16xi32>
    %swap3A_685 = arith.constant 912 : index
    %swap3A_686 = tpu.vector_load %arg7[%swap3A_685] {strides = array<i32>} : memref<1024xi32, #tpu.memory_space<vmem>>, vector<16xi32>,
    %swap3A_687 = vector.shape_cast %swap3A_686 : vector<16xi32> to vector<16xi32>
    %swap3A_688 = vector.shape_cast %get3A_684 : vector<16xi32> to vector<16xi32>
    tpu.vector_store %arg7[%swap3A_685], %swap3A_688 {strides = array<i32>} : memref<1024xi32, #tpu.memory_space<vmem>>, vector<16xi32>,
    %add3A_689 = arith.constant 32 : i32
    %add3A_690 = arith.addi %multiple_of3A_37, %add3A_689 : i32
    %get3A_691 = arith.constant 14 : i32
    %get3A_692 = arith.index_cast %get3A_691 : i32 to index
    %get3A_693 = arith.index_cast %add3A_690 : i32 to index
    %get3A_694 = tpu.vector_load %arg6[%get3A_692, %get3A_693] {strides = array<i32>} : memref<16x128xi32, #tpu.memory_space<vmem>>, vector<1x16xi32>,
    %get3A_695 = vector.shape_cast %get3A_694 : vector<1x16xi32> to vector<16xi32>
    %swap3A_696 = arith.constant 928 : index
    %swap3A_697 = tpu.vector_load %arg7[%swap3A_696] {strides = array<i32>} : memref<1024xi32, #tpu.memory_space<vmem>>, vector<16xi32>,
    %swap3A_698 = vector.shape_cast %swap3A_697 : vector<16xi32> to vector<16xi32>
    %swap3A_699 = vector.shape_cast %get3A_695 : vector<16xi32> to vector<16xi32>
    tpu.vector_store %arg7[%swap3A_696], %swap3A_699 {strides = array<i32>} : memref<1024xi32, #tpu.memory_space<vmem>>, vector<16xi32>,
    %add3A_700 = arith.constant 48 : i32
    %add3A_701 = arith.addi %multiple_of3A_37, %add3A_700 : i32
    %get3A_702 = arith.constant 14 : i32
    %get3A_703 = arith.index_cast %get3A_702 : i32 to index
    %get3A_704 = arith.index_cast %add3A_701 : i32 to index
    %get3A_705 = tpu.vector_load %arg6[%get3A_703, %get3A_704] {strides = array<i32>} : memref<16x128xi32, #tpu.memory_space<vmem>>, vector<1x16xi32>,
    %get3A_706 = vector.shape_cast %get3A_705 : vector<1x16xi32> to vector<16xi32>
    %swap3A_707 = arith.constant 944 : index
    %swap3A_708 = tpu.vector_load %arg7[%swap3A_707] {strides = array<i32>} : memref<1024xi32, #tpu.memory_space<vmem>>, vector<16xi32>,
    %swap3A_709 = vector.shape_cast %swap3A_708 : vector<16xi32> to vector<16xi32>
    %swap3A_710 = vector.shape_cast %get3A_706 : vector<16xi32> to vector<16xi32>
    tpu.vector_store %arg7[%swap3A_707], %swap3A_710 {strides = array<i32>} : memref<1024xi32, #tpu.memory_space<vmem>>, vector<16xi32>,
    %add3A_711 = arith.constant 0 : i32
    %add3A_712 = arith.addi %multiple_of3A_37, %add3A_711 : i32
    %get3A_713 = arith.constant 15 : i32
    %get3A_714 = arith.index_cast %get3A_713 : i32 to index
    %get3A_715 = arith.index_cast %add3A_712 : i32 to index
    %get3A_716 = tpu.vector_load %arg6[%get3A_714, %get3A_715] {strides = array<i32>} : memref<16x128xi32, #tpu.memory_space<vmem>>, vector<1x16xi32>,
    %get3A_717 = vector.shape_cast %get3A_716 : vector<1x16xi32> to vector<16xi32>
    %swap3A_718 = arith.constant 960 : index
    %swap3A_719 = tpu.vector_load %arg7[%swap3A_718] {strides = array<i32>} : memref<1024xi32, #tpu.memory_space<vmem>>, vector<16xi32>,
    %swap3A_720 = vector.shape_cast %swap3A_719 : vector<16xi32> to vector<16xi32>
    %swap3A_721 = vector.shape_cast %get3A_717 : vector<16xi32> to vector<16xi32>
    tpu.vector_store %arg7[%swap3A_718], %swap3A_721 {strides = array<i32>} : memref<1024xi32, #tpu.memory_space<vmem>>, vector<16xi32>,
    %add3A_722 = arith.constant 16 : i32
    %add3A_723 = arith.addi %multiple_of3A_37, %add3A_722 : i32
    %get3A_724 = arith.constant 15 : i32
    %get3A_725 = arith.index_cast %get3A_724 : i32 to index
    %get3A_726 = arith.index_cast %add3A_723 : i32 to index
    %get3A_727 = tpu.vector_load %arg6[%get3A_725, %get3A_726] {strides = array<i32>} : memref<16x128xi32, #tpu.memory_space<vmem>>, vector<1x16xi32>,
    %get3A_728 = vector.shape_cast %get3A_727 : vector<1x16xi32> to vector<16xi32>
    %swap3A_729 = arith.constant 976 : index
    %swap3A_730 = tpu.vector_load %arg7[%swap3A_729] {strides = array<i32>} : memref<1024xi32, #tpu.memory_space<vmem>>, vector<16xi32>,
    %swap3A_731 = vector.shape_cast %swap3A_730 : vector<16xi32> to vector<16xi32>
    %swap3A_732 = vector.shape_cast %get3A_728 : vector<16xi32> to vector<16xi32>
    tpu.vector_store %arg7[%swap3A_729], %swap3A_732 {strides = array<i32>} : memref<1024xi32, #tpu.memory_space<vmem>>, vector<16xi32>,
    %add3A_733 = arith.constant 32 : i32
    %add3A_734 = arith.addi %multiple_of3A_37, %add3A_733 : i32
    %get3A_735 = arith.constant 15 : i32
    %get3A_736 = arith.index_cast %get3A_735 : i32 to index
    %get3A_737 = arith.index_cast %add3A_734 : i32 to index
    %get3A_738 = tpu.vector_load %arg6[%get3A_736, %get3A_737] {strides = array<i32>} : memref<16x128xi32, #tpu.memory_space<vmem>>, vector<1x16xi32>,
    %get3A_739 = vector.shape_cast %get3A_738 : vector<1x16xi32> to vector<16xi32>
    %swap3A_740 = arith.constant 992 : index
    %swap3A_741 = tpu.vector_load %arg7[%swap3A_740] {strides = array<i32>} : memref<1024xi32, #tpu.memory_space<vmem>>, vector<16xi32>,
    %swap3A_742 = vector.shape_cast %swap3A_741 : vector<16xi32> to vector<16xi32>
    %swap3A_743 = vector.shape_cast %get3A_739 : vector<16xi32> to vector<16xi32>
    tpu.vector_store %arg7[%swap3A_740], %swap3A_743 {strides = array<i32>} : memref<1024xi32, #tpu.memory_space<vmem>>, vector<16xi32>,
    %add3A_744 = arith.constant 48 : i32
    %add3A_745 = arith.addi %multiple_of3A_37, %add3A_744 : i32
    %get3A_746 = arith.constant 15 : i32
    %get3A_747 = arith.index_cast %get3A_746 : i32 to index
    %get3A_748 = arith.index_cast %add3A_745 : i32 to index
    %get3A_749 = tpu.vector_load %arg6[%get3A_747, %get3A_748] {strides = array<i32>} : memref<16x128xi32, #tpu.memory_space<vmem>>, vector<1x16xi32>,
    %get3A_750 = vector.shape_cast %get3A_749 : vector<1x16xi32> to vector<16xi32>
    %swap3A_751 = arith.constant 1008 : index
    %swap3A_752 = tpu.vector_load %arg7[%swap3A_751] {strides = array<i32>} : memref<1024xi32, #tpu.memory_space<vmem>>, vector<16xi32>,
    %swap3A_753 = vector.shape_cast %swap3A_752 : vector<16xi32> to vector<16xi32>
    %swap3A_754 = vector.shape_cast %get3A_750 : vector<16xi32> to vector<16xi32>
    tpu.vector_store %arg7[%swap3A_751], %swap3A_754 {strides = array<i32>} : memref<1024xi32, #tpu.memory_space<vmem>>, vector<16xi32>,
    %dma_start3A_755 = arith.constant 128 : i32
    %dma_start3A_756 = tpu.memref_slice %arg7[%dma_start3A_755] : memref<1024xi32, #tpu.memory_space<vmem>> -> memref<128xi32, #tpu.memory_space<vmem>>
    %dma_start3A_757 = arith.constant 0 : i32
    %dma_start3A_758 = arith.constant 0 : i32
    %dma_start3A_759 = tpu.memref_slice %arg3[%dma_start3A_757, %dma_start3A_758] : memref<100000x128xf32, #tpu.memory_space<hbm>> -> memref<100000x128xf32, #tpu.memory_space<hbm>>
    tpu.enqueue_indirect_dma source(%dma_start3A_759 : memref<100000x128xf32, #tpu.memory_space<hbm>>) target(%arg10 : memref<128x128xf32, #tpu.memory_space<vmem>>) offsets(%dma_start3A_756 : memref<128xi32, #tpu.memory_space<vmem>>) semaphore(%arg15 : memref<!tpu.dma_semaphore, #tpu.memory_space<semaphore_mem>>)
    %dma_start3A_760 = arith.constant 256 : i32
    %dma_start3A_761 = tpu.memref_slice %arg7[%dma_start3A_760] : memref<1024xi32, #tpu.memory_space<vmem>> -> memref<128xi32, #tpu.memory_space<vmem>>
    %dma_start3A_762 = arith.constant 0 : i32
    %dma_start3A_763 = arith.constant 0 : i32
    %dma_start3A_764 = tpu.memref_slice %arg3[%dma_start3A_762, %dma_start3A_763] : memref<100000x128xf32, #tpu.memory_space<hbm>> -> memref<100000x128xf32, #tpu.memory_space<hbm>>
    tpu.enqueue_indirect_dma source(%dma_start3A_764 : memref<100000x128xf32, #tpu.memory_space<hbm>>) target(%arg11 : memref<128x128xf32, #tpu.memory_space<vmem>>) offsets(%dma_start3A_761 : memref<128xi32, #tpu.memory_space<vmem>>) semaphore(%arg16 : memref<!tpu.dma_semaphore, #tpu.memory_space<semaphore_mem>>)
    %dma_wait3A_765 = arith.constant 0 : i32
    %dma_wait3A_766 = tpu.memref_slice %arg4[%mul3A_2, %dma_wait3A_765] : memref<2048x128xf32, #tpu.memory_space<hbm>> -> memref<64x128xf32, #tpu.memory_space<hbm>>
    %dma_wait3A_767 = arith.constant 0 : i32
    %dma_wait3A_768 = tpu.memref_slice %arg4[%mul3A_2, %dma_wait3A_767] : memref<2048x128xf32, #tpu.memory_space<hbm>> -> memref<64x128xf32, #tpu.memory_space<hbm>>
    tpu.wait_dma2 semaphore(%arg15 : memref<!tpu.dma_semaphore, #tpu.memory_space<semaphore_mem>>) src(%dma_wait3A_768 : memref<64x128xf32, #tpu.memory_space<hbm>>) dst(%arg8 : memref<64x128xf32, #tpu.memory_space<vmem>>)
    %dma_start3A_769 = arith.constant 384 : i32
    %dma_start3A_770 = tpu.memref_slice %arg7[%dma_start3A_769] : memref<1024xi32, #tpu.memory_space<vmem>> -> memref<128xi32, #tpu.memory_space<vmem>>
    %dma_start3A_771 = arith.constant 0 : i32
    %dma_start3A_772 = arith.constant 0 : i32
    %dma_start3A_773 = tpu.memref_slice %arg3[%dma_start3A_771, %dma_start3A_772] : memref<100000x128xf32, #tpu.memory_space<hbm>> -> memref<100000x128xf32, #tpu.memory_space<hbm>>
    tpu.enqueue_indirect_dma source(%dma_start3A_773 : memref<100000x128xf32, #tpu.memory_space<hbm>>) target(%arg12 : memref<128x128xf32, #tpu.memory_space<vmem>>) offsets(%dma_start3A_770 : memref<128xi32, #tpu.memory_space<vmem>>) semaphore(%arg17 : memref<!tpu.dma_semaphore, #tpu.memory_space<semaphore_mem>>)
    %dma_wait3A_774 = arith.constant 0 : i32
    %dma_wait3A_775 = tpu.memref_slice %arg7[%dma_wait3A_774] : memref<1024xi32, #tpu.memory_space<vmem>> -> memref<128xi32, #tpu.memory_space<vmem>>
    %dma_wait3A_776 = arith.constant 0 : i32
    %dma_wait3A_777 = arith.constant 0 : i32
    %dma_wait3A_778 = tpu.memref_slice %arg3[%dma_wait3A_776, %dma_wait3A_777] : memref<100000x128xf32, #tpu.memory_space<hbm>> -> memref<100000x128xf32, #tpu.memory_space<hbm>>
    tpu.wait_indirect_dma semaphore(%arg14 : memref<!tpu.dma_semaphore, #tpu.memory_space<semaphore_mem>>) src(%dma_wait3A_778 : memref<100000x128xf32, #tpu.memory_space<hbm>>) dst(%arg9 : memref<128x128xf32, #tpu.memory_space<vmem>>)
    %scan3A = arith.constant 0 : i32
    %scan3A_779 = arith.constant 0 : i32
    %scan3A_780 = arith.constant 64 : i32
    %scan3A_781 = arith.addi %scan3A_779, %scan3A_780 : i32
    %scan3A_782 = arith.constant 1 : i32
    scf.for %scan3A_1297 = %scan3A_779 to %scan3A_781 step %scan3A_782  : i32 {
      %get3A_1298 = arith.index_cast %scan3A_1297 : i32 to index
      %get3A_1299 = arith.constant 0 : index
      %get3A_1300 = tpu.vector_load %arg8[%get3A_1298, %get3A_1299] {strides = array<i32>} : memref<64x128xf32, #tpu.memory_space<vmem>>, vector<1x16xf32>,
      %get3A_1301 = vector.shape_cast %get3A_1300 : vector<1x16xf32> to vector<16xf32>
      %swap3A_1302 = arith.index_cast %scan3A_1297 : i32 to index
      %swap3A_1303 = arith.constant 0 : index
      %swap3A_1304 = tpu.vector_load %arg9[%swap3A_1302, %swap3A_1303] {strides = array<i32>} : memref<128x128xf32, #tpu.memory_space<vmem>>, vector<1x16xf32>,
      %swap3A_1305 = vector.shape_cast %swap3A_1304 : vector<1x16xf32> to vector<16xf32>
      %swap3A_1306 = vector.shape_cast %get3A_1301 : vector<16xf32> to vector<1x16xf32>
      tpu.vector_store %arg9[%swap3A_1302, %swap3A_1303], %swap3A_1306 {add = true, strides = array<i32>} : memref<128x128xf32, #tpu.memory_space<vmem>>, vector<1x16xf32>,
      %add3A_1307 = arith.constant 64 : i32
      %add3A_1308 = arith.addi %add3A_1307, %scan3A_1297 : i32
      %swap3A_1309 = arith.index_cast %add3A_1308 : i32 to index
      %swap3A_1310 = arith.constant 0 : index
      %swap3A_1311 = tpu.vector_load %arg9[%swap3A_1309, %swap3A_1310] {strides = array<i32>} : memref<128x128xf32, #tpu.memory_space<vmem>>, vector<1x16xf32>,
      %swap3A_1312 = vector.shape_cast %swap3A_1311 : vector<1x16xf32> to vector<16xf32>
      %swap3A_1313 = vector.shape_cast %get3A_1301 : vector<16xf32> to vector<1x16xf32>
      tpu.vector_store %arg9[%swap3A_1309, %swap3A_1310], %swap3A_1313 {add = true, strides = array<i32>} : memref<128x128xf32, #tpu.memory_space<vmem>>, vector<1x16xf32>,
      %get3A_1314 = arith.index_cast %scan3A_1297 : i32 to index
      %get3A_1315 = arith.constant 16 : index
      %get3A_1316 = tpu.vector_load %arg8[%get3A_1314, %get3A_1315] {strides = array<i32>} : memref<64x128xf32, #tpu.memory_space<vmem>>, vector<1x16xf32>,
      %get3A_1317 = vector.shape_cast %get3A_1316 : vector<1x16xf32> to vector<16xf32>
      %swap3A_1318 = arith.index_cast %scan3A_1297 : i32 to index
      %swap3A_1319 = arith.constant 16 : index
      %swap3A_1320 = tpu.vector_load %arg9[%swap3A_1318, %swap3A_1319] {strides = array<i32>} : memref<128x128xf32, #tpu.memory_space<vmem>>, vector<1x16xf32>,
      %swap3A_1321 = vector.shape_cast %swap3A_1320 : vector<1x16xf32> to vector<16xf32>
      %swap3A_1322 = vector.shape_cast %get3A_1317 : vector<16xf32> to vector<1x16xf32>
      tpu.vector_store %arg9[%swap3A_1318, %swap3A_1319], %swap3A_1322 {add = true, strides = array<i32>} : memref<128x128xf32, #tpu.memory_space<vmem>>, vector<1x16xf32>,
      %add3A_1323 = arith.constant 64 : i32
      %add3A_1324 = arith.addi %add3A_1323, %scan3A_1297 : i32
      %swap3A_1325 = arith.index_cast %add3A_1324 : i32 to index
      %swap3A_1326 = arith.constant 16 : index
      %swap3A_1327 = tpu.vector_load %arg9[%swap3A_1325, %swap3A_1326] {strides = array<i32>} : memref<128x128xf32, #tpu.memory_space<vmem>>, vector<1x16xf32>,
      %swap3A_1328 = vector.shape_cast %swap3A_1327 : vector<1x16xf32> to vector<16xf32>
      %swap3A_1329 = vector.shape_cast %get3A_1317 : vector<16xf32> to vector<1x16xf32>
      tpu.vector_store %arg9[%swap3A_1325, %swap3A_1326], %swap3A_1329 {add = true, strides = array<i32>} : memref<128x128xf32, #tpu.memory_space<vmem>>, vector<1x16xf32>,
      %get3A_1330 = arith.index_cast %scan3A_1297 : i32 to index
      %get3A_1331 = arith.constant 32 : index
      %get3A_1332 = tpu.vector_load %arg8[%get3A_1330, %get3A_1331] {strides = array<i32>} : memref<64x128xf32, #tpu.memory_space<vmem>>, vector<1x16xf32>,
      %get3A_1333 = vector.shape_cast %get3A_1332 : vector<1x16xf32> to vector<16xf32>
      %swap3A_1334 = arith.index_cast %scan3A_1297 : i32 to index
      %swap3A_1335 = arith.constant 32 : index
      %swap3A_1336 = tpu.vector_load %arg9[%swap3A_1334, %swap3A_1335] {strides = array<i32>} : memref<128x128xf32, #tpu.memory_space<vmem>>, vector<1x16xf32>,
      %swap3A_1337 = vector.shape_cast %swap3A_1336 : vector<1x16xf32> to vector<16xf32>
      %swap3A_1338 = vector.shape_cast %get3A_1333 : vector<16xf32> to vector<1x16xf32>
      tpu.vector_store %arg9[%swap3A_1334, %swap3A_1335], %swap3A_1338 {add = true, strides = array<i32>} : memref<128x128xf32, #tpu.memory_space<vmem>>, vector<1x16xf32>,
      %add3A_1339 = arith.constant 64 : i32
      %add3A_1340 = arith.addi %add3A_1339, %scan3A_1297 : i32
      %swap3A_1341 = arith.index_cast %add3A_1340 : i32 to index
      %swap3A_1342 = arith.constant 32 : index
      %swap3A_1343 = tpu.vector_load %arg9[%swap3A_1341, %swap3A_1342] {strides = array<i32>} : memref<128x128xf32, #tpu.memory_space<vmem>>, vector<1x16xf32>,
      %swap3A_1344 = vector.shape_cast %swap3A_1343 : vector<1x16xf32> to vector<16xf32>
      %swap3A_1345 = vector.shape_cast %get3A_1333 : vector<16xf32> to vector<1x16xf32>
      tpu.vector_store %arg9[%swap3A_1341, %swap3A_1342], %swap3A_1345 {add = true, strides = array<i32>} : memref<128x128xf32, #tpu.memory_space<vmem>>, vector<1x16xf32>,
      %get3A_1346 = arith.index_cast %scan3A_1297 : i32 to index
      %get3A_1347 = arith.constant 48 : index
      %get3A_1348 = tpu.vector_load %arg8[%get3A_1346, %get3A_1347] {strides = array<i32>} : memref<64x128xf32, #tpu.memory_space<vmem>>, vector<1x16xf32>,
      %get3A_1349 = vector.shape_cast %get3A_1348 : vector<1x16xf32> to vector<16xf32>
      %swap3A_1350 = arith.index_cast %scan3A_1297 : i32 to index
      %swap3A_1351 = arith.constant 48 : index
      %swap3A_1352 = tpu.vector_load %arg9[%swap3A_1350, %swap3A_1351] {strides = array<i32>} : memref<128x128xf32, #tpu.memory_space<vmem>>, vector<1x16xf32>,
      %swap3A_1353 = vector.shape_cast %swap3A_1352 : vector<1x16xf32> to vector<16xf32>
      %swap3A_1354 = vector.shape_cast %get3A_1349 : vector<16xf32> to vector<1x16xf32>
      tpu.vector_store %arg9[%swap3A_1350, %swap3A_1351], %swap3A_1354 {add = true, strides = array<i32>} : memref<128x128xf32, #tpu.memory_space<vmem>>, vector<1x16xf32>,
      %add3A_1355 = arith.constant 64 : i32
      %add3A_1356 = arith.addi %add3A_1355, %scan3A_1297 : i32
      %swap3A_1357 = arith.index_cast %add3A_1356 : i32 to index
      %swap3A_1358 = arith.constant 48 : index
      %swap3A_1359 = tpu.vector_load %arg9[%swap3A_1357, %swap3A_1358] {strides = array<i32>} : memref<128x128xf32, #tpu.memory_space<vmem>>, vector<1x16xf32>,
      %swap3A_1360 = vector.shape_cast %swap3A_1359 : vector<1x16xf32> to vector<16xf32>
      %swap3A_1361 = vector.shape_cast %get3A_1349 : vector<16xf32> to vector<1x16xf32>
      tpu.vector_store %arg9[%swap3A_1357, %swap3A_1358], %swap3A_1361 {add = true, strides = array<i32>} : memref<128x128xf32, #tpu.memory_space<vmem>>, vector<1x16xf32>,
      %get3A_1362 = arith.index_cast %scan3A_1297 : i32 to index
      %get3A_1363 = arith.constant 64 : index
      %get3A_1364 = tpu.vector_load %arg8[%get3A_1362, %get3A_1363] {strides = array<i32>} : memref<64x128xf32, #tpu.memory_space<vmem>>, vector<1x16xf32>,
      %get3A_1365 = vector.shape_cast %get3A_1364 : vector<1x16xf32> to vector<16xf32>
      %swap3A_1366 = arith.index_cast %scan3A_1297 : i32 to index
      %swap3A_1367 = arith.constant 64 : index
      %swap3A_1368 = tpu.vector_load %arg9[%swap3A_1366, %swap3A_1367] {strides = array<i32>} : memref<128x128xf32, #tpu.memory_space<vmem>>, vector<1x16xf32>,
      %swap3A_1369 = vector.shape_cast %swap3A_1368 : vector<1x16xf32> to vector<16xf32>
      %swap3A_1370 = vector.shape_cast %get3A_1365 : vector<16xf32> to vector<1x16xf32>
      tpu.vector_store %arg9[%swap3A_1366, %swap3A_1367], %swap3A_1370 {add = true, strides = array<i32>} : memref<128x128xf32, #tpu.memory_space<vmem>>, vector<1x16xf32>,
      %add3A_1371 = arith.constant 64 : i32
      %add3A_1372 = arith.addi %add3A_1371, %scan3A_1297 : i32
      %swap3A_1373 = arith.index_cast %add3A_1372 : i32 to index
      %swap3A_1374 = arith.constant 64 : index
      %swap3A_1375 = tpu.vector_load %arg9[%swap3A_1373, %swap3A_1374] {strides = array<i32>} : memref<128x128xf32, #tpu.memory_space<vmem>>, vector<1x16xf32>,
      %swap3A_1376 = vector.shape_cast %swap3A_1375 : vector<1x16xf32> to vector<16xf32>
      %swap3A_1377 = vector.shape_cast %get3A_1365 : vector<16xf32> to vector<1x16xf32>
      tpu.vector_store %arg9[%swap3A_1373, %swap3A_1374], %swap3A_1377 {add = true, strides = array<i32>} : memref<128x128xf32, #tpu.memory_space<vmem>>, vector<1x16xf32>,
      %get3A_1378 = arith.index_cast %scan3A_1297 : i32 to index
      %get3A_1379 = arith.constant 80 : index
      %get3A_1380 = tpu.vector_load %arg8[%get3A_1378, %get3A_1379] {strides = array<i32>} : memref<64x128xf32, #tpu.memory_space<vmem>>, vector<1x16xf32>,
      %get3A_1381 = vector.shape_cast %get3A_1380 : vector<1x16xf32> to vector<16xf32>
      %swap3A_1382 = arith.index_cast %scan3A_1297 : i32 to index
      %swap3A_1383 = arith.constant 80 : index
      %swap3A_1384 = tpu.vector_load %arg9[%swap3A_1382, %swap3A_1383] {strides = array<i32>} : memref<128x128xf32, #tpu.memory_space<vmem>>, vector<1x16xf32>,
      %swap3A_1385 = vector.shape_cast %swap3A_1384 : vector<1x16xf32> to vector<16xf32>
      %swap3A_1386 = vector.shape_cast %get3A_1381 : vector<16xf32> to vector<1x16xf32>
      tpu.vector_store %arg9[%swap3A_1382, %swap3A_1383], %swap3A_1386 {add = true, strides = array<i32>} : memref<128x128xf32, #tpu.memory_space<vmem>>, vector<1x16xf32>,
      %add3A_1387 = arith.constant 64 : i32
      %add3A_1388 = arith.addi %add3A_1387, %scan3A_1297 : i32
      %swap3A_1389 = arith.index_cast %add3A_1388 : i32 to index
      %swap3A_1390 = arith.constant 80 : index
      %swap3A_1391 = tpu.vector_load %arg9[%swap3A_1389, %swap3A_1390] {strides = array<i32>} : memref<128x128xf32, #tpu.memory_space<vmem>>, vector<1x16xf32>,
      %swap3A_1392 = vector.shape_cast %swap3A_1391 : vector<1x16xf32> to vector<16xf32>
      %swap3A_1393 = vector.shape_cast %get3A_1381 : vector<16xf32> to vector<1x16xf32>
      tpu.vector_store %arg9[%swap3A_1389, %swap3A_1390], %swap3A_1393 {add = true, strides = array<i32>} : memref<128x128xf32, #tpu.memory_space<vmem>>, vector<1x16xf32>,
      %get3A_1394 = arith.index_cast %scan3A_1297 : i32 to index
      %get3A_1395 = arith.constant 96 : index
      %get3A_1396 = tpu.vector_load %arg8[%get3A_1394, %get3A_1395] {strides = array<i32>} : memref<64x128xf32, #tpu.memory_space<vmem>>, vector<1x16xf32>,
      %get3A_1397 = vector.shape_cast %get3A_1396 : vector<1x16xf32> to vector<16xf32>
      %swap3A_1398 = arith.index_cast %scan3A_1297 : i32 to index
      %swap3A_1399 = arith.constant 96 : index
      %swap3A_1400 = tpu.vector_load %arg9[%swap3A_1398, %swap3A_1399] {strides = array<i32>} : memref<128x128xf32, #tpu.memory_space<vmem>>, vector<1x16xf32>,
      %swap3A_1401 = vector.shape_cast %swap3A_1400 : vector<1x16xf32> to vector<16xf32>
      %swap3A_1402 = vector.shape_cast %get3A_1397 : vector<16xf32> to vector<1x16xf32>
      tpu.vector_store %arg9[%swap3A_1398, %swap3A_1399], %swap3A_1402 {add = true, strides = array<i32>} : memref<128x128xf32, #tpu.memory_space<vmem>>, vector<1x16xf32>,
      %add3A_1403 = arith.constant 64 : i32
      %add3A_1404 = arith.addi %add3A_1403, %scan3A_1297 : i32
      %swap3A_1405 = arith.index_cast %add3A_1404 : i32 to index
      %swap3A_1406 = arith.constant 96 : index
      %swap3A_1407 = tpu.vector_load %arg9[%swap3A_1405, %swap3A_1406] {strides = array<i32>} : memref<128x128xf32, #tpu.memory_space<vmem>>, vector<1x16xf32>,
      %swap3A_1408 = vector.shape_cast %swap3A_1407 : vector<1x16xf32> to vector<16xf32>
      %swap3A_1409 = vector.shape_cast %get3A_1397 : vector<16xf32> to vector<1x16xf32>
      tpu.vector_store %arg9[%swap3A_1405, %swap3A_1406], %swap3A_1409 {add = true, strides = array<i32>} : memref<128x128xf32, #tpu.memory_space<vmem>>, vector<1x16xf32>,
      %get3A_1410 = arith.index_cast %scan3A_1297 : i32 to index
      %get3A_1411 = arith.constant 112 : index
      %get3A_1412 = tpu.vector_load %arg8[%get3A_1410, %get3A_1411] {strides = array<i32>} : memref<64x128xf32, #tpu.memory_space<vmem>>, vector<1x16xf32>,
      %get3A_1413 = vector.shape_cast %get3A_1412 : vector<1x16xf32> to vector<16xf32>
      %swap3A_1414 = arith.index_cast %scan3A_1297 : i32 to index
      %swap3A_1415 = arith.constant 112 : index
      %swap3A_1416 = tpu.vector_load %arg9[%swap3A_1414, %swap3A_1415] {strides = array<i32>} : memref<128x128xf32, #tpu.memory_space<vmem>>, vector<1x16xf32>,
      %swap3A_1417 = vector.shape_cast %swap3A_1416 : vector<1x16xf32> to vector<16xf32>
      %swap3A_1418 = vector.shape_cast %get3A_1413 : vector<16xf32> to vector<1x16xf32>
      tpu.vector_store %arg9[%swap3A_1414, %swap3A_1415], %swap3A_1418 {add = true, strides = array<i32>} : memref<128x128xf32, #tpu.memory_space<vmem>>, vector<1x16xf32>,
      %add3A_1419 = arith.constant 64 : i32
      %add3A_1420 = arith.addi %add3A_1419, %scan3A_1297 : i32
      %swap3A_1421 = arith.index_cast %add3A_1420 : i32 to index
      %swap3A_1422 = arith.constant 112 : index
      %swap3A_1423 = tpu.vector_load %arg9[%swap3A_1421, %swap3A_1422] {strides = array<i32>} : memref<128x128xf32, #tpu.memory_space<vmem>>, vector<1x16xf32>,
      %swap3A_1424 = vector.shape_cast %swap3A_1423 : vector<1x16xf32> to vector<16xf32>
      %swap3A_1425 = vector.shape_cast %get3A_1413 : vector<16xf32> to vector<1x16xf32>
      tpu.vector_store %arg9[%swap3A_1421, %swap3A_1422], %swap3A_1425 {add = true, strides = array<i32>} : memref<128x128xf32, #tpu.memory_space<vmem>>, vector<1x16xf32>,
    }
    %scan3A_783 = arith.constant 64 : i32
    %dma_start3A_784 = arith.constant 0 : i32
    %dma_start3A_785 = arith.constant 0 : i32
    %dma_start3A_786 = arith.constant 0 : i32
    %dma_start3A_787 = tpu.memref_slice %arg9[%dma_start3A_785, %dma_start3A_786] : memref<128x128xf32, #tpu.memory_space<vmem>> -> memref<64x128xf32, #tpu.memory_space<vmem>>
    %dma_start3A_788 = arith.constant 0 : i32
    %dma_start3A_789 = tpu.memref_slice %arg5[%dma_start3A_784, %mul3A_2, %dma_start3A_788] : memref<16x2048x128xf32, #tpu.memory_space<hbm>> -> memref<1x64x128xf32, #tpu.memory_space<hbm>>
    %dma_start3A_790 = tpu.memref_squeeze %dma_start3A_789 : memref<1x64x128xf32, #tpu.memory_space<hbm>> -> memref<64x128xf32, #tpu.memory_space<hbm>>
    %dma_start3A_791 = arith.constant 0 : i32
    %dma_start3A_792 = tpu.memref_slice %arg5[%dma_start3A_784, %mul3A_2, %dma_start3A_791] : memref<16x2048x128xf32, #tpu.memory_space<hbm>> -> memref<1x64x128xf32, #tpu.memory_space<hbm>>
    %dma_start3A_793 = tpu.memref_squeeze %dma_start3A_792 : memref<1x64x128xf32, #tpu.memory_space<hbm>> -> memref<64x128xf32, #tpu.memory_space<hbm>>
    %dma_start3A_794 = arith.constant 0 : i32
    %dma_start3A_795 = arith.constant 0 : i32
    %dma_start3A_796 = tpu.memref_slice %arg9[%dma_start3A_794, %dma_start3A_795] : memref<128x128xf32, #tpu.memory_space<vmem>> -> memref<64x128xf32, #tpu.memory_space<vmem>>
    tpu.enqueue_dma source(%dma_start3A_796 : memref<64x128xf32, #tpu.memory_space<vmem>>) target(%dma_start3A_793 : memref<64x128xf32, #tpu.memory_space<hbm>>) target_semaphore(%arg19 : memref<!tpu.dma_semaphore, #tpu.memory_space<semaphore_mem>>)
    %dma_start3A_797 = arith.constant 1 : i32
    %dma_start3A_798 = arith.constant 64 : i32
    %dma_start3A_799 = arith.constant 0 : i32
    %dma_start3A_800 = tpu.memref_slice %arg9[%dma_start3A_798, %dma_start3A_799] : memref<128x128xf32, #tpu.memory_space<vmem>> -> memref<64x128xf32, #tpu.memory_space<vmem>>
    %dma_start3A_801 = arith.constant 0 : i32
    %dma_start3A_802 = tpu.memref_slice %arg5[%dma_start3A_797, %mul3A_2, %dma_start3A_801] : memref<16x2048x128xf32, #tpu.memory_space<hbm>> -> memref<1x64x128xf32, #tpu.memory_space<hbm>>
    %dma_start3A_803 = tpu.memref_squeeze %dma_start3A_802 : memref<1x64x128xf32, #tpu.memory_space<hbm>> -> memref<64x128xf32, #tpu.memory_space<hbm>>
    %dma_start3A_804 = arith.constant 0 : i32
    %dma_start3A_805 = tpu.memref_slice %arg5[%dma_start3A_797, %mul3A_2, %dma_start3A_804] : memref<16x2048x128xf32, #tpu.memory_space<hbm>> -> memref<1x64x128xf32, #tpu.memory_space<hbm>>
    %dma_start3A_806 = tpu.memref_squeeze %dma_start3A_805 : memref<1x64x128xf32, #tpu.memory_space<hbm>> -> memref<64x128xf32, #tpu.memory_space<hbm>>
    %dma_start3A_807 = arith.constant 64 : i32
    %dma_start3A_808 = arith.constant 0 : i32
    %dma_start3A_809 = tpu.memref_slice %arg9[%dma_start3A_807, %dma_start3A_808] : memref<128x128xf32, #tpu.memory_space<vmem>> -> memref<64x128xf32, #tpu.memory_space<vmem>>
    tpu.enqueue_dma source(%dma_start3A_809 : memref<64x128xf32, #tpu.memory_space<vmem>>) target(%dma_start3A_806 : memref<64x128xf32, #tpu.memory_space<hbm>>) target_semaphore(%arg19 : memref<!tpu.dma_semaphore, #tpu.memory_space<semaphore_mem>>)
    %dma_start3A_810 = arith.constant 512 : i32
    %dma_start3A_811 = tpu.memref_slice %arg7[%dma_start3A_810] : memref<1024xi32, #tpu.memory_space<vmem>> -> memref<128xi32, #tpu.memory_space<vmem>>
    %dma_start3A_812 = arith.constant 0 : i32
    %dma_start3A_813 = arith.constant 0 : i32
    %dma_start3A_814 = tpu.memref_slice %arg3[%dma_start3A_812, %dma_start3A_813] : memref<100000x128xf32, #tpu.memory_space<hbm>> -> memref<100000x128xf32, #tpu.memory_space<hbm>>
    tpu.enqueue_indirect_dma source(%dma_start3A_814 : memref<100000x128xf32, #tpu.memory_space<hbm>>) target(%arg13 : memref<128x128xf32, #tpu.memory_space<vmem>>) offsets(%dma_start3A_811 : memref<128xi32, #tpu.memory_space<vmem>>) semaphore(%arg18 : memref<!tpu.dma_semaphore, #tpu.memory_space<semaphore_mem>>)
    %dma_wait3A_815 = arith.constant 128 : i32
    %dma_wait3A_816 = tpu.memref_slice %arg7[%dma_wait3A_815] : memref<1024xi32, #tpu.memory_space<vmem>> -> memref<128xi32, #tpu.memory_space<vmem>>
    %dma_wait3A_817 = arith.constant 0 : i32
    %dma_wait3A_818 = arith.constant 0 : i32
    %dma_wait3A_819 = tpu.memref_slice %arg3[%dma_wait3A_817, %dma_wait3A_818] : memref<100000x128xf32, #tpu.memory_space<hbm>> -> memref<100000x128xf32, #tpu.memory_space<hbm>>
    tpu.wait_indirect_dma semaphore(%arg15 : memref<!tpu.dma_semaphore, #tpu.memory_space<semaphore_mem>>) src(%dma_wait3A_819 : memref<100000x128xf32, #tpu.memory_space<hbm>>) dst(%arg10 : memref<128x128xf32, #tpu.memory_space<vmem>>)
    %scan3A_820 = arith.constant 0 : i32
    %scan3A_821 = arith.constant 0 : i32
    %scan3A_822 = arith.constant 64 : i32
    %scan3A_823 = arith.addi %scan3A_821, %scan3A_822 : i32
    %scan3A_824 = arith.constant 1 : i32
    scf.for %scan3A_1297 = %scan3A_821 to %scan3A_823 step %scan3A_824  : i32 {
      %get3A_1298 = arith.index_cast %scan3A_1297 : i32 to index
      %get3A_1299 = arith.constant 0 : index
      %get3A_1300 = tpu.vector_load %arg8[%get3A_1298, %get3A_1299] {strides = array<i32>} : memref<64x128xf32, #tpu.memory_space<vmem>>, vector<1x16xf32>,
      %get3A_1301 = vector.shape_cast %get3A_1300 : vector<1x16xf32> to vector<16xf32>
      %swap3A_1302 = arith.index_cast %scan3A_1297 : i32 to index
      %swap3A_1303 = arith.constant 0 : index
      %swap3A_1304 = tpu.vector_load %arg10[%swap3A_1302, %swap3A_1303] {strides = array<i32>} : memref<128x128xf32, #tpu.memory_space<vmem>>, vector<1x16xf32>,
      %swap3A_1305 = vector.shape_cast %swap3A_1304 : vector<1x16xf32> to vector<16xf32>
      %swap3A_1306 = vector.shape_cast %get3A_1301 : vector<16xf32> to vector<1x16xf32>
      tpu.vector_store %arg10[%swap3A_1302, %swap3A_1303], %swap3A_1306 {add = true, strides = array<i32>} : memref<128x128xf32, #tpu.memory_space<vmem>>, vector<1x16xf32>,
      %add3A_1307 = arith.constant 64 : i32
      %add3A_1308 = arith.addi %add3A_1307, %scan3A_1297 : i32
      %swap3A_1309 = arith.index_cast %add3A_1308 : i32 to index
      %swap3A_1310 = arith.constant 0 : index
      %swap3A_1311 = tpu.vector_load %arg10[%swap3A_1309, %swap3A_1310] {strides = array<i32>} : memref<128x128xf32, #tpu.memory_space<vmem>>, vector<1x16xf32>,
      %swap3A_1312 = vector.shape_cast %swap3A_1311 : vector<1x16xf32> to vector<16xf32>
      %swap3A_1313 = vector.shape_cast %get3A_1301 : vector<16xf32> to vector<1x16xf32>
      tpu.vector_store %arg10[%swap3A_1309, %swap3A_1310], %swap3A_1313 {add = true, strides = array<i32>} : memref<128x128xf32, #tpu.memory_space<vmem>>, vector<1x16xf32>,
      %get3A_1314 = arith.index_cast %scan3A_1297 : i32 to index
      %get3A_1315 = arith.constant 16 : index
      %get3A_1316 = tpu.vector_load %arg8[%get3A_1314, %get3A_1315] {strides = array<i32>} : memref<64x128xf32, #tpu.memory_space<vmem>>, vector<1x16xf32>,
      %get3A_1317 = vector.shape_cast %get3A_1316 : vector<1x16xf32> to vector<16xf32>
      %swap3A_1318 = arith.index_cast %scan3A_1297 : i32 to index
      %swap3A_1319 = arith.constant 16 : index
      %swap3A_1320 = tpu.vector_load %arg10[%swap3A_1318, %swap3A_1319] {strides = array<i32>} : memref<128x128xf32, #tpu.memory_space<vmem>>, vector<1x16xf32>,
      %swap3A_1321 = vector.shape_cast %swap3A_1320 : vector<1x16xf32> to vector<16xf32>
      %swap3A_1322 = vector.shape_cast %get3A_1317 : vector<16xf32> to vector<1x16xf32>
      tpu.vector_store %arg10[%swap3A_1318, %swap3A_1319], %swap3A_1322 {add = true, strides = array<i32>} : memref<128x128xf32, #tpu.memory_space<vmem>>, vector<1x16xf32>,
      %add3A_1323 = arith.constant 64 : i32
      %add3A_1324 = arith.addi %add3A_1323, %scan3A_1297 : i32
      %swap3A_1325 = arith.index_cast %add3A_1324 : i32 to index
      %swap3A_1326 = arith.constant 16 : index
      %swap3A_1327 = tpu.vector_load %arg10[%swap3A_1325, %swap3A_1326] {strides = array<i32>} : memref<128x128xf32, #tpu.memory_space<vmem>>, vector<1x16xf32>,
      %swap3A_1328 = vector.shape_cast %swap3A_1327 : vector<1x16xf32> to vector<16xf32>
      %swap3A_1329 = vector.shape_cast %get3A_1317 : vector<16xf32> to vector<1x16xf32>
      tpu.vector_store %arg10[%swap3A_1325, %swap3A_1326], %swap3A_1329 {add = true, strides = array<i32>} : memref<128x128xf32, #tpu.memory_space<vmem>>, vector<1x16xf32>,
      %get3A_1330 = arith.index_cast %scan3A_1297 : i32 to index
      %get3A_1331 = arith.constant 32 : index
      %get3A_1332 = tpu.vector_load %arg8[%get3A_1330, %get3A_1331] {strides = array<i32>} : memref<64x128xf32, #tpu.memory_space<vmem>>, vector<1x16xf32>,
      %get3A_1333 = vector.shape_cast %get3A_1332 : vector<1x16xf32> to vector<16xf32>
      %swap3A_1334 = arith.index_cast %scan3A_1297 : i32 to index
      %swap3A_1335 = arith.constant 32 : index
      %swap3A_1336 = tpu.vector_load %arg10[%swap3A_1334, %swap3A_1335] {strides = array<i32>} : memref<128x128xf32, #tpu.memory_space<vmem>>, vector<1x16xf32>,
      %swap3A_1337 = vector.shape_cast %swap3A_1336 : vector<1x16xf32> to vector<16xf32>
      %swap3A_1338 = vector.shape_cast %get3A_1333 : vector<16xf32> to vector<1x16xf32>
      tpu.vector_store %arg10[%swap3A_1334, %swap3A_1335], %swap3A_1338 {add = true, strides = array<i32>} : memref<128x128xf32, #tpu.memory_space<vmem>>, vector<1x16xf32>,
      %add3A_1339 = arith.constant 64 : i32
      %add3A_1340 = arith.addi %add3A_1339, %scan3A_1297 : i32
      %swap3A_1341 = arith.index_cast %add3A_1340 : i32 to index
      %swap3A_1342 = arith.constant 32 : index
      %swap3A_1343 = tpu.vector_load %arg10[%swap3A_1341, %swap3A_1342] {strides = array<i32>} : memref<128x128xf32, #tpu.memory_space<vmem>>, vector<1x16xf32>,
      %swap3A_1344 = vector.shape_cast %swap3A_1343 : vector<1x16xf32> to vector<16xf32>
      %swap3A_1345 = vector.shape_cast %get3A_1333 : vector<16xf32> to vector<1x16xf32>
      tpu.vector_store %arg10[%swap3A_1341, %swap3A_1342], %swap3A_1345 {add = true, strides = array<i32>} : memref<128x128xf32, #tpu.memory_space<vmem>>, vector<1x16xf32>,
      %get3A_1346 = arith.index_cast %scan3A_1297 : i32 to index
      %get3A_1347 = arith.constant 48 : index
      %get3A_1348 = tpu.vector_load %arg8[%get3A_1346, %get3A_1347] {strides = array<i32>} : memref<64x128xf32, #tpu.memory_space<vmem>>, vector<1x16xf32>,
      %get3A_1349 = vector.shape_cast %get3A_1348 : vector<1x16xf32> to vector<16xf32>
      %swap3A_1350 = arith.index_cast %scan3A_1297 : i32 to index
      %swap3A_1351 = arith.constant 48 : index
      %swap3A_1352 = tpu.vector_load %arg10[%swap3A_1350, %swap3A_1351] {strides = array<i32>} : memref<128x128xf32, #tpu.memory_space<vmem>>, vector<1x16xf32>,
      %swap3A_1353 = vector.shape_cast %swap3A_1352 : vector<1x16xf32> to vector<16xf32>
      %swap3A_1354 = vector.shape_cast %get3A_1349 : vector<16xf32> to vector<1x16xf32>
      tpu.vector_store %arg10[%swap3A_1350, %swap3A_1351], %swap3A_1354 {add = true, strides = array<i32>} : memref<128x128xf32, #tpu.memory_space<vmem>>, vector<1x16xf32>,
      %add3A_1355 = arith.constant 64 : i32
      %add3A_1356 = arith.addi %add3A_1355, %scan3A_1297 : i32
      %swap3A_1357 = arith.index_cast %add3A_1356 : i32 to index
      %swap3A_1358 = arith.constant 48 : index
      %swap3A_1359 = tpu.vector_load %arg10[%swap3A_1357, %swap3A_1358] {strides = array<i32>} : memref<128x128xf32, #tpu.memory_space<vmem>>, vector<1x16xf32>,
      %swap3A_1360 = vector.shape_cast %swap3A_1359 : vector<1x16xf32> to vector<16xf32>
      %swap3A_1361 = vector.shape_cast %get3A_1349 : vector<16xf32> to vector<1x16xf32>
      tpu.vector_store %arg10[%swap3A_1357, %swap3A_1358], %swap3A_1361 {add = true, strides = array<i32>} : memref<128x128xf32, #tpu.memory_space<vmem>>, vector<1x16xf32>,
      %get3A_1362 = arith.index_cast %scan3A_1297 : i32 to index
      %get3A_1363 = arith.constant 64 : index
      %get3A_1364 = tpu.vector_load %arg8[%get3A_1362, %get3A_1363] {strides = array<i32>} : memref<64x128xf32, #tpu.memory_space<vmem>>, vector<1x16xf32>,
      %get3A_1365 = vector.shape_cast %get3A_1364 : vector<1x16xf32> to vector<16xf32>
      %swap3A_1366 = arith.index_cast %scan3A_1297 : i32 to index
      %swap3A_1367 = arith.constant 64 : index
      %swap3A_1368 = tpu.vector_load %arg10[%swap3A_1366, %swap3A_1367] {strides = array<i32>} : memref<128x128xf32, #tpu.memory_space<vmem>>, vector<1x16xf32>,
      %swap3A_1369 = vector.shape_cast %swap3A_1368 : vector<1x16xf32> to vector<16xf32>
      %swap3A_1370 = vector.shape_cast %get3A_1365 : vector<16xf32> to vector<1x16xf32>
      tpu.vector_store %arg10[%swap3A_1366, %swap3A_1367], %swap3A_1370 {add = true, strides = array<i32>} : memref<128x128xf32, #tpu.memory_space<vmem>>, vector<1x16xf32>,
      %add3A_1371 = arith.constant 64 : i32
      %add3A_1372 = arith.addi %add3A_1371, %scan3A_1297 : i32
      %swap3A_1373 = arith.index_cast %add3A_1372 : i32 to index
      %swap3A_1374 = arith.constant 64 : index
      %swap3A_1375 = tpu.vector_load %arg10[%swap3A_1373, %swap3A_1374] {strides = array<i32>} : memref<128x128xf32, #tpu.memory_space<vmem>>, vector<1x16xf32>,
      %swap3A_1376 = vector.shape_cast %swap3A_1375 : vector<1x16xf32> to vector<16xf32>
      %swap3A_1377 = vector.shape_cast %get3A_1365 : vector<16xf32> to vector<1x16xf32>
      tpu.vector_store %arg10[%swap3A_1373, %swap3A_1374], %swap3A_1377 {add = true, strides = array<i32>} : memref<128x128xf32, #tpu.memory_space<vmem>>, vector<1x16xf32>,
      %get3A_1378 = arith.index_cast %scan3A_1297 : i32 to index
      %get3A_1379 = arith.constant 80 : index
      %get3A_1380 = tpu.vector_load %arg8[%get3A_1378, %get3A_1379] {strides = array<i32>} : memref<64x128xf32, #tpu.memory_space<vmem>>, vector<1x16xf32>,
      %get3A_1381 = vector.shape_cast %get3A_1380 : vector<1x16xf32> to vector<16xf32>
      %swap3A_1382 = arith.index_cast %scan3A_1297 : i32 to index
      %swap3A_1383 = arith.constant 80 : index
      %swap3A_1384 = tpu.vector_load %arg10[%swap3A_1382, %swap3A_1383] {strides = array<i32>} : memref<128x128xf32, #tpu.memory_space<vmem>>, vector<1x16xf32>,
      %swap3A_1385 = vector.shape_cast %swap3A_1384 : vector<1x16xf32> to vector<16xf32>
      %swap3A_1386 = vector.shape_cast %get3A_1381 : vector<16xf32> to vector<1x16xf32>
      tpu.vector_store %arg10[%swap3A_1382, %swap3A_1383], %swap3A_1386 {add = true, strides = array<i32>} : memref<128x128xf32, #tpu.memory_space<vmem>>, vector<1x16xf32>,
      %add3A_1387 = arith.constant 64 : i32
      %add3A_1388 = arith.addi %add3A_1387, %scan3A_1297 : i32
      %swap3A_1389 = arith.index_cast %add3A_1388 : i32 to index
      %swap3A_1390 = arith.constant 80 : index
      %swap3A_1391 = tpu.vector_load %arg10[%swap3A_1389, %swap3A_1390] {strides = array<i32>} : memref<128x128xf32, #tpu.memory_space<vmem>>, vector<1x16xf32>,
      %swap3A_1392 = vector.shape_cast %swap3A_1391 : vector<1x16xf32> to vector<16xf32>
      %swap3A_1393 = vector.shape_cast %get3A_1381 : vector<16xf32> to vector<1x16xf32>
      tpu.vector_store %arg10[%swap3A_1389, %swap3A_1390], %swap3A_1393 {add = true, strides = array<i32>} : memref<128x128xf32, #tpu.memory_space<vmem>>, vector<1x16xf32>,
      %get3A_1394 = arith.index_cast %scan3A_1297 : i32 to index
      %get3A_1395 = arith.constant 96 : index
      %get3A_1396 = tpu.vector_load %arg8[%get3A_1394, %get3A_1395] {strides = array<i32>} : memref<64x128xf32, #tpu.memory_space<vmem>>, vector<1x16xf32>,
      %get3A_1397 = vector.shape_cast %get3A_1396 : vector<1x16xf32> to vector<16xf32>
      %swap3A_1398 = arith.index_cast %scan3A_1297 : i32 to index
      %swap3A_1399 = arith.constant 96 : index
      %swap3A_1400 = tpu.vector_load %arg10[%swap3A_1398, %swap3A_1399] {strides = array<i32>} : memref<128x128xf32, #tpu.memory_space<vmem>>, vector<1x16xf32>,
      %swap3A_1401 = vector.shape_cast %swap3A_1400 : vector<1x16xf32> to vector<16xf32>
      %swap3A_1402 = vector.shape_cast %get3A_1397 : vector<16xf32> to vector<1x16xf32>
      tpu.vector_store %arg10[%swap3A_1398, %swap3A_1399], %swap3A_1402 {add = true, strides = array<i32>} : memref<128x128xf32, #tpu.memory_space<vmem>>, vector<1x16xf32>,
      %add3A_1403 = arith.constant 64 : i32
      %add3A_1404 = arith.addi %add3A_1403, %scan3A_1297 : i32
      %swap3A_1405 = arith.index_cast %add3A_1404 : i32 to index
      %swap3A_1406 = arith.constant 96 : index
      %swap3A_1407 = tpu.vector_load %arg10[%swap3A_1405, %swap3A_1406] {strides = array<i32>} : memref<128x128xf32, #tpu.memory_space<vmem>>, vector<1x16xf32>,
      %swap3A_1408 = vector.shape_cast %swap3A_1407 : vector<1x16xf32> to vector<16xf32>
      %swap3A_1409 = vector.shape_cast %get3A_1397 : vector<16xf32> to vector<1x16xf32>
      tpu.vector_store %arg10[%swap3A_1405, %swap3A_1406], %swap3A_1409 {add = true, strides = array<i32>} : memref<128x128xf32, #tpu.memory_space<vmem>>, vector<1x16xf32>,
      %get3A_1410 = arith.index_cast %scan3A_1297 : i32 to index
      %get3A_1411 = arith.constant 112 : index
      %get3A_1412 = tpu.vector_load %arg8[%get3A_1410, %get3A_1411] {strides = array<i32>} : memref<64x128xf32, #tpu.memory_space<vmem>>, vector<1x16xf32>,
      %get3A_1413 = vector.shape_cast %get3A_1412 : vector<1x16xf32> to vector<16xf32>
      %swap3A_1414 = arith.index_cast %scan3A_1297 : i32 to index
      %swap3A_1415 = arith.constant 112 : index
      %swap3A_1416 = tpu.vector_load %arg10[%swap3A_1414, %swap3A_1415] {strides = array<i32>} : memref<128x128xf32, #tpu.memory_space<vmem>>, vector<1x16xf32>,
      %swap3A_1417 = vector.shape_cast %swap3A_1416 : vector<1x16xf32> to vector<16xf32>
      %swap3A_1418 = vector.shape_cast %get3A_1413 : vector<16xf32> to vector<1x16xf32>
      tpu.vector_store %arg10[%swap3A_1414, %swap3A_1415], %swap3A_1418 {add = true, strides = array<i32>} : memref<128x128xf32, #tpu.memory_space<vmem>>, vector<1x16xf32>,
      %add3A_1419 = arith.constant 64 : i32
      %add3A_1420 = arith.addi %add3A_1419, %scan3A_1297 : i32
      %swap3A_1421 = arith.index_cast %add3A_1420 : i32 to index
      %swap3A_1422 = arith.constant 112 : index
      %swap3A_1423 = tpu.vector_load %arg10[%swap3A_1421, %swap3A_1422] {strides = array<i32>} : memref<128x128xf32, #tpu.memory_space<vmem>>, vector<1x16xf32>,
      %swap3A_1424 = vector.shape_cast %swap3A_1423 : vector<1x16xf32> to vector<16xf32>
      %swap3A_1425 = vector.shape_cast %get3A_1413 : vector<16xf32> to vector<1x16xf32>
      tpu.vector_store %arg10[%swap3A_1421, %swap3A_1422], %swap3A_1425 {add = true, strides = array<i32>} : memref<128x128xf32, #tpu.memory_space<vmem>>, vector<1x16xf32>,
    }
    %scan3A_825 = arith.constant 64 : i32
    %dma_start3A_826 = arith.constant 2 : i32
    %dma_start3A_827 = arith.constant 0 : i32
    %dma_start3A_828 = arith.constant 0 : i32
    %dma_start3A_829 = tpu.memref_slice %arg10[%dma_start3A_827, %dma_start3A_828] : memref<128x128xf32, #tpu.memory_space<vmem>> -> memref<64x128xf32, #tpu.memory_space<vmem>>
    %dma_start3A_830 = arith.constant 0 : i32
    %dma_start3A_831 = tpu.memref_slice %arg5[%dma_start3A_826, %mul3A_2, %dma_start3A_830] : memref<16x2048x128xf32, #tpu.memory_space<hbm>> -> memref<1x64x128xf32, #tpu.memory_space<hbm>>
    %dma_start3A_832 = tpu.memref_squeeze %dma_start3A_831 : memref<1x64x128xf32, #tpu.memory_space<hbm>> -> memref<64x128xf32, #tpu.memory_space<hbm>>
    %dma_start3A_833 = arith.constant 0 : i32
    %dma_start3A_834 = tpu.memref_slice %arg5[%dma_start3A_826, %mul3A_2, %dma_start3A_833] : memref<16x2048x128xf32, #tpu.memory_space<hbm>> -> memref<1x64x128xf32, #tpu.memory_space<hbm>>
    %dma_start3A_835 = tpu.memref_squeeze %dma_start3A_834 : memref<1x64x128xf32, #tpu.memory_space<hbm>> -> memref<64x128xf32, #tpu.memory_space<hbm>>
    %dma_start3A_836 = arith.constant 0 : i32
    %dma_start3A_837 = arith.constant 0 : i32
    %dma_start3A_838 = tpu.memref_slice %arg10[%dma_start3A_836, %dma_start3A_837] : memref<128x128xf32, #tpu.memory_space<vmem>> -> memref<64x128xf32, #tpu.memory_space<vmem>>
    tpu.enqueue_dma source(%dma_start3A_838 : memref<64x128xf32, #tpu.memory_space<vmem>>) target(%dma_start3A_835 : memref<64x128xf32, #tpu.memory_space<hbm>>) target_semaphore(%arg20 : memref<!tpu.dma_semaphore, #tpu.memory_space<semaphore_mem>>)
    %dma_start3A_839 = arith.constant 3 : i32
    %dma_start3A_840 = arith.constant 64 : i32
    %dma_start3A_841 = arith.constant 0 : i32
    %dma_start3A_842 = tpu.memref_slice %arg10[%dma_start3A_840, %dma_start3A_841] : memref<128x128xf32, #tpu.memory_space<vmem>> -> memref<64x128xf32, #tpu.memory_space<vmem>>
    %dma_start3A_843 = arith.constant 0 : i32
    %dma_start3A_844 = tpu.memref_slice %arg5[%dma_start3A_839, %mul3A_2, %dma_start3A_843] : memref<16x2048x128xf32, #tpu.memory_space<hbm>> -> memref<1x64x128xf32, #tpu.memory_space<hbm>>
    %dma_start3A_845 = tpu.memref_squeeze %dma_start3A_844 : memref<1x64x128xf32, #tpu.memory_space<hbm>> -> memref<64x128xf32, #tpu.memory_space<hbm>>
    %dma_start3A_846 = arith.constant 0 : i32
    %dma_start3A_847 = tpu.memref_slice %arg5[%dma_start3A_839, %mul3A_2, %dma_start3A_846] : memref<16x2048x128xf32, #tpu.memory_space<hbm>> -> memref<1x64x128xf32, #tpu.memory_space<hbm>>
    %dma_start3A_848 = tpu.memref_squeeze %dma_start3A_847 : memref<1x64x128xf32, #tpu.memory_space<hbm>> -> memref<64x128xf32, #tpu.memory_space<hbm>>
    %dma_start3A_849 = arith.constant 64 : i32
    %dma_start3A_850 = arith.constant 0 : i32
    %dma_start3A_851 = tpu.memref_slice %arg10[%dma_start3A_849, %dma_start3A_850] : memref<128x128xf32, #tpu.memory_space<vmem>> -> memref<64x128xf32, #tpu.memory_space<vmem>>
    tpu.enqueue_dma source(%dma_start3A_851 : memref<64x128xf32, #tpu.memory_space<vmem>>) target(%dma_start3A_848 : memref<64x128xf32, #tpu.memory_space<hbm>>) target_semaphore(%arg20 : memref<!tpu.dma_semaphore, #tpu.memory_space<semaphore_mem>>)
    %dma_wait3A_852 = arith.constant 0 : i32
    %dma_wait3A_853 = arith.constant 0 : i32
    %dma_wait3A_854 = arith.constant 0 : i32
    %dma_wait3A_855 = tpu.memref_slice %arg9[%dma_wait3A_853, %dma_wait3A_854] : memref<128x128xf32, #tpu.memory_space<vmem>> -> memref<64x128xf32, #tpu.memory_space<vmem>>
    %dma_wait3A_856 = arith.constant 0 : i32
    %dma_wait3A_857 = tpu.memref_slice %arg5[%dma_wait3A_852, %mul3A_2, %dma_wait3A_856] : memref<16x2048x128xf32, #tpu.memory_space<hbm>> -> memref<1x64x128xf32, #tpu.memory_space<hbm>>
    %dma_wait3A_858 = tpu.memref_squeeze %dma_wait3A_857 : memref<1x64x128xf32, #tpu.memory_space<hbm>> -> memref<64x128xf32, #tpu.memory_space<hbm>>
    %dma_wait3A_859 = arith.constant 0 : i32
    %dma_wait3A_860 = tpu.memref_slice %arg5[%dma_wait3A_852, %mul3A_2, %dma_wait3A_859] : memref<16x2048x128xf32, #tpu.memory_space<hbm>> -> memref<1x64x128xf32, #tpu.memory_space<hbm>>
    %dma_wait3A_861 = tpu.memref_squeeze %dma_wait3A_860 : memref<1x64x128xf32, #tpu.memory_space<hbm>> -> memref<64x128xf32, #tpu.memory_space<hbm>>
    %dma_wait3A_862 = arith.constant 0 : i32
    %dma_wait3A_863 = arith.constant 0 : i32
    %dma_wait3A_864 = tpu.memref_slice %arg9[%dma_wait3A_862, %dma_wait3A_863] : memref<128x128xf32, #tpu.memory_space<vmem>> -> memref<64x128xf32, #tpu.memory_space<vmem>>
    tpu.wait_dma2 semaphore(%arg19 : memref<!tpu.dma_semaphore, #tpu.memory_space<semaphore_mem>>) src(%dma_wait3A_864 : memref<64x128xf32, #tpu.memory_space<vmem>>) dst(%dma_wait3A_861 : memref<64x128xf32, #tpu.memory_space<hbm>>)
    %dma_wait3A_865 = arith.constant 1 : i32
    %dma_wait3A_866 = arith.constant 64 : i32
    %dma_wait3A_867 = arith.constant 0 : i32
    %dma_wait3A_868 = tpu.memref_slice %arg9[%dma_wait3A_866, %dma_wait3A_867] : memref<128x128xf32, #tpu.memory_space<vmem>> -> memref<64x128xf32, #tpu.memory_space<vmem>>
    %dma_wait3A_869 = arith.constant 0 : i32
    %dma_wait3A_870 = tpu.memref_slice %arg5[%dma_wait3A_865, %mul3A_2, %dma_wait3A_869] : memref<16x2048x128xf32, #tpu.memory_space<hbm>> -> memref<1x64x128xf32, #tpu.memory_space<hbm>>
    %dma_wait3A_871 = tpu.memref_squeeze %dma_wait3A_870 : memref<1x64x128xf32, #tpu.memory_space<hbm>> -> memref<64x128xf32, #tpu.memory_space<hbm>>
    %dma_wait3A_872 = arith.constant 0 : i32
    %dma_wait3A_873 = tpu.memref_slice %arg5[%dma_wait3A_865, %mul3A_2, %dma_wait3A_872] : memref<16x2048x128xf32, #tpu.memory_space<hbm>> -> memref<1x64x128xf32, #tpu.memory_space<hbm>>
    %dma_wait3A_874 = tpu.memref_squeeze %dma_wait3A_873 : memref<1x64x128xf32, #tpu.memory_space<hbm>> -> memref<64x128xf32, #tpu.memory_space<hbm>>
    %dma_wait3A_875 = arith.constant 64 : i32
    %dma_wait3A_876 = arith.constant 0 : i32
    %dma_wait3A_877 = tpu.memref_slice %arg9[%dma_wait3A_875, %dma_wait3A_876] : memref<128x128xf32, #tpu.memory_space<vmem>> -> memref<64x128xf32, #tpu.memory_space<vmem>>
    tpu.wait_dma2 semaphore(%arg19 : memref<!tpu.dma_semaphore, #tpu.memory_space<semaphore_mem>>) src(%dma_wait3A_877 : memref<64x128xf32, #tpu.memory_space<vmem>>) dst(%dma_wait3A_874 : memref<64x128xf32, #tpu.memory_space<hbm>>)
    %dma_start3A_878 = arith.constant 640 : i32
    %dma_start3A_879 = tpu.memref_slice %arg7[%dma_start3A_878] : memref<1024xi32, #tpu.memory_space<vmem>> -> memref<128xi32, #tpu.memory_space<vmem>>
    %dma_start3A_880 = arith.constant 0 : i32
    %dma_start3A_881 = arith.constant 0 : i32
    %dma_start3A_882 = tpu.memref_slice %arg3[%dma_start3A_880, %dma_start3A_881] : memref<100000x128xf32, #tpu.memory_space<hbm>> -> memref<100000x128xf32, #tpu.memory_space<hbm>>
    tpu.enqueue_indirect_dma source(%dma_start3A_882 : memref<100000x128xf32, #tpu.memory_space<hbm>>) target(%arg9 : memref<128x128xf32, #tpu.memory_space<vmem>>) offsets(%dma_start3A_879 : memref<128xi32, #tpu.memory_space<vmem>>) semaphore(%arg14 : memref<!tpu.dma_semaphore, #tpu.memory_space<semaphore_mem>>)
    %dma_wait3A_883 = arith.constant 256 : i32
    %dma_wait3A_884 = tpu.memref_slice %arg7[%dma_wait3A_883] : memref<1024xi32, #tpu.memory_space<vmem>> -> memref<128xi32, #tpu.memory_space<vmem>>
    %dma_wait3A_885 = arith.constant 0 : i32
    %dma_wait3A_886 = arith.constant 0 : i32
    %dma_wait3A_887 = tpu.memref_slice %arg3[%dma_wait3A_885, %dma_wait3A_886] : memref<100000x128xf32, #tpu.memory_space<hbm>> -> memref<100000x128xf32, #tpu.memory_space<hbm>>
    tpu.wait_indirect_dma semaphore(%arg16 : memref<!tpu.dma_semaphore, #tpu.memory_space<semaphore_mem>>) src(%dma_wait3A_887 : memref<100000x128xf32, #tpu.memory_space<hbm>>) dst(%arg11 : memref<128x128xf32, #tpu.memory_space<vmem>>)
    %scan3A_888 = arith.constant 0 : i32
    %scan3A_889 = arith.constant 0 : i32
    %scan3A_890 = arith.constant 64 : i32
    %scan3A_891 = arith.addi %scan3A_889, %scan3A_890 : i32
    %scan3A_892 = arith.constant 1 : i32
    scf.for %scan3A_1297 = %scan3A_889 to %scan3A_891 step %scan3A_892  : i32 {
      %get3A_1298 = arith.index_cast %scan3A_1297 : i32 to index
      %get3A_1299 = arith.constant 0 : index
      %get3A_1300 = tpu.vector_load %arg8[%get3A_1298, %get3A_1299] {strides = array<i32>} : memref<64x128xf32, #tpu.memory_space<vmem>>, vector<1x16xf32>,
      %get3A_1301 = vector.shape_cast %get3A_1300 : vector<1x16xf32> to vector<16xf32>
      %swap3A_1302 = arith.index_cast %scan3A_1297 : i32 to index
      %swap3A_1303 = arith.constant 0 : index
      %swap3A_1304 = tpu.vector_load %arg11[%swap3A_1302, %swap3A_1303] {strides = array<i32>} : memref<128x128xf32, #tpu.memory_space<vmem>>, vector<1x16xf32>,
      %swap3A_1305 = vector.shape_cast %swap3A_1304 : vector<1x16xf32> to vector<16xf32>
      %swap3A_1306 = vector.shape_cast %get3A_1301 : vector<16xf32> to vector<1x16xf32>
      tpu.vector_store %arg11[%swap3A_1302, %swap3A_1303], %swap3A_1306 {add = true, strides = array<i32>} : memref<128x128xf32, #tpu.memory_space<vmem>>, vector<1x16xf32>,
      %add3A_1307 = arith.constant 64 : i32
      %add3A_1308 = arith.addi %add3A_1307, %scan3A_1297 : i32
      %swap3A_1309 = arith.index_cast %add3A_1308 : i32 to index
      %swap3A_1310 = arith.constant 0 : index
      %swap3A_1311 = tpu.vector_load %arg11[%swap3A_1309, %swap3A_1310] {strides = array<i32>} : memref<128x128xf32, #tpu.memory_space<vmem>>, vector<1x16xf32>,
      %swap3A_1312 = vector.shape_cast %swap3A_1311 : vector<1x16xf32> to vector<16xf32>
      %swap3A_1313 = vector.shape_cast %get3A_1301 : vector<16xf32> to vector<1x16xf32>
      tpu.vector_store %arg11[%swap3A_1309, %swap3A_1310], %swap3A_1313 {add = true, strides = array<i32>} : memref<128x128xf32, #tpu.memory_space<vmem>>, vector<1x16xf32>,
      %get3A_1314 = arith.index_cast %scan3A_1297 : i32 to index
      %get3A_1315 = arith.constant 16 : index
      %get3A_1316 = tpu.vector_load %arg8[%get3A_1314, %get3A_1315] {strides = array<i32>} : memref<64x128xf32, #tpu.memory_space<vmem>>, vector<1x16xf32>,
      %get3A_1317 = vector.shape_cast %get3A_1316 : vector<1x16xf32> to vector<16xf32>
      %swap3A_1318 = arith.index_cast %scan3A_1297 : i32 to index
      %swap3A_1319 = arith.constant 16 : index
      %swap3A_1320 = tpu.vector_load %arg11[%swap3A_1318, %swap3A_1319] {strides = array<i32>} : memref<128x128xf32, #tpu.memory_space<vmem>>, vector<1x16xf32>,
      %swap3A_1321 = vector.shape_cast %swap3A_1320 : vector<1x16xf32> to vector<16xf32>
      %swap3A_1322 = vector.shape_cast %get3A_1317 : vector<16xf32> to vector<1x16xf32>
      tpu.vector_store %arg11[%swap3A_1318, %swap3A_1319], %swap3A_1322 {add = true, strides = array<i32>} : memref<128x128xf32, #tpu.memory_space<vmem>>, vector<1x16xf32>,
      %add3A_1323 = arith.constant 64 : i32
      %add3A_1324 = arith.addi %add3A_1323, %scan3A_1297 : i32
      %swap3A_1325 = arith.index_cast %add3A_1324 : i32 to index
      %swap3A_1326 = arith.constant 16 : index
      %swap3A_1327 = tpu.vector_load %arg11[%swap3A_1325, %swap3A_1326] {strides = array<i32>} : memref<128x128xf32, #tpu.memory_space<vmem>>, vector<1x16xf32>,
      %swap3A_1328 = vector.shape_cast %swap3A_1327 : vector<1x16xf32> to vector<16xf32>
      %swap3A_1329 = vector.shape_cast %get3A_1317 : vector<16xf32> to vector<1x16xf32>
      tpu.vector_store %arg11[%swap3A_1325, %swap3A_1326], %swap3A_1329 {add = true, strides = array<i32>} : memref<128x128xf32, #tpu.memory_space<vmem>>, vector<1x16xf32>,
      %get3A_1330 = arith.index_cast %scan3A_1297 : i32 to index
      %get3A_1331 = arith.constant 32 : index
      %get3A_1332 = tpu.vector_load %arg8[%get3A_1330, %get3A_1331] {strides = array<i32>} : memref<64x128xf32, #tpu.memory_space<vmem>>, vector<1x16xf32>,
      %get3A_1333 = vector.shape_cast %get3A_1332 : vector<1x16xf32> to vector<16xf32>
      %swap3A_1334 = arith.index_cast %scan3A_1297 : i32 to index
      %swap3A_1335 = arith.constant 32 : index
      %swap3A_1336 = tpu.vector_load %arg11[%swap3A_1334, %swap3A_1335] {strides = array<i32>} : memref<128x128xf32, #tpu.memory_space<vmem>>, vector<1x16xf32>,
      %swap3A_1337 = vector.shape_cast %swap3A_1336 : vector<1x16xf32> to vector<16xf32>
      %swap3A_1338 = vector.shape_cast %get3A_1333 : vector<16xf32> to vector<1x16xf32>
      tpu.vector_store %arg11[%swap3A_1334, %swap3A_1335], %swap3A_1338 {add = true, strides = array<i32>} : memref<128x128xf32, #tpu.memory_space<vmem>>, vector<1x16xf32>,
      %add3A_1339 = arith.constant 64 : i32
      %add3A_1340 = arith.addi %add3A_1339, %scan3A_1297 : i32
      %swap3A_1341 = arith.index_cast %add3A_1340 : i32 to index
      %swap3A_1342 = arith.constant 32 : index
      %swap3A_1343 = tpu.vector_load %arg11[%swap3A_1341, %swap3A_1342] {strides = array<i32>} : memref<128x128xf32, #tpu.memory_space<vmem>>, vector<1x16xf32>,
      %swap3A_1344 = vector.shape_cast %swap3A_1343 : vector<1x16xf32> to vector<16xf32>
      %swap3A_1345 = vector.shape_cast %get3A_1333 : vector<16xf32> to vector<1x16xf32>
      tpu.vector_store %arg11[%swap3A_1341, %swap3A_1342], %swap3A_1345 {add = true, strides = array<i32>} : memref<128x128xf32, #tpu.memory_space<vmem>>, vector<1x16xf32>,
      %get3A_1346 = arith.index_cast %scan3A_1297 : i32 to index
      %get3A_1347 = arith.constant 48 : index
      %get3A_1348 = tpu.vector_load %arg8[%get3A_1346, %get3A_1347] {strides = array<i32>} : memref<64x128xf32, #tpu.memory_space<vmem>>, vector<1x16xf32>,
      %get3A_1349 = vector.shape_cast %get3A_1348 : vector<1x16xf32> to vector<16xf32>
      %swap3A_1350 = arith.index_cast %scan3A_1297 : i32 to index
      %swap3A_1351 = arith.constant 48 : index
      %swap3A_1352 = tpu.vector_load %arg11[%swap3A_1350, %swap3A_1351] {strides = array<i32>} : memref<128x128xf32, #tpu.memory_space<vmem>>, vector<1x16xf32>,
      %swap3A_1353 = vector.shape_cast %swap3A_1352 : vector<1x16xf32> to vector<16xf32>
      %swap3A_1354 = vector.shape_cast %get3A_1349 : vector<16xf32> to vector<1x16xf32>
      tpu.vector_store %arg11[%swap3A_1350, %swap3A_1351], %swap3A_1354 {add = true, strides = array<i32>} : memref<128x128xf32, #tpu.memory_space<vmem>>, vector<1x16xf32>,
      %add3A_1355 = arith.constant 64 : i32
      %add3A_1356 = arith.addi %add3A_1355, %scan3A_1297 : i32
      %swap3A_1357 = arith.index_cast %add3A_1356 : i32 to index
      %swap3A_1358 = arith.constant 48 : index
      %swap3A_1359 = tpu.vector_load %arg11[%swap3A_1357, %swap3A_1358] {strides = array<i32>} : memref<128x128xf32, #tpu.memory_space<vmem>>, vector<1x16xf32>,
      %swap3A_1360 = vector.shape_cast %swap3A_1359 : vector<1x16xf32> to vector<16xf32>
      %swap3A_1361 = vector.shape_cast %get3A_1349 : vector<16xf32> to vector<1x16xf32>
      tpu.vector_store %arg11[%swap3A_1357, %swap3A_1358], %swap3A_1361 {add = true, strides = array<i32>} : memref<128x128xf32, #tpu.memory_space<vmem>>, vector<1x16xf32>,
      %get3A_1362 = arith.index_cast %scan3A_1297 : i32 to index
      %get3A_1363 = arith.constant 64 : index
      %get3A_1364 = tpu.vector_load %arg8[%get3A_1362, %get3A_1363] {strides = array<i32>} : memref<64x128xf32, #tpu.memory_space<vmem>>, vector<1x16xf32>,
      %get3A_1365 = vector.shape_cast %get3A_1364 : vector<1x16xf32> to vector<16xf32>
      %swap3A_1366 = arith.index_cast %scan3A_1297 : i32 to index
      %swap3A_1367 = arith.constant 64 : index
      %swap3A_1368 = tpu.vector_load %arg11[%swap3A_1366, %swap3A_1367] {strides = array<i32>} : memref<128x128xf32, #tpu.memory_space<vmem>>, vector<1x16xf32>,
      %swap3A_1369 = vector.shape_cast %swap3A_1368 : vector<1x16xf32> to vector<16xf32>
      %swap3A_1370 = vector.shape_cast %get3A_1365 : vector<16xf32> to vector<1x16xf32>
      tpu.vector_store %arg11[%swap3A_1366, %swap3A_1367], %swap3A_1370 {add = true, strides = array<i32>} : memref<128x128xf32, #tpu.memory_space<vmem>>, vector<1x16xf32>,
      %add3A_1371 = arith.constant 64 : i32
      %add3A_1372 = arith.addi %add3A_1371, %scan3A_1297 : i32
      %swap3A_1373 = arith.index_cast %add3A_1372 : i32 to index
      %swap3A_1374 = arith.constant 64 : index
      %swap3A_1375 = tpu.vector_load %arg11[%swap3A_1373, %swap3A_1374] {strides = array<i32>} : memref<128x128xf32, #tpu.memory_space<vmem>>, vector<1x16xf32>,
      %swap3A_1376 = vector.shape_cast %swap3A_1375 : vector<1x16xf32> to vector<16xf32>
      %swap3A_1377 = vector.shape_cast %get3A_1365 : vector<16xf32> to vector<1x16xf32>
      tpu.vector_store %arg11[%swap3A_1373, %swap3A_1374], %swap3A_1377 {add = true, strides = array<i32>} : memref<128x128xf32, #tpu.memory_space<vmem>>, vector<1x16xf32>,
      %get3A_1378 = arith.index_cast %scan3A_1297 : i32 to index
      %get3A_1379 = arith.constant 80 : index
      %get3A_1380 = tpu.vector_load %arg8[%get3A_1378, %get3A_1379] {strides = array<i32>} : memref<64x128xf32, #tpu.memory_space<vmem>>, vector<1x16xf32>,
      %get3A_1381 = vector.shape_cast %get3A_1380 : vector<1x16xf32> to vector<16xf32>
      %swap3A_1382 = arith.index_cast %scan3A_1297 : i32 to index
      %swap3A_1383 = arith.constant 80 : index
      %swap3A_1384 = tpu.vector_load %arg11[%swap3A_1382, %swap3A_1383] {strides = array<i32>} : memref<128x128xf32, #tpu.memory_space<vmem>>, vector<1x16xf32>,
      %swap3A_1385 = vector.shape_cast %swap3A_1384 : vector<1x16xf32> to vector<16xf32>
      %swap3A_1386 = vector.shape_cast %get3A_1381 : vector<16xf32> to vector<1x16xf32>
      tpu.vector_store %arg11[%swap3A_1382, %swap3A_1383], %swap3A_1386 {add = true, strides = array<i32>} : memref<128x128xf32, #tpu.memory_space<vmem>>, vector<1x16xf32>,
      %add3A_1387 = arith.constant 64 : i32
      %add3A_1388 = arith.addi %add3A_1387, %scan3A_1297 : i32
      %swap3A_1389 = arith.index_cast %add3A_1388 : i32 to index
      %swap3A_1390 = arith.constant 80 : index
      %swap3A_1391 = tpu.vector_load %arg11[%swap3A_1389, %swap3A_1390] {strides = array<i32>} : memref<128x128xf32, #tpu.memory_space<vmem>>, vector<1x16xf32>,
      %swap3A_1392 = vector.shape_cast %swap3A_1391 : vector<1x16xf32> to vector<16xf32>
      %swap3A_1393 = vector.shape_cast %get3A_1381 : vector<16xf32> to vector<1x16xf32>
      tpu.vector_store %arg11[%swap3A_1389, %swap3A_1390], %swap3A_1393 {add = true, strides = array<i32>} : memref<128x128xf32, #tpu.memory_space<vmem>>, vector<1x16xf32>,
      %get3A_1394 = arith.index_cast %scan3A_1297 : i32 to index
      %get3A_1395 = arith.constant 96 : index
      %get3A_1396 = tpu.vector_load %arg8[%get3A_1394, %get3A_1395] {strides = array<i32>} : memref<64x128xf32, #tpu.memory_space<vmem>>, vector<1x16xf32>,
      %get3A_1397 = vector.shape_cast %get3A_1396 : vector<1x16xf32> to vector<16xf32>
      %swap3A_1398 = arith.index_cast %scan3A_1297 : i32 to index
      %swap3A_1399 = arith.constant 96 : index
      %swap3A_1400 = tpu.vector_load %arg11[%swap3A_1398, %swap3A_1399] {strides = array<i32>} : memref<128x128xf32, #tpu.memory_space<vmem>>, vector<1x16xf32>,
      %swap3A_1401 = vector.shape_cast %swap3A_1400 : vector<1x16xf32> to vector<16xf32>
      %swap3A_1402 = vector.shape_cast %get3A_1397 : vector<16xf32> to vector<1x16xf32>
      tpu.vector_store %arg11[%swap3A_1398, %swap3A_1399], %swap3A_1402 {add = true, strides = array<i32>} : memref<128x128xf32, #tpu.memory_space<vmem>>, vector<1x16xf32>,
      %add3A_1403 = arith.constant 64 : i32
      %add3A_1404 = arith.addi %add3A_1403, %scan3A_1297 : i32
      %swap3A_1405 = arith.index_cast %add3A_1404 : i32 to index
      %swap3A_1406 = arith.constant 96 : index
      %swap3A_1407 = tpu.vector_load %arg11[%swap3A_1405, %swap3A_1406] {strides = array<i32>} : memref<128x128xf32, #tpu.memory_space<vmem>>, vector<1x16xf32>,
      %swap3A_1408 = vector.shape_cast %swap3A_1407 : vector<1x16xf32> to vector<16xf32>
      %swap3A_1409 = vector.shape_cast %get3A_1397 : vector<16xf32> to vector<1x16xf32>
      tpu.vector_store %arg11[%swap3A_1405, %swap3A_1406], %swap3A_1409 {add = true, strides = array<i32>} : memref<128x128xf32, #tpu.memory_space<vmem>>, vector<1x16xf32>,
      %get3A_1410 = arith.index_cast %scan3A_1297 : i32 to index
      %get3A_1411 = arith.constant 112 : index
      %get3A_1412 = tpu.vector_load %arg8[%get3A_1410, %get3A_1411] {strides = array<i32>} : memref<64x128xf32, #tpu.memory_space<vmem>>, vector<1x16xf32>,
      %get3A_1413 = vector.shape_cast %get3A_1412 : vector<1x16xf32> to vector<16xf32>
      %swap3A_1414 = arith.index_cast %scan3A_1297 : i32 to index
      %swap3A_1415 = arith.constant 112 : index
      %swap3A_1416 = tpu.vector_load %arg11[%swap3A_1414, %swap3A_1415] {strides = array<i32>} : memref<128x128xf32, #tpu.memory_space<vmem>>, vector<1x16xf32>,
      %swap3A_1417 = vector.shape_cast %swap3A_1416 : vector<1x16xf32> to vector<16xf32>
      %swap3A_1418 = vector.shape_cast %get3A_1413 : vector<16xf32> to vector<1x16xf32>
      tpu.vector_store %arg11[%swap3A_1414, %swap3A_1415], %swap3A_1418 {add = true, strides = array<i32>} : memref<128x128xf32, #tpu.memory_space<vmem>>, vector<1x16xf32>,
      %add3A_1419 = arith.constant 64 : i32
      %add3A_1420 = arith.addi %add3A_1419, %scan3A_1297 : i32
      %swap3A_1421 = arith.index_cast %add3A_1420 : i32 to index
      %swap3A_1422 = arith.constant 112 : index
      %swap3A_1423 = tpu.vector_load %arg11[%swap3A_1421, %swap3A_1422] {strides = array<i32>} : memref<128x128xf32, #tpu.memory_space<vmem>>, vector<1x16xf32>,
      %swap3A_1424 = vector.shape_cast %swap3A_1423 : vector<1x16xf32> to vector<16xf32>
      %swap3A_1425 = vector.shape_cast %get3A_1413 : vector<16xf32> to vector<1x16xf32>
      tpu.vector_store %arg11[%swap3A_1421, %swap3A_1422], %swap3A_1425 {add = true, strides = array<i32>} : memref<128x128xf32, #tpu.memory_space<vmem>>, vector<1x16xf32>,
    }
    %scan3A_893 = arith.constant 64 : i32
    %dma_start3A_894 = arith.constant 4 : i32
    %dma_start3A_895 = arith.constant 0 : i32
    %dma_start3A_896 = arith.constant 0 : i32
    %dma_start3A_897 = tpu.memref_slice %arg11[%dma_start3A_895, %dma_start3A_896] : memref<128x128xf32, #tpu.memory_space<vmem>> -> memref<64x128xf32, #tpu.memory_space<vmem>>
    %dma_start3A_898 = arith.constant 0 : i32
    %dma_start3A_899 = tpu.memref_slice %arg5[%dma_start3A_894, %mul3A_2, %dma_start3A_898] : memref<16x2048x128xf32, #tpu.memory_space<hbm>> -> memref<1x64x128xf32, #tpu.memory_space<hbm>>
    %dma_start3A_900 = tpu.memref_squeeze %dma_start3A_899 : memref<1x64x128xf32, #tpu.memory_space<hbm>> -> memref<64x128xf32, #tpu.memory_space<hbm>>
    %dma_start3A_901 = arith.constant 0 : i32
    %dma_start3A_902 = tpu.memref_slice %arg5[%dma_start3A_894, %mul3A_2, %dma_start3A_901] : memref<16x2048x128xf32, #tpu.memory_space<hbm>> -> memref<1x64x128xf32, #tpu.memory_space<hbm>>
    %dma_start3A_903 = tpu.memref_squeeze %dma_start3A_902 : memref<1x64x128xf32, #tpu.memory_space<hbm>> -> memref<64x128xf32, #tpu.memory_space<hbm>>
    %dma_start3A_904 = arith.constant 0 : i32
    %dma_start3A_905 = arith.constant 0 : i32
    %dma_start3A_906 = tpu.memref_slice %arg11[%dma_start3A_904, %dma_start3A_905] : memref<128x128xf32, #tpu.memory_space<vmem>> -> memref<64x128xf32, #tpu.memory_space<vmem>>
    tpu.enqueue_dma source(%dma_start3A_906 : memref<64x128xf32, #tpu.memory_space<vmem>>) target(%dma_start3A_903 : memref<64x128xf32, #tpu.memory_space<hbm>>) target_semaphore(%arg21 : memref<!tpu.dma_semaphore, #tpu.memory_space<semaphore_mem>>)
    %dma_start3A_907 = arith.constant 5 : i32
    %dma_start3A_908 = arith.constant 64 : i32
    %dma_start3A_909 = arith.constant 0 : i32
    %dma_start3A_910 = tpu.memref_slice %arg11[%dma_start3A_908, %dma_start3A_909] : memref<128x128xf32, #tpu.memory_space<vmem>> -> memref<64x128xf32, #tpu.memory_space<vmem>>
    %dma_start3A_911 = arith.constant 0 : i32
    %dma_start3A_912 = tpu.memref_slice %arg5[%dma_start3A_907, %mul3A_2, %dma_start3A_911] : memref<16x2048x128xf32, #tpu.memory_space<hbm>> -> memref<1x64x128xf32, #tpu.memory_space<hbm>>
    %dma_start3A_913 = tpu.memref_squeeze %dma_start3A_912 : memref<1x64x128xf32, #tpu.memory_space<hbm>> -> memref<64x128xf32, #tpu.memory_space<hbm>>
    %dma_start3A_914 = arith.constant 0 : i32
    %dma_start3A_915 = tpu.memref_slice %arg5[%dma_start3A_907, %mul3A_2, %dma_start3A_914] : memref<16x2048x128xf32, #tpu.memory_space<hbm>> -> memref<1x64x128xf32, #tpu.memory_space<hbm>>
    %dma_start3A_916 = tpu.memref_squeeze %dma_start3A_915 : memref<1x64x128xf32, #tpu.memory_space<hbm>> -> memref<64x128xf32, #tpu.memory_space<hbm>>
    %dma_start3A_917 = arith.constant 64 : i32
    %dma_start3A_918 = arith.constant 0 : i32
    %dma_start3A_919 = tpu.memref_slice %arg11[%dma_start3A_917, %dma_start3A_918] : memref<128x128xf32, #tpu.memory_space<vmem>> -> memref<64x128xf32, #tpu.memory_space<vmem>>
    tpu.enqueue_dma source(%dma_start3A_919 : memref<64x128xf32, #tpu.memory_space<vmem>>) target(%dma_start3A_916 : memref<64x128xf32, #tpu.memory_space<hbm>>) target_semaphore(%arg21 : memref<!tpu.dma_semaphore, #tpu.memory_space<semaphore_mem>>)
    %dma_wait3A_920 = arith.constant 2 : i32
    %dma_wait3A_921 = arith.constant 0 : i32
    %dma_wait3A_922 = arith.constant 0 : i32
    %dma_wait3A_923 = tpu.memref_slice %arg10[%dma_wait3A_921, %dma_wait3A_922] : memref<128x128xf32, #tpu.memory_space<vmem>> -> memref<64x128xf32, #tpu.memory_space<vmem>>
    %dma_wait3A_924 = arith.constant 0 : i32
    %dma_wait3A_925 = tpu.memref_slice %arg5[%dma_wait3A_920, %mul3A_2, %dma_wait3A_924] : memref<16x2048x128xf32, #tpu.memory_space<hbm>> -> memref<1x64x128xf32, #tpu.memory_space<hbm>>
    %dma_wait3A_926 = tpu.memref_squeeze %dma_wait3A_925 : memref<1x64x128xf32, #tpu.memory_space<hbm>> -> memref<64x128xf32, #tpu.memory_space<hbm>>
    %dma_wait3A_927 = arith.constant 0 : i32
    %dma_wait3A_928 = tpu.memref_slice %arg5[%dma_wait3A_920, %mul3A_2, %dma_wait3A_927] : memref<16x2048x128xf32, #tpu.memory_space<hbm>> -> memref<1x64x128xf32, #tpu.memory_space<hbm>>
    %dma_wait3A_929 = tpu.memref_squeeze %dma_wait3A_928 : memref<1x64x128xf32, #tpu.memory_space<hbm>> -> memref<64x128xf32, #tpu.memory_space<hbm>>
    %dma_wait3A_930 = arith.constant 0 : i32
    %dma_wait3A_931 = arith.constant 0 : i32
    %dma_wait3A_932 = tpu.memref_slice %arg10[%dma_wait3A_930, %dma_wait3A_931] : memref<128x128xf32, #tpu.memory_space<vmem>> -> memref<64x128xf32, #tpu.memory_space<vmem>>
    tpu.wait_dma2 semaphore(%arg20 : memref<!tpu.dma_semaphore, #tpu.memory_space<semaphore_mem>>) src(%dma_wait3A_932 : memref<64x128xf32, #tpu.memory_space<vmem>>) dst(%dma_wait3A_929 : memref<64x128xf32, #tpu.memory_space<hbm>>)
    %dma_wait3A_933 = arith.constant 3 : i32
    %dma_wait3A_934 = arith.constant 64 : i32
    %dma_wait3A_935 = arith.constant 0 : i32
    %dma_wait3A_936 = tpu.memref_slice %arg10[%dma_wait3A_934, %dma_wait3A_935] : memref<128x128xf32, #tpu.memory_space<vmem>> -> memref<64x128xf32, #tpu.memory_space<vmem>>
    %dma_wait3A_937 = arith.constant 0 : i32
    %dma_wait3A_938 = tpu.memref_slice %arg5[%dma_wait3A_933, %mul3A_2, %dma_wait3A_937] : memref<16x2048x128xf32, #tpu.memory_space<hbm>> -> memref<1x64x128xf32, #tpu.memory_space<hbm>>
    %dma_wait3A_939 = tpu.memref_squeeze %dma_wait3A_938 : memref<1x64x128xf32, #tpu.memory_space<hbm>> -> memref<64x128xf32, #tpu.memory_space<hbm>>
    %dma_wait3A_940 = arith.constant 0 : i32
    %dma_wait3A_941 = tpu.memref_slice %arg5[%dma_wait3A_933, %mul3A_2, %dma_wait3A_940] : memref<16x2048x128xf32, #tpu.memory_space<hbm>> -> memref<1x64x128xf32, #tpu.memory_space<hbm>>
    %dma_wait3A_942 = tpu.memref_squeeze %dma_wait3A_941 : memref<1x64x128xf32, #tpu.memory_space<hbm>> -> memref<64x128xf32, #tpu.memory_space<hbm>>
    %dma_wait3A_943 = arith.constant 64 : i32
    %dma_wait3A_944 = arith.constant 0 : i32
    %dma_wait3A_945 = tpu.memref_slice %arg10[%dma_wait3A_943, %dma_wait3A_944] : memref<128x128xf32, #tpu.memory_space<vmem>> -> memref<64x128xf32, #tpu.memory_space<vmem>>
    tpu.wait_dma2 semaphore(%arg20 : memref<!tpu.dma_semaphore, #tpu.memory_space<semaphore_mem>>) src(%dma_wait3A_945 : memref<64x128xf32, #tpu.memory_space<vmem>>) dst(%dma_wait3A_942 : memref<64x128xf32, #tpu.memory_space<hbm>>)
    %dma_start3A_946 = arith.constant 768 : i32
    %dma_start3A_947 = tpu.memref_slice %arg7[%dma_start3A_946] : memref<1024xi32, #tpu.memory_space<vmem>> -> memref<128xi32, #tpu.memory_space<vmem>>
    %dma_start3A_948 = arith.constant 0 : i32
    %dma_start3A_949 = arith.constant 0 : i32
    %dma_start3A_950 = tpu.memref_slice %arg3[%dma_start3A_948, %dma_start3A_949] : memref<100000x128xf32, #tpu.memory_space<hbm>> -> memref<100000x128xf32, #tpu.memory_space<hbm>>
    tpu.enqueue_indirect_dma source(%dma_start3A_950 : memref<100000x128xf32, #tpu.memory_space<hbm>>) target(%arg10 : memref<128x128xf32, #tpu.memory_space<vmem>>) offsets(%dma_start3A_947 : memref<128xi32, #tpu.memory_space<vmem>>) semaphore(%arg15 : memref<!tpu.dma_semaphore, #tpu.memory_space<semaphore_mem>>)
    %dma_wait3A_951 = arith.constant 384 : i32
    %dma_wait3A_952 = tpu.memref_slice %arg7[%dma_wait3A_951] : memref<1024xi32, #tpu.memory_space<vmem>> -> memref<128xi32, #tpu.memory_space<vmem>>
    %dma_wait3A_953 = arith.constant 0 : i32
    %dma_wait3A_954 = arith.constant 0 : i32
    %dma_wait3A_955 = tpu.memref_slice %arg3[%dma_wait3A_953, %dma_wait3A_954] : memref<100000x128xf32, #tpu.memory_space<hbm>> -> memref<100000x128xf32, #tpu.memory_space<hbm>>
    tpu.wait_indirect_dma semaphore(%arg17 : memref<!tpu.dma_semaphore, #tpu.memory_space<semaphore_mem>>) src(%dma_wait3A_955 : memref<100000x128xf32, #tpu.memory_space<hbm>>) dst(%arg12 : memref<128x128xf32, #tpu.memory_space<vmem>>)
    %scan3A_956 = arith.constant 0 : i32
    %scan3A_957 = arith.constant 0 : i32
    %scan3A_958 = arith.constant 64 : i32
    %scan3A_959 = arith.addi %scan3A_957, %scan3A_958 : i32
    %scan3A_960 = arith.constant 1 : i32
    scf.for %scan3A_1297 = %scan3A_957 to %scan3A_959 step %scan3A_960  : i32 {
      %get3A_1298 = arith.index_cast %scan3A_1297 : i32 to index
      %get3A_1299 = arith.constant 0 : index
      %get3A_1300 = tpu.vector_load %arg8[%get3A_1298, %get3A_1299] {strides = array<i32>} : memref<64x128xf32, #tpu.memory_space<vmem>>, vector<1x16xf32>,
      %get3A_1301 = vector.shape_cast %get3A_1300 : vector<1x16xf32> to vector<16xf32>
      %swap3A_1302 = arith.index_cast %scan3A_1297 : i32 to index
      %swap3A_1303 = arith.constant 0 : index
      %swap3A_1304 = tpu.vector_load %arg12[%swap3A_1302, %swap3A_1303] {strides = array<i32>} : memref<128x128xf32, #tpu.memory_space<vmem>>, vector<1x16xf32>,
      %swap3A_1305 = vector.shape_cast %swap3A_1304 : vector<1x16xf32> to vector<16xf32>
      %swap3A_1306 = vector.shape_cast %get3A_1301 : vector<16xf32> to vector<1x16xf32>
      tpu.vector_store %arg12[%swap3A_1302, %swap3A_1303], %swap3A_1306 {add = true, strides = array<i32>} : memref<128x128xf32, #tpu.memory_space<vmem>>, vector<1x16xf32>,
      %add3A_1307 = arith.constant 64 : i32
      %add3A_1308 = arith.addi %add3A_1307, %scan3A_1297 : i32
      %swap3A_1309 = arith.index_cast %add3A_1308 : i32 to index
      %swap3A_1310 = arith.constant 0 : index
      %swap3A_1311 = tpu.vector_load %arg12[%swap3A_1309, %swap3A_1310] {strides = array<i32>} : memref<128x128xf32, #tpu.memory_space<vmem>>, vector<1x16xf32>,
      %swap3A_1312 = vector.shape_cast %swap3A_1311 : vector<1x16xf32> to vector<16xf32>
      %swap3A_1313 = vector.shape_cast %get3A_1301 : vector<16xf32> to vector<1x16xf32>
      tpu.vector_store %arg12[%swap3A_1309, %swap3A_1310], %swap3A_1313 {add = true, strides = array<i32>} : memref<128x128xf32, #tpu.memory_space<vmem>>, vector<1x16xf32>,
      %get3A_1314 = arith.index_cast %scan3A_1297 : i32 to index
      %get3A_1315 = arith.constant 16 : index
      %get3A_1316 = tpu.vector_load %arg8[%get3A_1314, %get3A_1315] {strides = array<i32>} : memref<64x128xf32, #tpu.memory_space<vmem>>, vector<1x16xf32>,
      %get3A_1317 = vector.shape_cast %get3A_1316 : vector<1x16xf32> to vector<16xf32>
      %swap3A_1318 = arith.index_cast %scan3A_1297 : i32 to index
      %swap3A_1319 = arith.constant 16 : index
      %swap3A_1320 = tpu.vector_load %arg12[%swap3A_1318, %swap3A_1319] {strides = array<i32>} : memref<128x128xf32, #tpu.memory_space<vmem>>, vector<1x16xf32>,
      %swap3A_1321 = vector.shape_cast %swap3A_1320 : vector<1x16xf32> to vector<16xf32>
      %swap3A_1322 = vector.shape_cast %get3A_1317 : vector<16xf32> to vector<1x16xf32>
      tpu.vector_store %arg12[%swap3A_1318, %swap3A_1319], %swap3A_1322 {add = true, strides = array<i32>} : memref<128x128xf32, #tpu.memory_space<vmem>>, vector<1x16xf32>,
      %add3A_1323 = arith.constant 64 : i32
      %add3A_1324 = arith.addi %add3A_1323, %scan3A_1297 : i32
      %swap3A_1325 = arith.index_cast %add3A_1324 : i32 to index
      %swap3A_1326 = arith.constant 16 : index
      %swap3A_1327 = tpu.vector_load %arg12[%swap3A_1325, %swap3A_1326] {strides = array<i32>} : memref<128x128xf32, #tpu.memory_space<vmem>>, vector<1x16xf32>,
      %swap3A_1328 = vector.shape_cast %swap3A_1327 : vector<1x16xf32> to vector<16xf32>
      %swap3A_1329 = vector.shape_cast %get3A_1317 : vector<16xf32> to vector<1x16xf32>
      tpu.vector_store %arg12[%swap3A_1325, %swap3A_1326], %swap3A_1329 {add = true, strides = array<i32>} : memref<128x128xf32, #tpu.memory_space<vmem>>, vector<1x16xf32>,
      %get3A_1330 = arith.index_cast %scan3A_1297 : i32 to index
      %get3A_1331 = arith.constant 32 : index
      %get3A_1332 = tpu.vector_load %arg8[%get3A_1330, %get3A_1331] {strides = array<i32>} : memref<64x128xf32, #tpu.memory_space<vmem>>, vector<1x16xf32>,
      %get3A_1333 = vector.shape_cast %get3A_1332 : vector<1x16xf32> to vector<16xf32>
      %swap3A_1334 = arith.index_cast %scan3A_1297 : i32 to index
      %swap3A_1335 = arith.constant 32 : index
      %swap3A_1336 = tpu.vector_load %arg12[%swap3A_1334, %swap3A_1335] {strides = array<i32>} : memref<128x128xf32, #tpu.memory_space<vmem>>, vector<1x16xf32>,
      %swap3A_1337 = vector.shape_cast %swap3A_1336 : vector<1x16xf32> to vector<16xf32>
      %swap3A_1338 = vector.shape_cast %get3A_1333 : vector<16xf32> to vector<1x16xf32>
      tpu.vector_store %arg12[%swap3A_1334, %swap3A_1335], %swap3A_1338 {add = true, strides = array<i32>} : memref<128x128xf32, #tpu.memory_space<vmem>>, vector<1x16xf32>,
      %add3A_1339 = arith.constant 64 : i32
      %add3A_1340 = arith.addi %add3A_1339, %scan3A_1297 : i32
      %swap3A_1341 = arith.index_cast %add3A_1340 : i32 to index
      %swap3A_1342 = arith.constant 32 : index
      %swap3A_1343 = tpu.vector_load %arg12[%swap3A_1341, %swap3A_1342] {strides = array<i32>} : memref<128x128xf32, #tpu.memory_space<vmem>>, vector<1x16xf32>,
      %swap3A_1344 = vector.shape_cast %swap3A_1343 : vector<1x16xf32> to vector<16xf32>
      %swap3A_1345 = vector.shape_cast %get3A_1333 : vector<16xf32> to vector<1x16xf32>
      tpu.vector_store %arg12[%swap3A_1341, %swap3A_1342], %swap3A_1345 {add = true, strides = array<i32>} : memref<128x128xf32, #tpu.memory_space<vmem>>, vector<1x16xf32>,
      %get3A_1346 = arith.index_cast %scan3A_1297 : i32 to index
      %get3A_1347 = arith.constant 48 : index
      %get3A_1348 = tpu.vector_load %arg8[%get3A_1346, %get3A_1347] {strides = array<i32>} : memref<64x128xf32, #tpu.memory_space<vmem>>, vector<1x16xf32>,
      %get3A_1349 = vector.shape_cast %get3A_1348 : vector<1x16xf32> to vector<16xf32>
      %swap3A_1350 = arith.index_cast %scan3A_1297 : i32 to index
      %swap3A_1351 = arith.constant 48 : index
      %swap3A_1352 = tpu.vector_load %arg12[%swap3A_1350, %swap3A_1351] {strides = array<i32>} : memref<128x128xf32, #tpu.memory_space<vmem>>, vector<1x16xf32>,
      %swap3A_1353 = vector.shape_cast %swap3A_1352 : vector<1x16xf32> to vector<16xf32>
      %swap3A_1354 = vector.shape_cast %get3A_1349 : vector<16xf32> to vector<1x16xf32>
      tpu.vector_store %arg12[%swap3A_1350, %swap3A_1351], %swap3A_1354 {add = true, strides = array<i32>} : memref<128x128xf32, #tpu.memory_space<vmem>>, vector<1x16xf32>,
      %add3A_1355 = arith.constant 64 : i32
      %add3A_1356 = arith.addi %add3A_1355, %scan3A_1297 : i32
      %swap3A_1357 = arith.index_cast %add3A_1356 : i32 to index
      %swap3A_1358 = arith.constant 48 : index
      %swap3A_1359 = tpu.vector_load %arg12[%swap3A_1357, %swap3A_1358] {strides = array<i32>} : memref<128x128xf32, #tpu.memory_space<vmem>>, vector<1x16xf32>,
      %swap3A_1360 = vector.shape_cast %swap3A_1359 : vector<1x16xf32> to vector<16xf32>
      %swap3A_1361 = vector.shape_cast %get3A_1349 : vector<16xf32> to vector<1x16xf32>
      tpu.vector_store %arg12[%swap3A_1357, %swap3A_1358], %swap3A_1361 {add = true, strides = array<i32>} : memref<128x128xf32, #tpu.memory_space<vmem>>, vector<1x16xf32>,
      %get3A_1362 = arith.index_cast %scan3A_1297 : i32 to index
      %get3A_1363 = arith.constant 64 : index
      %get3A_1364 = tpu.vector_load %arg8[%get3A_1362, %get3A_1363] {strides = array<i32>} : memref<64x128xf32, #tpu.memory_space<vmem>>, vector<1x16xf32>,
      %get3A_1365 = vector.shape_cast %get3A_1364 : vector<1x16xf32> to vector<16xf32>
      %swap3A_1366 = arith.index_cast %scan3A_1297 : i32 to index
      %swap3A_1367 = arith.constant 64 : index
      %swap3A_1368 = tpu.vector_load %arg12[%swap3A_1366, %swap3A_1367] {strides = array<i32>} : memref<128x128xf32, #tpu.memory_space<vmem>>, vector<1x16xf32>,
      %swap3A_1369 = vector.shape_cast %swap3A_1368 : vector<1x16xf32> to vector<16xf32>
      %swap3A_1370 = vector.shape_cast %get3A_1365 : vector<16xf32> to vector<1x16xf32>
      tpu.vector_store %arg12[%swap3A_1366, %swap3A_1367], %swap3A_1370 {add = true, strides = array<i32>} : memref<128x128xf32, #tpu.memory_space<vmem>>, vector<1x16xf32>,
      %add3A_1371 = arith.constant 64 : i32
      %add3A_1372 = arith.addi %add3A_1371, %scan3A_1297 : i32
      %swap3A_1373 = arith.index_cast %add3A_1372 : i32 to index
      %swap3A_1374 = arith.constant 64 : index
      %swap3A_1375 = tpu.vector_load %arg12[%swap3A_1373, %swap3A_1374] {strides = array<i32>} : memref<128x128xf32, #tpu.memory_space<vmem>>, vector<1x16xf32>,
      %swap3A_1376 = vector.shape_cast %swap3A_1375 : vector<1x16xf32> to vector<16xf32>
      %swap3A_1377 = vector.shape_cast %get3A_1365 : vector<16xf32> to vector<1x16xf32>
      tpu.vector_store %arg12[%swap3A_1373, %swap3A_1374], %swap3A_1377 {add = true, strides = array<i32>} : memref<128x128xf32, #tpu.memory_space<vmem>>, vector<1x16xf32>,
      %get3A_1378 = arith.index_cast %scan3A_1297 : i32 to index
      %get3A_1379 = arith.constant 80 : index
      %get3A_1380 = tpu.vector_load %arg8[%get3A_1378, %get3A_1379] {strides = array<i32>} : memref<64x128xf32, #tpu.memory_space<vmem>>, vector<1x16xf32>,
      %get3A_1381 = vector.shape_cast %get3A_1380 : vector<1x16xf32> to vector<16xf32>
      %swap3A_1382 = arith.index_cast %scan3A_1297 : i32 to index
      %swap3A_1383 = arith.constant 80 : index
      %swap3A_1384 = tpu.vector_load %arg12[%swap3A_1382, %swap3A_1383] {strides = array<i32>} : memref<128x128xf32, #tpu.memory_space<vmem>>, vector<1x16xf32>,
      %swap3A_1385 = vector.shape_cast %swap3A_1384 : vector<1x16xf32> to vector<16xf32>
      %swap3A_1386 = vector.shape_cast %get3A_1381 : vector<16xf32> to vector<1x16xf32>
      tpu.vector_store %arg12[%swap3A_1382, %swap3A_1383], %swap3A_1386 {add = true, strides = array<i32>} : memref<128x128xf32, #tpu.memory_space<vmem>>, vector<1x16xf32>,
      %add3A_1387 = arith.constant 64 : i32
      %add3A_1388 = arith.addi %add3A_1387, %scan3A_1297 : i32
      %swap3A_1389 = arith.index_cast %add3A_1388 : i32 to index
      %swap3A_1390 = arith.constant 80 : index
      %swap3A_1391 = tpu.vector_load %arg12[%swap3A_1389, %swap3A_1390] {strides = array<i32>} : memref<128x128xf32, #tpu.memory_space<vmem>>, vector<1x16xf32>,
      %swap3A_1392 = vector.shape_cast %swap3A_1391 : vector<1x16xf32> to vector<16xf32>
      %swap3A_1393 = vector.shape_cast %get3A_1381 : vector<16xf32> to vector<1x16xf32>
      tpu.vector_store %arg12[%swap3A_1389, %swap3A_1390], %swap3A_1393 {add = true, strides = array<i32>} : memref<128x128xf32, #tpu.memory_space<vmem>>, vector<1x16xf32>,
      %get3A_1394 = arith.index_cast %scan3A_1297 : i32 to index
      %get3A_1395 = arith.constant 96 : index
      %get3A_1396 = tpu.vector_load %arg8[%get3A_1394, %get3A_1395] {strides = array<i32>} : memref<64x128xf32, #tpu.memory_space<vmem>>, vector<1x16xf32>,
      %get3A_1397 = vector.shape_cast %get3A_1396 : vector<1x16xf32> to vector<16xf32>
      %swap3A_1398 = arith.index_cast %scan3A_1297 : i32 to index
      %swap3A_1399 = arith.constant 96 : index
      %swap3A_1400 = tpu.vector_load %arg12[%swap3A_1398, %swap3A_1399] {strides = array<i32>} : memref<128x128xf32, #tpu.memory_space<vmem>>, vector<1x16xf32>,
      %swap3A_1401 = vector.shape_cast %swap3A_1400 : vector<1x16xf32> to vector<16xf32>
      %swap3A_1402 = vector.shape_cast %get3A_1397 : vector<16xf32> to vector<1x16xf32>
      tpu.vector_store %arg12[%swap3A_1398, %swap3A_1399], %swap3A_1402 {add = true, strides = array<i32>} : memref<128x128xf32, #tpu.memory_space<vmem>>, vector<1x16xf32>,
      %add3A_1403 = arith.constant 64 : i32
      %add3A_1404 = arith.addi %add3A_1403, %scan3A_1297 : i32
      %swap3A_1405 = arith.index_cast %add3A_1404 : i32 to index
      %swap3A_1406 = arith.constant 96 : index
      %swap3A_1407 = tpu.vector_load %arg12[%swap3A_1405, %swap3A_1406] {strides = array<i32>} : memref<128x128xf32, #tpu.memory_space<vmem>>, vector<1x16xf32>,
      %swap3A_1408 = vector.shape_cast %swap3A_1407 : vector<1x16xf32> to vector<16xf32>
      %swap3A_1409 = vector.shape_cast %get3A_1397 : vector<16xf32> to vector<1x16xf32>
      tpu.vector_store %arg12[%swap3A_1405, %swap3A_1406], %swap3A_1409 {add = true, strides = array<i32>} : memref<128x128xf32, #tpu.memory_space<vmem>>, vector<1x16xf32>,
      %get3A_1410 = arith.index_cast %scan3A_1297 : i32 to index
      %get3A_1411 = arith.constant 112 : index
      %get3A_1412 = tpu.vector_load %arg8[%get3A_1410, %get3A_1411] {strides = array<i32>} : memref<64x128xf32, #tpu.memory_space<vmem>>, vector<1x16xf32>,
      %get3A_1413 = vector.shape_cast %get3A_1412 : vector<1x16xf32> to vector<16xf32>
      %swap3A_1414 = arith.index_cast %scan3A_1297 : i32 to index
      %swap3A_1415 = arith.constant 112 : index
      %swap3A_1416 = tpu.vector_load %arg12[%swap3A_1414, %swap3A_1415] {strides = array<i32>} : memref<128x128xf32, #tpu.memory_space<vmem>>, vector<1x16xf32>,
      %swap3A_1417 = vector.shape_cast %swap3A_1416 : vector<1x16xf32> to vector<16xf32>
      %swap3A_1418 = vector.shape_cast %get3A_1413 : vector<16xf32> to vector<1x16xf32>
      tpu.vector_store %arg12[%swap3A_1414, %swap3A_1415], %swap3A_1418 {add = true, strides = array<i32>} : memref<128x128xf32, #tpu.memory_space<vmem>>, vector<1x16xf32>,
      %add3A_1419 = arith.constant 64 : i32
      %add3A_1420 = arith.addi %add3A_1419, %scan3A_1297 : i32
      %swap3A_1421 = arith.index_cast %add3A_1420 : i32 to index
      %swap3A_1422 = arith.constant 112 : index
      %swap3A_1423 = tpu.vector_load %arg12[%swap3A_1421, %swap3A_1422] {strides = array<i32>} : memref<128x128xf32, #tpu.memory_space<vmem>>, vector<1x16xf32>,
      %swap3A_1424 = vector.shape_cast %swap3A_1423 : vector<1x16xf32> to vector<16xf32>
      %swap3A_1425 = vector.shape_cast %get3A_1413 : vector<16xf32> to vector<1x16xf32>
      tpu.vector_store %arg12[%swap3A_1421, %swap3A_1422], %swap3A_1425 {add = true, strides = array<i32>} : memref<128x128xf32, #tpu.memory_space<vmem>>, vector<1x16xf32>,
    }
    %scan3A_961 = arith.constant 64 : i32
    %dma_start3A_962 = arith.constant 6 : i32
    %dma_start3A_963 = arith.constant 0 : i32
    %dma_start3A_964 = arith.constant 0 : i32
    %dma_start3A_965 = tpu.memref_slice %arg12[%dma_start3A_963, %dma_start3A_964] : memref<128x128xf32, #tpu.memory_space<vmem>> -> memref<64x128xf32, #tpu.memory_space<vmem>>
    %dma_start3A_966 = arith.constant 0 : i32
    %dma_start3A_967 = tpu.memref_slice %arg5[%dma_start3A_962, %mul3A_2, %dma_start3A_966] : memref<16x2048x128xf32, #tpu.memory_space<hbm>> -> memref<1x64x128xf32, #tpu.memory_space<hbm>>
    %dma_start3A_968 = tpu.memref_squeeze %dma_start3A_967 : memref<1x64x128xf32, #tpu.memory_space<hbm>> -> memref<64x128xf32, #tpu.memory_space<hbm>>
    %dma_start3A_969 = arith.constant 0 : i32
    %dma_start3A_970 = tpu.memref_slice %arg5[%dma_start3A_962, %mul3A_2, %dma_start3A_969] : memref<16x2048x128xf32, #tpu.memory_space<hbm>> -> memref<1x64x128xf32, #tpu.memory_space<hbm>>
    %dma_start3A_971 = tpu.memref_squeeze %dma_start3A_970 : memref<1x64x128xf32, #tpu.memory_space<hbm>> -> memref<64x128xf32, #tpu.memory_space<hbm>>
    %dma_start3A_972 = arith.constant 0 : i32
    %dma_start3A_973 = arith.constant 0 : i32
    %dma_start3A_974 = tpu.memref_slice %arg12[%dma_start3A_972, %dma_start3A_973] : memref<128x128xf32, #tpu.memory_space<vmem>> -> memref<64x128xf32, #tpu.memory_space<vmem>>
    tpu.enqueue_dma source(%dma_start3A_974 : memref<64x128xf32, #tpu.memory_space<vmem>>) target(%dma_start3A_971 : memref<64x128xf32, #tpu.memory_space<hbm>>) target_semaphore(%arg22 : memref<!tpu.dma_semaphore, #tpu.memory_space<semaphore_mem>>)
    %dma_start3A_975 = arith.constant 7 : i32
    %dma_start3A_976 = arith.constant 64 : i32
    %dma_start3A_977 = arith.constant 0 : i32
    %dma_start3A_978 = tpu.memref_slice %arg12[%dma_start3A_976, %dma_start3A_977] : memref<128x128xf32, #tpu.memory_space<vmem>> -> memref<64x128xf32, #tpu.memory_space<vmem>>
    %dma_start3A_979 = arith.constant 0 : i32
    %dma_start3A_980 = tpu.memref_slice %arg5[%dma_start3A_975, %mul3A_2, %dma_start3A_979] : memref<16x2048x128xf32, #tpu.memory_space<hbm>> -> memref<1x64x128xf32, #tpu.memory_space<hbm>>
    %dma_start3A_981 = tpu.memref_squeeze %dma_start3A_980 : memref<1x64x128xf32, #tpu.memory_space<hbm>> -> memref<64x128xf32, #tpu.memory_space<hbm>>
    %dma_start3A_982 = arith.constant 0 : i32
    %dma_start3A_983 = tpu.memref_slice %arg5[%dma_start3A_975, %mul3A_2, %dma_start3A_982] : memref<16x2048x128xf32, #tpu.memory_space<hbm>> -> memref<1x64x128xf32, #tpu.memory_space<hbm>>
    %dma_start3A_984 = tpu.memref_squeeze %dma_start3A_983 : memref<1x64x128xf32, #tpu.memory_space<hbm>> -> memref<64x128xf32, #tpu.memory_space<hbm>>
    %dma_start3A_985 = arith.constant 64 : i32
    %dma_start3A_986 = arith.constant 0 : i32
    %dma_start3A_987 = tpu.memref_slice %arg12[%dma_start3A_985, %dma_start3A_986] : memref<128x128xf32, #tpu.memory_space<vmem>> -> memref<64x128xf32, #tpu.memory_space<vmem>>
    tpu.enqueue_dma source(%dma_start3A_987 : memref<64x128xf32, #tpu.memory_space<vmem>>) target(%dma_start3A_984 : memref<64x128xf32, #tpu.memory_space<hbm>>) target_semaphore(%arg22 : memref<!tpu.dma_semaphore, #tpu.memory_space<semaphore_mem>>)
    %dma_wait3A_988 = arith.constant 4 : i32
    %dma_wait3A_989 = arith.constant 0 : i32
    %dma_wait3A_990 = arith.constant 0 : i32
    %dma_wait3A_991 = tpu.memref_slice %arg11[%dma_wait3A_989, %dma_wait3A_990] : memref<128x128xf32, #tpu.memory_space<vmem>> -> memref<64x128xf32, #tpu.memory_space<vmem>>
    %dma_wait3A_992 = arith.constant 0 : i32
    %dma_wait3A_993 = tpu.memref_slice %arg5[%dma_wait3A_988, %mul3A_2, %dma_wait3A_992] : memref<16x2048x128xf32, #tpu.memory_space<hbm>> -> memref<1x64x128xf32, #tpu.memory_space<hbm>>
    %dma_wait3A_994 = tpu.memref_squeeze %dma_wait3A_993 : memref<1x64x128xf32, #tpu.memory_space<hbm>> -> memref<64x128xf32, #tpu.memory_space<hbm>>
    %dma_wait3A_995 = arith.constant 0 : i32
    %dma_wait3A_996 = tpu.memref_slice %arg5[%dma_wait3A_988, %mul3A_2, %dma_wait3A_995] : memref<16x2048x128xf32, #tpu.memory_space<hbm>> -> memref<1x64x128xf32, #tpu.memory_space<hbm>>
    %dma_wait3A_997 = tpu.memref_squeeze %dma_wait3A_996 : memref<1x64x128xf32, #tpu.memory_space<hbm>> -> memref<64x128xf32, #tpu.memory_space<hbm>>
    %dma_wait3A_998 = arith.constant 0 : i32
    %dma_wait3A_999 = arith.constant 0 : i32
    %dma_wait3A_1000 = tpu.memref_slice %arg11[%dma_wait3A_998, %dma_wait3A_999] : memref<128x128xf32, #tpu.memory_space<vmem>> -> memref<64x128xf32, #tpu.memory_space<vmem>>
    tpu.wait_dma2 semaphore(%arg21 : memref<!tpu.dma_semaphore, #tpu.memory_space<semaphore_mem>>) src(%dma_wait3A_1000 : memref<64x128xf32, #tpu.memory_space<vmem>>) dst(%dma_wait3A_997 : memref<64x128xf32, #tpu.memory_space<hbm>>)
    %dma_wait3A_1001 = arith.constant 5 : i32
    %dma_wait3A_1002 = arith.constant 64 : i32
    %dma_wait3A_1003 = arith.constant 0 : i32
    %dma_wait3A_1004 = tpu.memref_slice %arg11[%dma_wait3A_1002, %dma_wait3A_1003] : memref<128x128xf32, #tpu.memory_space<vmem>> -> memref<64x128xf32, #tpu.memory_space<vmem>>
    %dma_wait3A_1005 = arith.constant 0 : i32
    %dma_wait3A_1006 = tpu.memref_slice %arg5[%dma_wait3A_1001, %mul3A_2, %dma_wait3A_1005] : memref<16x2048x128xf32, #tpu.memory_space<hbm>> -> memref<1x64x128xf32, #tpu.memory_space<hbm>>
    %dma_wait3A_1007 = tpu.memref_squeeze %dma_wait3A_1006 : memref<1x64x128xf32, #tpu.memory_space<hbm>> -> memref<64x128xf32, #tpu.memory_space<hbm>>
    %dma_wait3A_1008 = arith.constant 0 : i32
    %dma_wait3A_1009 = tpu.memref_slice %arg5[%dma_wait3A_1001, %mul3A_2, %dma_wait3A_1008] : memref<16x2048x128xf32, #tpu.memory_space<hbm>> -> memref<1x64x128xf32, #tpu.memory_space<hbm>>
    %dma_wait3A_1010 = tpu.memref_squeeze %dma_wait3A_1009 : memref<1x64x128xf32, #tpu.memory_space<hbm>> -> memref<64x128xf32, #tpu.memory_space<hbm>>
    %dma_wait3A_1011 = arith.constant 64 : i32
    %dma_wait3A_1012 = arith.constant 0 : i32
    %dma_wait3A_1013 = tpu.memref_slice %arg11[%dma_wait3A_1011, %dma_wait3A_1012] : memref<128x128xf32, #tpu.memory_space<vmem>> -> memref<64x128xf32, #tpu.memory_space<vmem>>
    tpu.wait_dma2 semaphore(%arg21 : memref<!tpu.dma_semaphore, #tpu.memory_space<semaphore_mem>>) src(%dma_wait3A_1013 : memref<64x128xf32, #tpu.memory_space<vmem>>) dst(%dma_wait3A_1010 : memref<64x128xf32, #tpu.memory_space<hbm>>)
    %dma_start3A_1014 = arith.constant 896 : i32
    %dma_start3A_1015 = tpu.memref_slice %arg7[%dma_start3A_1014] : memref<1024xi32, #tpu.memory_space<vmem>> -> memref<128xi32, #tpu.memory_space<vmem>>
    %dma_start3A_1016 = arith.constant 0 : i32
    %dma_start3A_1017 = arith.constant 0 : i32
    %dma_start3A_1018 = tpu.memref_slice %arg3[%dma_start3A_1016, %dma_start3A_1017] : memref<100000x128xf32, #tpu.memory_space<hbm>> -> memref<100000x128xf32, #tpu.memory_space<hbm>>
    tpu.enqueue_indirect_dma source(%dma_start3A_1018 : memref<100000x128xf32, #tpu.memory_space<hbm>>) target(%arg11 : memref<128x128xf32, #tpu.memory_space<vmem>>) offsets(%dma_start3A_1015 : memref<128xi32, #tpu.memory_space<vmem>>) semaphore(%arg16 : memref<!tpu.dma_semaphore, #tpu.memory_space<semaphore_mem>>)
    %dma_wait3A_1019 = arith.constant 512 : i32
    %dma_wait3A_1020 = tpu.memref_slice %arg7[%dma_wait3A_1019] : memref<1024xi32, #tpu.memory_space<vmem>> -> memref<128xi32, #tpu.memory_space<vmem>>
    %dma_wait3A_1021 = arith.constant 0 : i32
    %dma_wait3A_1022 = arith.constant 0 : i32
    %dma_wait3A_1023 = tpu.memref_slice %arg3[%dma_wait3A_1021, %dma_wait3A_1022] : memref<100000x128xf32, #tpu.memory_space<hbm>> -> memref<100000x128xf32, #tpu.memory_space<hbm>>
    tpu.wait_indirect_dma semaphore(%arg18 : memref<!tpu.dma_semaphore, #tpu.memory_space<semaphore_mem>>) src(%dma_wait3A_1023 : memref<100000x128xf32, #tpu.memory_space<hbm>>) dst(%arg13 : memref<128x128xf32, #tpu.memory_space<vmem>>)
    %scan3A_1024 = arith.constant 0 : i32
    %scan3A_1025 = arith.constant 0 : i32
    %scan3A_1026 = arith.constant 64 : i32
    %scan3A_1027 = arith.addi %scan3A_1025, %scan3A_1026 : i32
    %scan3A_1028 = arith.constant 1 : i32
    scf.for %scan3A_1297 = %scan3A_1025 to %scan3A_1027 step %scan3A_1028  : i32 {
      %get3A_1298 = arith.index_cast %scan3A_1297 : i32 to index
      %get3A_1299 = arith.constant 0 : index
      %get3A_1300 = tpu.vector_load %arg8[%get3A_1298, %get3A_1299] {strides = array<i32>} : memref<64x128xf32, #tpu.memory_space<vmem>>, vector<1x16xf32>,
      %get3A_1301 = vector.shape_cast %get3A_1300 : vector<1x16xf32> to vector<16xf32>
      %swap3A_1302 = arith.index_cast %scan3A_1297 : i32 to index
      %swap3A_1303 = arith.constant 0 : index
      %swap3A_1304 = tpu.vector_load %arg13[%swap3A_1302, %swap3A_1303] {strides = array<i32>} : memref<128x128xf32, #tpu.memory_space<vmem>>, vector<1x16xf32>,
      %swap3A_1305 = vector.shape_cast %swap3A_1304 : vector<1x16xf32> to vector<16xf32>
      %swap3A_1306 = vector.shape_cast %get3A_1301 : vector<16xf32> to vector<1x16xf32>
      tpu.vector_store %arg13[%swap3A_1302, %swap3A_1303], %swap3A_1306 {add = true, strides = array<i32>} : memref<128x128xf32, #tpu.memory_space<vmem>>, vector<1x16xf32>,
      %add3A_1307 = arith.constant 64 : i32
      %add3A_1308 = arith.addi %add3A_1307, %scan3A_1297 : i32
      %swap3A_1309 = arith.index_cast %add3A_1308 : i32 to index
      %swap3A_1310 = arith.constant 0 : index
      %swap3A_1311 = tpu.vector_load %arg13[%swap3A_1309, %swap3A_1310] {strides = array<i32>} : memref<128x128xf32, #tpu.memory_space<vmem>>, vector<1x16xf32>,
      %swap3A_1312 = vector.shape_cast %swap3A_1311 : vector<1x16xf32> to vector<16xf32>
      %swap3A_1313 = vector.shape_cast %get3A_1301 : vector<16xf32> to vector<1x16xf32>
      tpu.vector_store %arg13[%swap3A_1309, %swap3A_1310], %swap3A_1313 {add = true, strides = array<i32>} : memref<128x128xf32, #tpu.memory_space<vmem>>, vector<1x16xf32>,
      %get3A_1314 = arith.index_cast %scan3A_1297 : i32 to index
      %get3A_1315 = arith.constant 16 : index
      %get3A_1316 = tpu.vector_load %arg8[%get3A_1314, %get3A_1315] {strides = array<i32>} : memref<64x128xf32, #tpu.memory_space<vmem>>, vector<1x16xf32>,
      %get3A_1317 = vector.shape_cast %get3A_1316 : vector<1x16xf32> to vector<16xf32>
      %swap3A_1318 = arith.index_cast %scan3A_1297 : i32 to index
      %swap3A_1319 = arith.constant 16 : index
      %swap3A_1320 = tpu.vector_load %arg13[%swap3A_1318, %swap3A_1319] {strides = array<i32>} : memref<128x128xf32, #tpu.memory_space<vmem>>, vector<1x16xf32>,
      %swap3A_1321 = vector.shape_cast %swap3A_1320 : vector<1x16xf32> to vector<16xf32>
      %swap3A_1322 = vector.shape_cast %get3A_1317 : vector<16xf32> to vector<1x16xf32>
      tpu.vector_store %arg13[%swap3A_1318, %swap3A_1319], %swap3A_1322 {add = true, strides = array<i32>} : memref<128x128xf32, #tpu.memory_space<vmem>>, vector<1x16xf32>,
      %add3A_1323 = arith.constant 64 : i32
      %add3A_1324 = arith.addi %add3A_1323, %scan3A_1297 : i32
      %swap3A_1325 = arith.index_cast %add3A_1324 : i32 to index
      %swap3A_1326 = arith.constant 16 : index
      %swap3A_1327 = tpu.vector_load %arg13[%swap3A_1325, %swap3A_1326] {strides = array<i32>} : memref<128x128xf32, #tpu.memory_space<vmem>>, vector<1x16xf32>,
      %swap3A_1328 = vector.shape_cast %swap3A_1327 : vector<1x16xf32> to vector<16xf32>
      %swap3A_1329 = vector.shape_cast %get3A_1317 : vector<16xf32> to vector<1x16xf32>
      tpu.vector_store %arg13[%swap3A_1325, %swap3A_1326], %swap3A_1329 {add = true, strides = array<i32>} : memref<128x128xf32, #tpu.memory_space<vmem>>, vector<1x16xf32>,
      %get3A_1330 = arith.index_cast %scan3A_1297 : i32 to index
      %get3A_1331 = arith.constant 32 : index
      %get3A_1332 = tpu.vector_load %arg8[%get3A_1330, %get3A_1331] {strides = array<i32>} : memref<64x128xf32, #tpu.memory_space<vmem>>, vector<1x16xf32>,
      %get3A_1333 = vector.shape_cast %get3A_1332 : vector<1x16xf32> to vector<16xf32>
      %swap3A_1334 = arith.index_cast %scan3A_1297 : i32 to index
      %swap3A_1335 = arith.constant 32 : index
      %swap3A_1336 = tpu.vector_load %arg13[%swap3A_1334, %swap3A_1335] {strides = array<i32>} : memref<128x128xf32, #tpu.memory_space<vmem>>, vector<1x16xf32>,
      %swap3A_1337 = vector.shape_cast %swap3A_1336 : vector<1x16xf32> to vector<16xf32>
      %swap3A_1338 = vector.shape_cast %get3A_1333 : vector<16xf32> to vector<1x16xf32>
      tpu.vector_store %arg13[%swap3A_1334, %swap3A_1335], %swap3A_1338 {add = true, strides = array<i32>} : memref<128x128xf32, #tpu.memory_space<vmem>>, vector<1x16xf32>,
      %add3A_1339 = arith.constant 64 : i32
      %add3A_1340 = arith.addi %add3A_1339, %scan3A_1297 : i32
      %swap3A_1341 = arith.index_cast %add3A_1340 : i32 to index
      %swap3A_1342 = arith.constant 32 : index
      %swap3A_1343 = tpu.vector_load %arg13[%swap3A_1341, %swap3A_1342] {strides = array<i32>} : memref<128x128xf32, #tpu.memory_space<vmem>>, vector<1x16xf32>,
      %swap3A_1344 = vector.shape_cast %swap3A_1343 : vector<1x16xf32> to vector<16xf32>
      %swap3A_1345 = vector.shape_cast %get3A_1333 : vector<16xf32> to vector<1x16xf32>
      tpu.vector_store %arg13[%swap3A_1341, %swap3A_1342], %swap3A_1345 {add = true, strides = array<i32>} : memref<128x128xf32, #tpu.memory_space<vmem>>, vector<1x16xf32>,
      %get3A_1346 = arith.index_cast %scan3A_1297 : i32 to index
      %get3A_1347 = arith.constant 48 : index
      %get3A_1348 = tpu.vector_load %arg8[%get3A_1346, %get3A_1347] {strides = array<i32>} : memref<64x128xf32, #tpu.memory_space<vmem>>, vector<1x16xf32>,
      %get3A_1349 = vector.shape_cast %get3A_1348 : vector<1x16xf32> to vector<16xf32>
      %swap3A_1350 = arith.index_cast %scan3A_1297 : i32 to index
      %swap3A_1351 = arith.constant 48 : index
      %swap3A_1352 = tpu.vector_load %arg13[%swap3A_1350, %swap3A_1351] {strides = array<i32>} : memref<128x128xf32, #tpu.memory_space<vmem>>, vector<1x16xf32>,
      %swap3A_1353 = vector.shape_cast %swap3A_1352 : vector<1x16xf32> to vector<16xf32>
      %swap3A_1354 = vector.shape_cast %get3A_1349 : vector<16xf32> to vector<1x16xf32>
      tpu.vector_store %arg13[%swap3A_1350, %swap3A_1351], %swap3A_1354 {add = true, strides = array<i32>} : memref<128x128xf32, #tpu.memory_space<vmem>>, vector<1x16xf32>,
      %add3A_1355 = arith.constant 64 : i32
      %add3A_1356 = arith.addi %add3A_1355, %scan3A_1297 : i32
      %swap3A_1357 = arith.index_cast %add3A_1356 : i32 to index
      %swap3A_1358 = arith.constant 48 : index
      %swap3A_1359 = tpu.vector_load %arg13[%swap3A_1357, %swap3A_1358] {strides = array<i32>} : memref<128x128xf32, #tpu.memory_space<vmem>>, vector<1x16xf32>,
      %swap3A_1360 = vector.shape_cast %swap3A_1359 : vector<1x16xf32> to vector<16xf32>
      %swap3A_1361 = vector.shape_cast %get3A_1349 : vector<16xf32> to vector<1x16xf32>
      tpu.vector_store %arg13[%swap3A_1357, %swap3A_1358], %swap3A_1361 {add = true, strides = array<i32>} : memref<128x128xf32, #tpu.memory_space<vmem>>, vector<1x16xf32>,
      %get3A_1362 = arith.index_cast %scan3A_1297 : i32 to index
      %get3A_1363 = arith.constant 64 : index
      %get3A_1364 = tpu.vector_load %arg8[%get3A_1362, %get3A_1363] {strides = array<i32>} : memref<64x128xf32, #tpu.memory_space<vmem>>, vector<1x16xf32>,
      %get3A_1365 = vector.shape_cast %get3A_1364 : vector<1x16xf32> to vector<16xf32>
      %swap3A_1366 = arith.index_cast %scan3A_1297 : i32 to index
      %swap3A_1367 = arith.constant 64 : index
      %swap3A_1368 = tpu.vector_load %arg13[%swap3A_1366, %swap3A_1367] {strides = array<i32>} : memref<128x128xf32, #tpu.memory_space<vmem>>, vector<1x16xf32>,
      %swap3A_1369 = vector.shape_cast %swap3A_1368 : vector<1x16xf32> to vector<16xf32>
      %swap3A_1370 = vector.shape_cast %get3A_1365 : vector<16xf32> to vector<1x16xf32>
      tpu.vector_store %arg13[%swap3A_1366, %swap3A_1367], %swap3A_1370 {add = true, strides = array<i32>} : memref<128x128xf32, #tpu.memory_space<vmem>>, vector<1x16xf32>,
      %add3A_1371 = arith.constant 64 : i32
      %add3A_1372 = arith.addi %add3A_1371, %scan3A_1297 : i32
      %swap3A_1373 = arith.index_cast %add3A_1372 : i32 to index
      %swap3A_1374 = arith.constant 64 : index
      %swap3A_1375 = tpu.vector_load %arg13[%swap3A_1373, %swap3A_1374] {strides = array<i32>} : memref<128x128xf32, #tpu.memory_space<vmem>>, vector<1x16xf32>,
      %swap3A_1376 = vector.shape_cast %swap3A_1375 : vector<1x16xf32> to vector<16xf32>
      %swap3A_1377 = vector.shape_cast %get3A_1365 : vector<16xf32> to vector<1x16xf32>
      tpu.vector_store %arg13[%swap3A_1373, %swap3A_1374], %swap3A_1377 {add = true, strides = array<i32>} : memref<128x128xf32, #tpu.memory_space<vmem>>, vector<1x16xf32>,
      %get3A_1378 = arith.index_cast %scan3A_1297 : i32 to index
      %get3A_1379 = arith.constant 80 : index
      %get3A_1380 = tpu.vector_load %arg8[%get3A_1378, %get3A_1379] {strides = array<i32>} : memref<64x128xf32, #tpu.memory_space<vmem>>, vector<1x16xf32>,
      %get3A_1381 = vector.shape_cast %get3A_1380 : vector<1x16xf32> to vector<16xf32>
      %swap3A_1382 = arith.index_cast %scan3A_1297 : i32 to index
      %swap3A_1383 = arith.constant 80 : index
      %swap3A_1384 = tpu.vector_load %arg13[%swap3A_1382, %swap3A_1383] {strides = array<i32>} : memref<128x128xf32, #tpu.memory_space<vmem>>, vector<1x16xf32>,
      %swap3A_1385 = vector.shape_cast %swap3A_1384 : vector<1x16xf32> to vector<16xf32>
      %swap3A_1386 = vector.shape_cast %get3A_1381 : vector<16xf32> to vector<1x16xf32>
      tpu.vector_store %arg13[%swap3A_1382, %swap3A_1383], %swap3A_1386 {add = true, strides = array<i32>} : memref<128x128xf32, #tpu.memory_space<vmem>>, vector<1x16xf32>,
      %add3A_1387 = arith.constant 64 : i32
      %add3A_1388 = arith.addi %add3A_1387, %scan3A_1297 : i32
      %swap3A_1389 = arith.index_cast %add3A_1388 : i32 to index
      %swap3A_1390 = arith.constant 80 : index
      %swap3A_1391 = tpu.vector_load %arg13[%swap3A_1389, %swap3A_1390] {strides = array<i32>} : memref<128x128xf32, #tpu.memory_space<vmem>>, vector<1x16xf32>,
      %swap3A_1392 = vector.shape_cast %swap3A_1391 : vector<1x16xf32> to vector<16xf32>
      %swap3A_1393 = vector.shape_cast %get3A_1381 : vector<16xf32> to vector<1x16xf32>
      tpu.vector_store %arg13[%swap3A_1389, %swap3A_1390], %swap3A_1393 {add = true, strides = array<i32>} : memref<128x128xf32, #tpu.memory_space<vmem>>, vector<1x16xf32>,
      %get3A_1394 = arith.index_cast %scan3A_1297 : i32 to index
      %get3A_1395 = arith.constant 96 : index
      %get3A_1396 = tpu.vector_load %arg8[%get3A_1394, %get3A_1395] {strides = array<i32>} : memref<64x128xf32, #tpu.memory_space<vmem>>, vector<1x16xf32>,
      %get3A_1397 = vector.shape_cast %get3A_1396 : vector<1x16xf32> to vector<16xf32>
      %swap3A_1398 = arith.index_cast %scan3A_1297 : i32 to index
      %swap3A_1399 = arith.constant 96 : index
      %swap3A_1400 = tpu.vector_load %arg13[%swap3A_1398, %swap3A_1399] {strides = array<i32>} : memref<128x128xf32, #tpu.memory_space<vmem>>, vector<1x16xf32>,
      %swap3A_1401 = vector.shape_cast %swap3A_1400 : vector<1x16xf32> to vector<16xf32>
      %swap3A_1402 = vector.shape_cast %get3A_1397 : vector<16xf32> to vector<1x16xf32>
      tpu.vector_store %arg13[%swap3A_1398, %swap3A_1399], %swap3A_1402 {add = true, strides = array<i32>} : memref<128x128xf32, #tpu.memory_space<vmem>>, vector<1x16xf32>,
      %add3A_1403 = arith.constant 64 : i32
      %add3A_1404 = arith.addi %add3A_1403, %scan3A_1297 : i32
      %swap3A_1405 = arith.index_cast %add3A_1404 : i32 to index
      %swap3A_1406 = arith.constant 96 : index
      %swap3A_1407 = tpu.vector_load %arg13[%swap3A_1405, %swap3A_1406] {strides = array<i32>} : memref<128x128xf32, #tpu.memory_space<vmem>>, vector<1x16xf32>,
      %swap3A_1408 = vector.shape_cast %swap3A_1407 : vector<1x16xf32> to vector<16xf32>
      %swap3A_1409 = vector.shape_cast %get3A_1397 : vector<16xf32> to vector<1x16xf32>
      tpu.vector_store %arg13[%swap3A_1405, %swap3A_1406], %swap3A_1409 {add = true, strides = array<i32>} : memref<128x128xf32, #tpu.memory_space<vmem>>, vector<1x16xf32>,
      %get3A_1410 = arith.index_cast %scan3A_1297 : i32 to index
      %get3A_1411 = arith.constant 112 : index
      %get3A_1412 = tpu.vector_load %arg8[%get3A_1410, %get3A_1411] {strides = array<i32>} : memref<64x128xf32, #tpu.memory_space<vmem>>, vector<1x16xf32>,
      %get3A_1413 = vector.shape_cast %get3A_1412 : vector<1x16xf32> to vector<16xf32>
      %swap3A_1414 = arith.index_cast %scan3A_1297 : i32 to index
      %swap3A_1415 = arith.constant 112 : index
      %swap3A_1416 = tpu.vector_load %arg13[%swap3A_1414, %swap3A_1415] {strides = array<i32>} : memref<128x128xf32, #tpu.memory_space<vmem>>, vector<1x16xf32>,
      %swap3A_1417 = vector.shape_cast %swap3A_1416 : vector<1x16xf32> to vector<16xf32>
      %swap3A_1418 = vector.shape_cast %get3A_1413 : vector<16xf32> to vector<1x16xf32>
      tpu.vector_store %arg13[%swap3A_1414, %swap3A_1415], %swap3A_1418 {add = true, strides = array<i32>} : memref<128x128xf32, #tpu.memory_space<vmem>>, vector<1x16xf32>,
      %add3A_1419 = arith.constant 64 : i32
      %add3A_1420 = arith.addi %add3A_1419, %scan3A_1297 : i32
      %swap3A_1421 = arith.index_cast %add3A_1420 : i32 to index
      %swap3A_1422 = arith.constant 112 : index
      %swap3A_1423 = tpu.vector_load %arg13[%swap3A_1421, %swap3A_1422] {strides = array<i32>} : memref<128x128xf32, #tpu.memory_space<vmem>>, vector<1x16xf32>,
      %swap3A_1424 = vector.shape_cast %swap3A_1423 : vector<1x16xf32> to vector<16xf32>
      %swap3A_1425 = vector.shape_cast %get3A_1413 : vector<16xf32> to vector<1x16xf32>
      tpu.vector_store %arg13[%swap3A_1421, %swap3A_1422], %swap3A_1425 {add = true, strides = array<i32>} : memref<128x128xf32, #tpu.memory_space<vmem>>, vector<1x16xf32>,
    }
    %scan3A_1029 = arith.constant 64 : i32
    %dma_start3A_1030 = arith.constant 8 : i32
    %dma_start3A_1031 = arith.constant 0 : i32
    %dma_start3A_1032 = arith.constant 0 : i32
    %dma_start3A_1033 = tpu.memref_slice %arg13[%dma_start3A_1031, %dma_start3A_1032] : memref<128x128xf32, #tpu.memory_space<vmem>> -> memref<64x128xf32, #tpu.memory_space<vmem>>
    %dma_start3A_1034 = arith.constant 0 : i32
    %dma_start3A_1035 = tpu.memref_slice %arg5[%dma_start3A_1030, %mul3A_2, %dma_start3A_1034] : memref<16x2048x128xf32, #tpu.memory_space<hbm>> -> memref<1x64x128xf32, #tpu.memory_space<hbm>>
    %dma_start3A_1036 = tpu.memref_squeeze %dma_start3A_1035 : memref<1x64x128xf32, #tpu.memory_space<hbm>> -> memref<64x128xf32, #tpu.memory_space<hbm>>
    %dma_start3A_1037 = arith.constant 0 : i32
    %dma_start3A_1038 = tpu.memref_slice %arg5[%dma_start3A_1030, %mul3A_2, %dma_start3A_1037] : memref<16x2048x128xf32, #tpu.memory_space<hbm>> -> memref<1x64x128xf32, #tpu.memory_space<hbm>>
    %dma_start3A_1039 = tpu.memref_squeeze %dma_start3A_1038 : memref<1x64x128xf32, #tpu.memory_space<hbm>> -> memref<64x128xf32, #tpu.memory_space<hbm>>
    %dma_start3A_1040 = arith.constant 0 : i32
    %dma_start3A_1041 = arith.constant 0 : i32
    %dma_start3A_1042 = tpu.memref_slice %arg13[%dma_start3A_1040, %dma_start3A_1041] : memref<128x128xf32, #tpu.memory_space<vmem>> -> memref<64x128xf32, #tpu.memory_space<vmem>>
    tpu.enqueue_dma source(%dma_start3A_1042 : memref<64x128xf32, #tpu.memory_space<vmem>>) target(%dma_start3A_1039 : memref<64x128xf32, #tpu.memory_space<hbm>>) target_semaphore(%arg23 : memref<!tpu.dma_semaphore, #tpu.memory_space<semaphore_mem>>)
    %dma_start3A_1043 = arith.constant 9 : i32
    %dma_start3A_1044 = arith.constant 64 : i32
    %dma_start3A_1045 = arith.constant 0 : i32
    %dma_start3A_1046 = tpu.memref_slice %arg13[%dma_start3A_1044, %dma_start3A_1045] : memref<128x128xf32, #tpu.memory_space<vmem>> -> memref<64x128xf32, #tpu.memory_space<vmem>>
    %dma_start3A_1047 = arith.constant 0 : i32
    %dma_start3A_1048 = tpu.memref_slice %arg5[%dma_start3A_1043, %mul3A_2, %dma_start3A_1047] : memref<16x2048x128xf32, #tpu.memory_space<hbm>> -> memref<1x64x128xf32, #tpu.memory_space<hbm>>
    %dma_start3A_1049 = tpu.memref_squeeze %dma_start3A_1048 : memref<1x64x128xf32, #tpu.memory_space<hbm>> -> memref<64x128xf32, #tpu.memory_space<hbm>>
    %dma_start3A_1050 = arith.constant 0 : i32
    %dma_start3A_1051 = tpu.memref_slice %arg5[%dma_start3A_1043, %mul3A_2, %dma_start3A_1050] : memref<16x2048x128xf32, #tpu.memory_space<hbm>> -> memref<1x64x128xf32, #tpu.memory_space<hbm>>
    %dma_start3A_1052 = tpu.memref_squeeze %dma_start3A_1051 : memref<1x64x128xf32, #tpu.memory_space<hbm>> -> memref<64x128xf32, #tpu.memory_space<hbm>>
    %dma_start3A_1053 = arith.constant 64 : i32
    %dma_start3A_1054 = arith.constant 0 : i32
    %dma_start3A_1055 = tpu.memref_slice %arg13[%dma_start3A_1053, %dma_start3A_1054] : memref<128x128xf32, #tpu.memory_space<vmem>> -> memref<64x128xf32, #tpu.memory_space<vmem>>
    tpu.enqueue_dma source(%dma_start3A_1055 : memref<64x128xf32, #tpu.memory_space<vmem>>) target(%dma_start3A_1052 : memref<64x128xf32, #tpu.memory_space<hbm>>) target_semaphore(%arg23 : memref<!tpu.dma_semaphore, #tpu.memory_space<semaphore_mem>>)
    %dma_wait3A_1056 = arith.constant 640 : i32
    %dma_wait3A_1057 = tpu.memref_slice %arg7[%dma_wait3A_1056] : memref<1024xi32, #tpu.memory_space<vmem>> -> memref<128xi32, #tpu.memory_space<vmem>>
    %dma_wait3A_1058 = arith.constant 0 : i32
    %dma_wait3A_1059 = arith.constant 0 : i32
    %dma_wait3A_1060 = tpu.memref_slice %arg3[%dma_wait3A_1058, %dma_wait3A_1059] : memref<100000x128xf32, #tpu.memory_space<hbm>> -> memref<100000x128xf32, #tpu.memory_space<hbm>>
    tpu.wait_indirect_dma semaphore(%arg14 : memref<!tpu.dma_semaphore, #tpu.memory_space<semaphore_mem>>) src(%dma_wait3A_1060 : memref<100000x128xf32, #tpu.memory_space<hbm>>) dst(%arg9 : memref<128x128xf32, #tpu.memory_space<vmem>>)
    %scan3A_1061 = arith.constant 0 : i32
    %scan3A_1062 = arith.constant 0 : i32
    %scan3A_1063 = arith.constant 64 : i32
    %scan3A_1064 = arith.addi %scan3A_1062, %scan3A_1063 : i32
    %scan3A_1065 = arith.constant 1 : i32
    scf.for %scan3A_1297 = %scan3A_1062 to %scan3A_1064 step %scan3A_1065  : i32 {
      %get3A_1298 = arith.index_cast %scan3A_1297 : i32 to index
      %get3A_1299 = arith.constant 0 : index
      %get3A_1300 = tpu.vector_load %arg8[%get3A_1298, %get3A_1299] {strides = array<i32>} : memref<64x128xf32, #tpu.memory_space<vmem>>, vector<1x16xf32>,
      %get3A_1301 = vector.shape_cast %get3A_1300 : vector<1x16xf32> to vector<16xf32>
      %swap3A_1302 = arith.index_cast %scan3A_1297 : i32 to index
      %swap3A_1303 = arith.constant 0 : index
      %swap3A_1304 = tpu.vector_load %arg9[%swap3A_1302, %swap3A_1303] {strides = array<i32>} : memref<128x128xf32, #tpu.memory_space<vmem>>, vector<1x16xf32>,
      %swap3A_1305 = vector.shape_cast %swap3A_1304 : vector<1x16xf32> to vector<16xf32>
      %swap3A_1306 = vector.shape_cast %get3A_1301 : vector<16xf32> to vector<1x16xf32>
      tpu.vector_store %arg9[%swap3A_1302, %swap3A_1303], %swap3A_1306 {add = true, strides = array<i32>} : memref<128x128xf32, #tpu.memory_space<vmem>>, vector<1x16xf32>,
      %add3A_1307 = arith.constant 64 : i32
      %add3A_1308 = arith.addi %add3A_1307, %scan3A_1297 : i32
      %swap3A_1309 = arith.index_cast %add3A_1308 : i32 to index
      %swap3A_1310 = arith.constant 0 : index
      %swap3A_1311 = tpu.vector_load %arg9[%swap3A_1309, %swap3A_1310] {strides = array<i32>} : memref<128x128xf32, #tpu.memory_space<vmem>>, vector<1x16xf32>,
      %swap3A_1312 = vector.shape_cast %swap3A_1311 : vector<1x16xf32> to vector<16xf32>
      %swap3A_1313 = vector.shape_cast %get3A_1301 : vector<16xf32> to vector<1x16xf32>
      tpu.vector_store %arg9[%swap3A_1309, %swap3A_1310], %swap3A_1313 {add = true, strides = array<i32>} : memref<128x128xf32, #tpu.memory_space<vmem>>, vector<1x16xf32>,
      %get3A_1314 = arith.index_cast %scan3A_1297 : i32 to index
      %get3A_1315 = arith.constant 16 : index
      %get3A_1316 = tpu.vector_load %arg8[%get3A_1314, %get3A_1315] {strides = array<i32>} : memref<64x128xf32, #tpu.memory_space<vmem>>, vector<1x16xf32>,
      %get3A_1317 = vector.shape_cast %get3A_1316 : vector<1x16xf32> to vector<16xf32>
      %swap3A_1318 = arith.index_cast %scan3A_1297 : i32 to index
      %swap3A_1319 = arith.constant 16 : index
      %swap3A_1320 = tpu.vector_load %arg9[%swap3A_1318, %swap3A_1319] {strides = array<i32>} : memref<128x128xf32, #tpu.memory_space<vmem>>, vector<1x16xf32>,
      %swap3A_1321 = vector.shape_cast %swap3A_1320 : vector<1x16xf32> to vector<16xf32>
      %swap3A_1322 = vector.shape_cast %get3A_1317 : vector<16xf32> to vector<1x16xf32>
      tpu.vector_store %arg9[%swap3A_1318, %swap3A_1319], %swap3A_1322 {add = true, strides = array<i32>} : memref<128x128xf32, #tpu.memory_space<vmem>>, vector<1x16xf32>,
      %add3A_1323 = arith.constant 64 : i32
      %add3A_1324 = arith.addi %add3A_1323, %scan3A_1297 : i32
      %swap3A_1325 = arith.index_cast %add3A_1324 : i32 to index
      %swap3A_1326 = arith.constant 16 : index
      %swap3A_1327 = tpu.vector_load %arg9[%swap3A_1325, %swap3A_1326] {strides = array<i32>} : memref<128x128xf32, #tpu.memory_space<vmem>>, vector<1x16xf32>,
      %swap3A_1328 = vector.shape_cast %swap3A_1327 : vector<1x16xf32> to vector<16xf32>
      %swap3A_1329 = vector.shape_cast %get3A_1317 : vector<16xf32> to vector<1x16xf32>
      tpu.vector_store %arg9[%swap3A_1325, %swap3A_1326], %swap3A_1329 {add = true, strides = array<i32>} : memref<128x128xf32, #tpu.memory_space<vmem>>, vector<1x16xf32>,
      %get3A_1330 = arith.index_cast %scan3A_1297 : i32 to index
      %get3A_1331 = arith.constant 32 : index
      %get3A_1332 = tpu.vector_load %arg8[%get3A_1330, %get3A_1331] {strides = array<i32>} : memref<64x128xf32, #tpu.memory_space<vmem>>, vector<1x16xf32>,
      %get3A_1333 = vector.shape_cast %get3A_1332 : vector<1x16xf32> to vector<16xf32>
      %swap3A_1334 = arith.index_cast %scan3A_1297 : i32 to index
      %swap3A_1335 = arith.constant 32 : index
      %swap3A_1336 = tpu.vector_load %arg9[%swap3A_1334, %swap3A_1335] {strides = array<i32>} : memref<128x128xf32, #tpu.memory_space<vmem>>, vector<1x16xf32>,
      %swap3A_1337 = vector.shape_cast %swap3A_1336 : vector<1x16xf32> to vector<16xf32>
      %swap3A_1338 = vector.shape_cast %get3A_1333 : vector<16xf32> to vector<1x16xf32>
      tpu.vector_store %arg9[%swap3A_1334, %swap3A_1335], %swap3A_1338 {add = true, strides = array<i32>} : memref<128x128xf32, #tpu.memory_space<vmem>>, vector<1x16xf32>,
      %add3A_1339 = arith.constant 64 : i32
      %add3A_1340 = arith.addi %add3A_1339, %scan3A_1297 : i32
      %swap3A_1341 = arith.index_cast %add3A_1340 : i32 to index
      %swap3A_1342 = arith.constant 32 : index
      %swap3A_1343 = tpu.vector_load %arg9[%swap3A_1341, %swap3A_1342] {strides = array<i32>} : memref<128x128xf32, #tpu.memory_space<vmem>>, vector<1x16xf32>,
      %swap3A_1344 = vector.shape_cast %swap3A_1343 : vector<1x16xf32> to vector<16xf32>
      %swap3A_1345 = vector.shape_cast %get3A_1333 : vector<16xf32> to vector<1x16xf32>
      tpu.vector_store %arg9[%swap3A_1341, %swap3A_1342], %swap3A_1345 {add = true, strides = array<i32>} : memref<128x128xf32, #tpu.memory_space<vmem>>, vector<1x16xf32>,
      %get3A_1346 = arith.index_cast %scan3A_1297 : i32 to index
      %get3A_1347 = arith.constant 48 : index
      %get3A_1348 = tpu.vector_load %arg8[%get3A_1346, %get3A_1347] {strides = array<i32>} : memref<64x128xf32, #tpu.memory_space<vmem>>, vector<1x16xf32>,
      %get3A_1349 = vector.shape_cast %get3A_1348 : vector<1x16xf32> to vector<16xf32>
      %swap3A_1350 = arith.index_cast %scan3A_1297 : i32 to index
      %swap3A_1351 = arith.constant 48 : index
      %swap3A_1352 = tpu.vector_load %arg9[%swap3A_1350, %swap3A_1351] {strides = array<i32>} : memref<128x128xf32, #tpu.memory_space<vmem>>, vector<1x16xf32>,
      %swap3A_1353 = vector.shape_cast %swap3A_1352 : vector<1x16xf32> to vector<16xf32>
      %swap3A_1354 = vector.shape_cast %get3A_1349 : vector<16xf32> to vector<1x16xf32>
      tpu.vector_store %arg9[%swap3A_1350, %swap3A_1351], %swap3A_1354 {add = true, strides = array<i32>} : memref<128x128xf32, #tpu.memory_space<vmem>>, vector<1x16xf32>,
      %add3A_1355 = arith.constant 64 : i32
      %add3A_1356 = arith.addi %add3A_1355, %scan3A_1297 : i32
      %swap3A_1357 = arith.index_cast %add3A_1356 : i32 to index
      %swap3A_1358 = arith.constant 48 : index
      %swap3A_1359 = tpu.vector_load %arg9[%swap3A_1357, %swap3A_1358] {strides = array<i32>} : memref<128x128xf32, #tpu.memory_space<vmem>>, vector<1x16xf32>,
      %swap3A_1360 = vector.shape_cast %swap3A_1359 : vector<1x16xf32> to vector<16xf32>
      %swap3A_1361 = vector.shape_cast %get3A_1349 : vector<16xf32> to vector<1x16xf32>
      tpu.vector_store %arg9[%swap3A_1357, %swap3A_1358], %swap3A_1361 {add = true, strides = array<i32>} : memref<128x128xf32, #tpu.memory_space<vmem>>, vector<1x16xf32>,
      %get3A_1362 = arith.index_cast %scan3A_1297 : i32 to index
      %get3A_1363 = arith.constant 64 : index
      %get3A_1364 = tpu.vector_load %arg8[%get3A_1362, %get3A_1363] {strides = array<i32>} : memref<64x128xf32, #tpu.memory_space<vmem>>, vector<1x16xf32>,
      %get3A_1365 = vector.shape_cast %get3A_1364 : vector<1x16xf32> to vector<16xf32>
      %swap3A_1366 = arith.index_cast %scan3A_1297 : i32 to index
      %swap3A_1367 = arith.constant 64 : index
      %swap3A_1368 = tpu.vector_load %arg9[%swap3A_1366, %swap3A_1367] {strides = array<i32>} : memref<128x128xf32, #tpu.memory_space<vmem>>, vector<1x16xf32>,
      %swap3A_1369 = vector.shape_cast %swap3A_1368 : vector<1x16xf32> to vector<16xf32>
      %swap3A_1370 = vector.shape_cast %get3A_1365 : vector<16xf32> to vector<1x16xf32>
      tpu.vector_store %arg9[%swap3A_1366, %swap3A_1367], %swap3A_1370 {add = true, strides = array<i32>} : memref<128x128xf32, #tpu.memory_space<vmem>>, vector<1x16xf32>,
      %add3A_1371 = arith.constant 64 : i32
      %add3A_1372 = arith.addi %add3A_1371, %scan3A_1297 : i32
      %swap3A_1373 = arith.index_cast %add3A_1372 : i32 to index
      %swap3A_1374 = arith.constant 64 : index
      %swap3A_1375 = tpu.vector_load %arg9[%swap3A_1373, %swap3A_1374] {strides = array<i32>} : memref<128x128xf32, #tpu.memory_space<vmem>>, vector<1x16xf32>,
      %swap3A_1376 = vector.shape_cast %swap3A_1375 : vector<1x16xf32> to vector<16xf32>
      %swap3A_1377 = vector.shape_cast %get3A_1365 : vector<16xf32> to vector<1x16xf32>
      tpu.vector_store %arg9[%swap3A_1373, %swap3A_1374], %swap3A_1377 {add = true, strides = array<i32>} : memref<128x128xf32, #tpu.memory_space<vmem>>, vector<1x16xf32>,
      %get3A_1378 = arith.index_cast %scan3A_1297 : i32 to index
      %get3A_1379 = arith.constant 80 : index
      %get3A_1380 = tpu.vector_load %arg8[%get3A_1378, %get3A_1379] {strides = array<i32>} : memref<64x128xf32, #tpu.memory_space<vmem>>, vector<1x16xf32>,
      %get3A_1381 = vector.shape_cast %get3A_1380 : vector<1x16xf32> to vector<16xf32>
      %swap3A_1382 = arith.index_cast %scan3A_1297 : i32 to index
      %swap3A_1383 = arith.constant 80 : index
      %swap3A_1384 = tpu.vector_load %arg9[%swap3A_1382, %swap3A_1383] {strides = array<i32>} : memref<128x128xf32, #tpu.memory_space<vmem>>, vector<1x16xf32>,
      %swap3A_1385 = vector.shape_cast %swap3A_1384 : vector<1x16xf32> to vector<16xf32>
      %swap3A_1386 = vector.shape_cast %get3A_1381 : vector<16xf32> to vector<1x16xf32>
      tpu.vector_store %arg9[%swap3A_1382, %swap3A_1383], %swap3A_1386 {add = true, strides = array<i32>} : memref<128x128xf32, #tpu.memory_space<vmem>>, vector<1x16xf32>,
      %add3A_1387 = arith.constant 64 : i32
      %add3A_1388 = arith.addi %add3A_1387, %scan3A_1297 : i32
      %swap3A_1389 = arith.index_cast %add3A_1388 : i32 to index
      %swap3A_1390 = arith.constant 80 : index
      %swap3A_1391 = tpu.vector_load %arg9[%swap3A_1389, %swap3A_1390] {strides = array<i32>} : memref<128x128xf32, #tpu.memory_space<vmem>>, vector<1x16xf32>,
      %swap3A_1392 = vector.shape_cast %swap3A_1391 : vector<1x16xf32> to vector<16xf32>
      %swap3A_1393 = vector.shape_cast %get3A_1381 : vector<16xf32> to vector<1x16xf32>
      tpu.vector_store %arg9[%swap3A_1389, %swap3A_1390], %swap3A_1393 {add = true, strides = array<i32>} : memref<128x128xf32, #tpu.memory_space<vmem>>, vector<1x16xf32>,
      %get3A_1394 = arith.index_cast %scan3A_1297 : i32 to index
      %get3A_1395 = arith.constant 96 : index
      %get3A_1396 = tpu.vector_load %arg8[%get3A_1394, %get3A_1395] {strides = array<i32>} : memref<64x128xf32, #tpu.memory_space<vmem>>, vector<1x16xf32>,
      %get3A_1397 = vector.shape_cast %get3A_1396 : vector<1x16xf32> to vector<16xf32>
      %swap3A_1398 = arith.index_cast %scan3A_1297 : i32 to index
      %swap3A_1399 = arith.constant 96 : index
      %swap3A_1400 = tpu.vector_load %arg9[%swap3A_1398, %swap3A_1399] {strides = array<i32>} : memref<128x128xf32, #tpu.memory_space<vmem>>, vector<1x16xf32>,
      %swap3A_1401 = vector.shape_cast %swap3A_1400 : vector<1x16xf32> to vector<16xf32>
      %swap3A_1402 = vector.shape_cast %get3A_1397 : vector<16xf32> to vector<1x16xf32>
      tpu.vector_store %arg9[%swap3A_1398, %swap3A_1399], %swap3A_1402 {add = true, strides = array<i32>} : memref<128x128xf32, #tpu.memory_space<vmem>>, vector<1x16xf32>,
      %add3A_1403 = arith.constant 64 : i32
      %add3A_1404 = arith.addi %add3A_1403, %scan3A_1297 : i32
      %swap3A_1405 = arith.index_cast %add3A_1404 : i32 to index
      %swap3A_1406 = arith.constant 96 : index
      %swap3A_1407 = tpu.vector_load %arg9[%swap3A_1405, %swap3A_1406] {strides = array<i32>} : memref<128x128xf32, #tpu.memory_space<vmem>>, vector<1x16xf32>,
      %swap3A_1408 = vector.shape_cast %swap3A_1407 : vector<1x16xf32> to vector<16xf32>
      %swap3A_1409 = vector.shape_cast %get3A_1397 : vector<16xf32> to vector<1x16xf32>
      tpu.vector_store %arg9[%swap3A_1405, %swap3A_1406], %swap3A_1409 {add = true, strides = array<i32>} : memref<128x128xf32, #tpu.memory_space<vmem>>, vector<1x16xf32>,
      %get3A_1410 = arith.index_cast %scan3A_1297 : i32 to index
      %get3A_1411 = arith.constant 112 : index
      %get3A_1412 = tpu.vector_load %arg8[%get3A_1410, %get3A_1411] {strides = array<i32>} : memref<64x128xf32, #tpu.memory_space<vmem>>, vector<1x16xf32>,
      %get3A_1413 = vector.shape_cast %get3A_1412 : vector<1x16xf32> to vector<16xf32>
      %swap3A_1414 = arith.index_cast %scan3A_1297 : i32 to index
      %swap3A_1415 = arith.constant 112 : index
      %swap3A_1416 = tpu.vector_load %arg9[%swap3A_1414, %swap3A_1415] {strides = array<i32>} : memref<128x128xf32, #tpu.memory_space<vmem>>, vector<1x16xf32>,
      %swap3A_1417 = vector.shape_cast %swap3A_1416 : vector<1x16xf32> to vector<16xf32>
      %swap3A_1418 = vector.shape_cast %get3A_1413 : vector<16xf32> to vector<1x16xf32>
      tpu.vector_store %arg9[%swap3A_1414, %swap3A_1415], %swap3A_1418 {add = true, strides = array<i32>} : memref<128x128xf32, #tpu.memory_space<vmem>>, vector<1x16xf32>,
      %add3A_1419 = arith.constant 64 : i32
      %add3A_1420 = arith.addi %add3A_1419, %scan3A_1297 : i32
      %swap3A_1421 = arith.index_cast %add3A_1420 : i32 to index
      %swap3A_1422 = arith.constant 112 : index
      %swap3A_1423 = tpu.vector_load %arg9[%swap3A_1421, %swap3A_1422] {strides = array<i32>} : memref<128x128xf32, #tpu.memory_space<vmem>>, vector<1x16xf32>,
      %swap3A_1424 = vector.shape_cast %swap3A_1423 : vector<1x16xf32> to vector<16xf32>
      %swap3A_1425 = vector.shape_cast %get3A_1413 : vector<16xf32> to vector<1x16xf32>
      tpu.vector_store %arg9[%swap3A_1421, %swap3A_1422], %swap3A_1425 {add = true, strides = array<i32>} : memref<128x128xf32, #tpu.memory_space<vmem>>, vector<1x16xf32>,
    }
    %scan3A_1066 = arith.constant 64 : i32
    %dma_start3A_1067 = arith.constant 10 : i32
    %dma_start3A_1068 = arith.constant 0 : i32
    %dma_start3A_1069 = arith.constant 0 : i32
    %dma_start3A_1070 = tpu.memref_slice %arg9[%dma_start3A_1068, %dma_start3A_1069] : memref<128x128xf32, #tpu.memory_space<vmem>> -> memref<64x128xf32, #tpu.memory_space<vmem>>
    %dma_start3A_1071 = arith.constant 0 : i32
    %dma_start3A_1072 = tpu.memref_slice %arg5[%dma_start3A_1067, %mul3A_2, %dma_start3A_1071] : memref<16x2048x128xf32, #tpu.memory_space<hbm>> -> memref<1x64x128xf32, #tpu.memory_space<hbm>>
    %dma_start3A_1073 = tpu.memref_squeeze %dma_start3A_1072 : memref<1x64x128xf32, #tpu.memory_space<hbm>> -> memref<64x128xf32, #tpu.memory_space<hbm>>
    %dma_start3A_1074 = arith.constant 0 : i32
    %dma_start3A_1075 = tpu.memref_slice %arg5[%dma_start3A_1067, %mul3A_2, %dma_start3A_1074] : memref<16x2048x128xf32, #tpu.memory_space<hbm>> -> memref<1x64x128xf32, #tpu.memory_space<hbm>>
    %dma_start3A_1076 = tpu.memref_squeeze %dma_start3A_1075 : memref<1x64x128xf32, #tpu.memory_space<hbm>> -> memref<64x128xf32, #tpu.memory_space<hbm>>
    %dma_start3A_1077 = arith.constant 0 : i32
    %dma_start3A_1078 = arith.constant 0 : i32
    %dma_start3A_1079 = tpu.memref_slice %arg9[%dma_start3A_1077, %dma_start3A_1078] : memref<128x128xf32, #tpu.memory_space<vmem>> -> memref<64x128xf32, #tpu.memory_space<vmem>>
    tpu.enqueue_dma source(%dma_start3A_1079 : memref<64x128xf32, #tpu.memory_space<vmem>>) target(%dma_start3A_1076 : memref<64x128xf32, #tpu.memory_space<hbm>>) target_semaphore(%arg19 : memref<!tpu.dma_semaphore, #tpu.memory_space<semaphore_mem>>)
    %dma_start3A_1080 = arith.constant 11 : i32
    %dma_start3A_1081 = arith.constant 64 : i32
    %dma_start3A_1082 = arith.constant 0 : i32
    %dma_start3A_1083 = tpu.memref_slice %arg9[%dma_start3A_1081, %dma_start3A_1082] : memref<128x128xf32, #tpu.memory_space<vmem>> -> memref<64x128xf32, #tpu.memory_space<vmem>>
    %dma_start3A_1084 = arith.constant 0 : i32
    %dma_start3A_1085 = tpu.memref_slice %arg5[%dma_start3A_1080, %mul3A_2, %dma_start3A_1084] : memref<16x2048x128xf32, #tpu.memory_space<hbm>> -> memref<1x64x128xf32, #tpu.memory_space<hbm>>
    %dma_start3A_1086 = tpu.memref_squeeze %dma_start3A_1085 : memref<1x64x128xf32, #tpu.memory_space<hbm>> -> memref<64x128xf32, #tpu.memory_space<hbm>>
    %dma_start3A_1087 = arith.constant 0 : i32
    %dma_start3A_1088 = tpu.memref_slice %arg5[%dma_start3A_1080, %mul3A_2, %dma_start3A_1087] : memref<16x2048x128xf32, #tpu.memory_space<hbm>> -> memref<1x64x128xf32, #tpu.memory_space<hbm>>
    %dma_start3A_1089 = tpu.memref_squeeze %dma_start3A_1088 : memref<1x64x128xf32, #tpu.memory_space<hbm>> -> memref<64x128xf32, #tpu.memory_space<hbm>>
    %dma_start3A_1090 = arith.constant 64 : i32
    %dma_start3A_1091 = arith.constant 0 : i32
    %dma_start3A_1092 = tpu.memref_slice %arg9[%dma_start3A_1090, %dma_start3A_1091] : memref<128x128xf32, #tpu.memory_space<vmem>> -> memref<64x128xf32, #tpu.memory_space<vmem>>
    tpu.enqueue_dma source(%dma_start3A_1092 : memref<64x128xf32, #tpu.memory_space<vmem>>) target(%dma_start3A_1089 : memref<64x128xf32, #tpu.memory_space<hbm>>) target_semaphore(%arg19 : memref<!tpu.dma_semaphore, #tpu.memory_space<semaphore_mem>>)
    %dma_wait3A_1093 = arith.constant 768 : i32
    %dma_wait3A_1094 = tpu.memref_slice %arg7[%dma_wait3A_1093] : memref<1024xi32, #tpu.memory_space<vmem>> -> memref<128xi32, #tpu.memory_space<vmem>>
    %dma_wait3A_1095 = arith.constant 0 : i32
    %dma_wait3A_1096 = arith.constant 0 : i32
    %dma_wait3A_1097 = tpu.memref_slice %arg3[%dma_wait3A_1095, %dma_wait3A_1096] : memref<100000x128xf32, #tpu.memory_space<hbm>> -> memref<100000x128xf32, #tpu.memory_space<hbm>>
    tpu.wait_indirect_dma semaphore(%arg15 : memref<!tpu.dma_semaphore, #tpu.memory_space<semaphore_mem>>) src(%dma_wait3A_1097 : memref<100000x128xf32, #tpu.memory_space<hbm>>) dst(%arg10 : memref<128x128xf32, #tpu.memory_space<vmem>>)
    %scan3A_1098 = arith.constant 0 : i32
    %scan3A_1099 = arith.constant 0 : i32
    %scan3A_1100 = arith.constant 64 : i32
    %scan3A_1101 = arith.addi %scan3A_1099, %scan3A_1100 : i32
    %scan3A_1102 = arith.constant 1 : i32
    scf.for %scan3A_1297 = %scan3A_1099 to %scan3A_1101 step %scan3A_1102  : i32 {
      %get3A_1298 = arith.index_cast %scan3A_1297 : i32 to index
      %get3A_1299 = arith.constant 0 : index
      %get3A_1300 = tpu.vector_load %arg8[%get3A_1298, %get3A_1299] {strides = array<i32>} : memref<64x128xf32, #tpu.memory_space<vmem>>, vector<1x16xf32>,
      %get3A_1301 = vector.shape_cast %get3A_1300 : vector<1x16xf32> to vector<16xf32>
      %swap3A_1302 = arith.index_cast %scan3A_1297 : i32 to index
      %swap3A_1303 = arith.constant 0 : index
      %swap3A_1304 = tpu.vector_load %arg10[%swap3A_1302, %swap3A_1303] {strides = array<i32>} : memref<128x128xf32, #tpu.memory_space<vmem>>, vector<1x16xf32>,
      %swap3A_1305 = vector.shape_cast %swap3A_1304 : vector<1x16xf32> to vector<16xf32>
      %swap3A_1306 = vector.shape_cast %get3A_1301 : vector<16xf32> to vector<1x16xf32>
      tpu.vector_store %arg10[%swap3A_1302, %swap3A_1303], %swap3A_1306 {add = true, strides = array<i32>} : memref<128x128xf32, #tpu.memory_space<vmem>>, vector<1x16xf32>,
      %add3A_1307 = arith.constant 64 : i32
      %add3A_1308 = arith.addi %add3A_1307, %scan3A_1297 : i32
      %swap3A_1309 = arith.index_cast %add3A_1308 : i32 to index
      %swap3A_1310 = arith.constant 0 : index
      %swap3A_1311 = tpu.vector_load %arg10[%swap3A_1309, %swap3A_1310] {strides = array<i32>} : memref<128x128xf32, #tpu.memory_space<vmem>>, vector<1x16xf32>,
      %swap3A_1312 = vector.shape_cast %swap3A_1311 : vector<1x16xf32> to vector<16xf32>
      %swap3A_1313 = vector.shape_cast %get3A_1301 : vector<16xf32> to vector<1x16xf32>
      tpu.vector_store %arg10[%swap3A_1309, %swap3A_1310], %swap3A_1313 {add = true, strides = array<i32>} : memref<128x128xf32, #tpu.memory_space<vmem>>, vector<1x16xf32>,
      %get3A_1314 = arith.index_cast %scan3A_1297 : i32 to index
      %get3A_1315 = arith.constant 16 : index
      %get3A_1316 = tpu.vector_load %arg8[%get3A_1314, %get3A_1315] {strides = array<i32>} : memref<64x128xf32, #tpu.memory_space<vmem>>, vector<1x16xf32>,
      %get3A_1317 = vector.shape_cast %get3A_1316 : vector<1x16xf32> to vector<16xf32>
      %swap3A_1318 = arith.index_cast %scan3A_1297 : i32 to index
      %swap3A_1319 = arith.constant 16 : index
      %swap3A_1320 = tpu.vector_load %arg10[%swap3A_1318, %swap3A_1319] {strides = array<i32>} : memref<128x128xf32, #tpu.memory_space<vmem>>, vector<1x16xf32>,
      %swap3A_1321 = vector.shape_cast %swap3A_1320 : vector<1x16xf32> to vector<16xf32>
      %swap3A_1322 = vector.shape_cast %get3A_1317 : vector<16xf32> to vector<1x16xf32>
      tpu.vector_store %arg10[%swap3A_1318, %swap3A_1319], %swap3A_1322 {add = true, strides = array<i32>} : memref<128x128xf32, #tpu.memory_space<vmem>>, vector<1x16xf32>,
      %add3A_1323 = arith.constant 64 : i32
      %add3A_1324 = arith.addi %add3A_1323, %scan3A_1297 : i32
      %swap3A_1325 = arith.index_cast %add3A_1324 : i32 to index
      %swap3A_1326 = arith.constant 16 : index
      %swap3A_1327 = tpu.vector_load %arg10[%swap3A_1325, %swap3A_1326] {strides = array<i32>} : memref<128x128xf32, #tpu.memory_space<vmem>>, vector<1x16xf32>,
      %swap3A_1328 = vector.shape_cast %swap3A_1327 : vector<1x16xf32> to vector<16xf32>
      %swap3A_1329 = vector.shape_cast %get3A_1317 : vector<16xf32> to vector<1x16xf32>
      tpu.vector_store %arg10[%swap3A_1325, %swap3A_1326], %swap3A_1329 {add = true, strides = array<i32>} : memref<128x128xf32, #tpu.memory_space<vmem>>, vector<1x16xf32>,
      %get3A_1330 = arith.index_cast %scan3A_1297 : i32 to index
      %get3A_1331 = arith.constant 32 : index
      %get3A_1332 = tpu.vector_load %arg8[%get3A_1330, %get3A_1331] {strides = array<i32>} : memref<64x128xf32, #tpu.memory_space<vmem>>, vector<1x16xf32>,
      %get3A_1333 = vector.shape_cast %get3A_1332 : vector<1x16xf32> to vector<16xf32>
      %swap3A_1334 = arith.index_cast %scan3A_1297 : i32 to index
      %swap3A_1335 = arith.constant 32 : index
      %swap3A_1336 = tpu.vector_load %arg10[%swap3A_1334, %swap3A_1335] {strides = array<i32>} : memref<128x128xf32, #tpu.memory_space<vmem>>, vector<1x16xf32>,
      %swap3A_1337 = vector.shape_cast %swap3A_1336 : vector<1x16xf32> to vector<16xf32>
      %swap3A_1338 = vector.shape_cast %get3A_1333 : vector<16xf32> to vector<1x16xf32>
      tpu.vector_store %arg10[%swap3A_1334, %swap3A_1335], %swap3A_1338 {add = true, strides = array<i32>} : memref<128x128xf32, #tpu.memory_space<vmem>>, vector<1x16xf32>,
      %add3A_1339 = arith.constant 64 : i32
      %add3A_1340 = arith.addi %add3A_1339, %scan3A_1297 : i32
      %swap3A_1341 = arith.index_cast %add3A_1340 : i32 to index
      %swap3A_1342 = arith.constant 32 : index
      %swap3A_1343 = tpu.vector_load %arg10[%swap3A_1341, %swap3A_1342] {strides = array<i32>} : memref<128x128xf32, #tpu.memory_space<vmem>>, vector<1x16xf32>,
      %swap3A_1344 = vector.shape_cast %swap3A_1343 : vector<1x16xf32> to vector<16xf32>
      %swap3A_1345 = vector.shape_cast %get3A_1333 : vector<16xf32> to vector<1x16xf32>
      tpu.vector_store %arg10[%swap3A_1341, %swap3A_1342], %swap3A_1345 {add = true, strides = array<i32>} : memref<128x128xf32, #tpu.memory_space<vmem>>, vector<1x16xf32>,
      %get3A_1346 = arith.index_cast %scan3A_1297 : i32 to index
      %get3A_1347 = arith.constant 48 : index
      %get3A_1348 = tpu.vector_load %arg8[%get3A_1346, %get3A_1347] {strides = array<i32>} : memref<64x128xf32, #tpu.memory_space<vmem>>, vector<1x16xf32>,
      %get3A_1349 = vector.shape_cast %get3A_1348 : vector<1x16xf32> to vector<16xf32>
      %swap3A_1350 = arith.index_cast %scan3A_1297 : i32 to index
      %swap3A_1351 = arith.constant 48 : index
      %swap3A_1352 = tpu.vector_load %arg10[%swap3A_1350, %swap3A_1351] {strides = array<i32>} : memref<128x128xf32, #tpu.memory_space<vmem>>, vector<1x16xf32>,
      %swap3A_1353 = vector.shape_cast %swap3A_1352 : vector<1x16xf32> to vector<16xf32>
      %swap3A_1354 = vector.shape_cast %get3A_1349 : vector<16xf32> to vector<1x16xf32>
      tpu.vector_store %arg10[%swap3A_1350, %swap3A_1351], %swap3A_1354 {add = true, strides = array<i32>} : memref<128x128xf32, #tpu.memory_space<vmem>>, vector<1x16xf32>,
      %add3A_1355 = arith.constant 64 : i32
      %add3A_1356 = arith.addi %add3A_1355, %scan3A_1297 : i32
      %swap3A_1357 = arith.index_cast %add3A_1356 : i32 to index
      %swap3A_1358 = arith.constant 48 : index
      %swap3A_1359 = tpu.vector_load %arg10[%swap3A_1357, %swap3A_1358] {strides = array<i32>} : memref<128x128xf32, #tpu.memory_space<vmem>>, vector<1x16xf32>,
      %swap3A_1360 = vector.shape_cast %swap3A_1359 : vector<1x16xf32> to vector<16xf32>
      %swap3A_1361 = vector.shape_cast %get3A_1349 : vector<16xf32> to vector<1x16xf32>
      tpu.vector_store %arg10[%swap3A_1357, %swap3A_1358], %swap3A_1361 {add = true, strides = array<i32>} : memref<128x128xf32, #tpu.memory_space<vmem>>, vector<1x16xf32>,
      %get3A_1362 = arith.index_cast %scan3A_1297 : i32 to index
      %get3A_1363 = arith.constant 64 : index
      %get3A_1364 = tpu.vector_load %arg8[%get3A_1362, %get3A_1363] {strides = array<i32>} : memref<64x128xf32, #tpu.memory_space<vmem>>, vector<1x16xf32>,
      %get3A_1365 = vector.shape_cast %get3A_1364 : vector<1x16xf32> to vector<16xf32>
      %swap3A_1366 = arith.index_cast %scan3A_1297 : i32 to index
      %swap3A_1367 = arith.constant 64 : index
      %swap3A_1368 = tpu.vector_load %arg10[%swap3A_1366, %swap3A_1367] {strides = array<i32>} : memref<128x128xf32, #tpu.memory_space<vmem>>, vector<1x16xf32>,
      %swap3A_1369 = vector.shape_cast %swap3A_1368 : vector<1x16xf32> to vector<16xf32>
      %swap3A_1370 = vector.shape_cast %get3A_1365 : vector<16xf32> to vector<1x16xf32>
      tpu.vector_store %arg10[%swap3A_1366, %swap3A_1367], %swap3A_1370 {add = true, strides = array<i32>} : memref<128x128xf32, #tpu.memory_space<vmem>>, vector<1x16xf32>,
      %add3A_1371 = arith.constant 64 : i32
      %add3A_1372 = arith.addi %add3A_1371, %scan3A_1297 : i32
      %swap3A_1373 = arith.index_cast %add3A_1372 : i32 to index
      %swap3A_1374 = arith.constant 64 : index
      %swap3A_1375 = tpu.vector_load %arg10[%swap3A_1373, %swap3A_1374] {strides = array<i32>} : memref<128x128xf32, #tpu.memory_space<vmem>>, vector<1x16xf32>,
      %swap3A_1376 = vector.shape_cast %swap3A_1375 : vector<1x16xf32> to vector<16xf32>
      %swap3A_1377 = vector.shape_cast %get3A_1365 : vector<16xf32> to vector<1x16xf32>
      tpu.vector_store %arg10[%swap3A_1373, %swap3A_1374], %swap3A_1377 {add = true, strides = array<i32>} : memref<128x128xf32, #tpu.memory_space<vmem>>, vector<1x16xf32>,
      %get3A_1378 = arith.index_cast %scan3A_1297 : i32 to index
      %get3A_1379 = arith.constant 80 : index
      %get3A_1380 = tpu.vector_load %arg8[%get3A_1378, %get3A_1379] {strides = array<i32>} : memref<64x128xf32, #tpu.memory_space<vmem>>, vector<1x16xf32>,
      %get3A_1381 = vector.shape_cast %get3A_1380 : vector<1x16xf32> to vector<16xf32>
      %swap3A_1382 = arith.index_cast %scan3A_1297 : i32 to index
      %swap3A_1383 = arith.constant 80 : index
      %swap3A_1384 = tpu.vector_load %arg10[%swap3A_1382, %swap3A_1383] {strides = array<i32>} : memref<128x128xf32, #tpu.memory_space<vmem>>, vector<1x16xf32>,
      %swap3A_1385 = vector.shape_cast %swap3A_1384 : vector<1x16xf32> to vector<16xf32>
      %swap3A_1386 = vector.shape_cast %get3A_1381 : vector<16xf32> to vector<1x16xf32>
      tpu.vector_store %arg10[%swap3A_1382, %swap3A_1383], %swap3A_1386 {add = true, strides = array<i32>} : memref<128x128xf32, #tpu.memory_space<vmem>>, vector<1x16xf32>,
      %add3A_1387 = arith.constant 64 : i32
      %add3A_1388 = arith.addi %add3A_1387, %scan3A_1297 : i32
      %swap3A_1389 = arith.index_cast %add3A_1388 : i32 to index
      %swap3A_1390 = arith.constant 80 : index
      %swap3A_1391 = tpu.vector_load %arg10[%swap3A_1389, %swap3A_1390] {strides = array<i32>} : memref<128x128xf32, #tpu.memory_space<vmem>>, vector<1x16xf32>,
      %swap3A_1392 = vector.shape_cast %swap3A_1391 : vector<1x16xf32> to vector<16xf32>
      %swap3A_1393 = vector.shape_cast %get3A_1381 : vector<16xf32> to vector<1x16xf32>
      tpu.vector_store %arg10[%swap3A_1389, %swap3A_1390], %swap3A_1393 {add = true, strides = array<i32>} : memref<128x128xf32, #tpu.memory_space<vmem>>, vector<1x16xf32>,
      %get3A_1394 = arith.index_cast %scan3A_1297 : i32 to index
      %get3A_1395 = arith.constant 96 : index
      %get3A_1396 = tpu.vector_load %arg8[%get3A_1394, %get3A_1395] {strides = array<i32>} : memref<64x128xf32, #tpu.memory_space<vmem>>, vector<1x16xf32>,
      %get3A_1397 = vector.shape_cast %get3A_1396 : vector<1x16xf32> to vector<16xf32>
      %swap3A_1398 = arith.index_cast %scan3A_1297 : i32 to index
      %swap3A_1399 = arith.constant 96 : index
      %swap3A_1400 = tpu.vector_load %arg10[%swap3A_1398, %swap3A_1399] {strides = array<i32>} : memref<128x128xf32, #tpu.memory_space<vmem>>, vector<1x16xf32>,
      %swap3A_1401 = vector.shape_cast %swap3A_1400 : vector<1x16xf32> to vector<16xf32>
      %swap3A_1402 = vector.shape_cast %get3A_1397 : vector<16xf32> to vector<1x16xf32>
      tpu.vector_store %arg10[%swap3A_1398, %swap3A_1399], %swap3A_1402 {add = true, strides = array<i32>} : memref<128x128xf32, #tpu.memory_space<vmem>>, vector<1x16xf32>,
      %add3A_1403 = arith.constant 64 : i32
      %add3A_1404 = arith.addi %add3A_1403, %scan3A_1297 : i32
      %swap3A_1405 = arith.index_cast %add3A_1404 : i32 to index
      %swap3A_1406 = arith.constant 96 : index
      %swap3A_1407 = tpu.vector_load %arg10[%swap3A_1405, %swap3A_1406] {strides = array<i32>} : memref<128x128xf32, #tpu.memory_space<vmem>>, vector<1x16xf32>,
      %swap3A_1408 = vector.shape_cast %swap3A_1407 : vector<1x16xf32> to vector<16xf32>
      %swap3A_1409 = vector.shape_cast %get3A_1397 : vector<16xf32> to vector<1x16xf32>
      tpu.vector_store %arg10[%swap3A_1405, %swap3A_1406], %swap3A_1409 {add = true, strides = array<i32>} : memref<128x128xf32, #tpu.memory_space<vmem>>, vector<1x16xf32>,
      %get3A_1410 = arith.index_cast %scan3A_1297 : i32 to index
      %get3A_1411 = arith.constant 112 : index
      %get3A_1412 = tpu.vector_load %arg8[%get3A_1410, %get3A_1411] {strides = array<i32>} : memref<64x128xf32, #tpu.memory_space<vmem>>, vector<1x16xf32>,
      %get3A_1413 = vector.shape_cast %get3A_1412 : vector<1x16xf32> to vector<16xf32>
      %swap3A_1414 = arith.index_cast %scan3A_1297 : i32 to index
      %swap3A_1415 = arith.constant 112 : index
      %swap3A_1416 = tpu.vector_load %arg10[%swap3A_1414, %swap3A_1415] {strides = array<i32>} : memref<128x128xf32, #tpu.memory_space<vmem>>, vector<1x16xf32>,
      %swap3A_1417 = vector.shape_cast %swap3A_1416 : vector<1x16xf32> to vector<16xf32>
      %swap3A_1418 = vector.shape_cast %get3A_1413 : vector<16xf32> to vector<1x16xf32>
      tpu.vector_store %arg10[%swap3A_1414, %swap3A_1415], %swap3A_1418 {add = true, strides = array<i32>} : memref<128x128xf32, #tpu.memory_space<vmem>>, vector<1x16xf32>,
      %add3A_1419 = arith.constant 64 : i32
      %add3A_1420 = arith.addi %add3A_1419, %scan3A_1297 : i32
      %swap3A_1421 = arith.index_cast %add3A_1420 : i32 to index
      %swap3A_1422 = arith.constant 112 : index
      %swap3A_1423 = tpu.vector_load %arg10[%swap3A_1421, %swap3A_1422] {strides = array<i32>} : memref<128x128xf32, #tpu.memory_space<vmem>>, vector<1x16xf32>,
      %swap3A_1424 = vector.shape_cast %swap3A_1423 : vector<1x16xf32> to vector<16xf32>
      %swap3A_1425 = vector.shape_cast %get3A_1413 : vector<16xf32> to vector<1x16xf32>
      tpu.vector_store %arg10[%swap3A_1421, %swap3A_1422], %swap3A_1425 {add = true, strides = array<i32>} : memref<128x128xf32, #tpu.memory_space<vmem>>, vector<1x16xf32>,
    }
    %scan3A_1103 = arith.constant 64 : i32
    %dma_start3A_1104 = arith.constant 12 : i32
    %dma_start3A_1105 = arith.constant 0 : i32
    %dma_start3A_1106 = arith.constant 0 : i32
    %dma_start3A_1107 = tpu.memref_slice %arg10[%dma_start3A_1105, %dma_start3A_1106] : memref<128x128xf32, #tpu.memory_space<vmem>> -> memref<64x128xf32, #tpu.memory_space<vmem>>
    %dma_start3A_1108 = arith.constant 0 : i32
    %dma_start3A_1109 = tpu.memref_slice %arg5[%dma_start3A_1104, %mul3A_2, %dma_start3A_1108] : memref<16x2048x128xf32, #tpu.memory_space<hbm>> -> memref<1x64x128xf32, #tpu.memory_space<hbm>>
    %dma_start3A_1110 = tpu.memref_squeeze %dma_start3A_1109 : memref<1x64x128xf32, #tpu.memory_space<hbm>> -> memref<64x128xf32, #tpu.memory_space<hbm>>
    %dma_start3A_1111 = arith.constant 0 : i32
    %dma_start3A_1112 = tpu.memref_slice %arg5[%dma_start3A_1104, %mul3A_2, %dma_start3A_1111] : memref<16x2048x128xf32, #tpu.memory_space<hbm>> -> memref<1x64x128xf32, #tpu.memory_space<hbm>>
    %dma_start3A_1113 = tpu.memref_squeeze %dma_start3A_1112 : memref<1x64x128xf32, #tpu.memory_space<hbm>> -> memref<64x128xf32, #tpu.memory_space<hbm>>
    %dma_start3A_1114 = arith.constant 0 : i32
    %dma_start3A_1115 = arith.constant 0 : i32
    %dma_start3A_1116 = tpu.memref_slice %arg10[%dma_start3A_1114, %dma_start3A_1115] : memref<128x128xf32, #tpu.memory_space<vmem>> -> memref<64x128xf32, #tpu.memory_space<vmem>>
    tpu.enqueue_dma source(%dma_start3A_1116 : memref<64x128xf32, #tpu.memory_space<vmem>>) target(%dma_start3A_1113 : memref<64x128xf32, #tpu.memory_space<hbm>>) target_semaphore(%arg20 : memref<!tpu.dma_semaphore, #tpu.memory_space<semaphore_mem>>)
    %dma_start3A_1117 = arith.constant 13 : i32
    %dma_start3A_1118 = arith.constant 64 : i32
    %dma_start3A_1119 = arith.constant 0 : i32
    %dma_start3A_1120 = tpu.memref_slice %arg10[%dma_start3A_1118, %dma_start3A_1119] : memref<128x128xf32, #tpu.memory_space<vmem>> -> memref<64x128xf32, #tpu.memory_space<vmem>>
    %dma_start3A_1121 = arith.constant 0 : i32
    %dma_start3A_1122 = tpu.memref_slice %arg5[%dma_start3A_1117, %mul3A_2, %dma_start3A_1121] : memref<16x2048x128xf32, #tpu.memory_space<hbm>> -> memref<1x64x128xf32, #tpu.memory_space<hbm>>
    %dma_start3A_1123 = tpu.memref_squeeze %dma_start3A_1122 : memref<1x64x128xf32, #tpu.memory_space<hbm>> -> memref<64x128xf32, #tpu.memory_space<hbm>>
    %dma_start3A_1124 = arith.constant 0 : i32
    %dma_start3A_1125 = tpu.memref_slice %arg5[%dma_start3A_1117, %mul3A_2, %dma_start3A_1124] : memref<16x2048x128xf32, #tpu.memory_space<hbm>> -> memref<1x64x128xf32, #tpu.memory_space<hbm>>
    %dma_start3A_1126 = tpu.memref_squeeze %dma_start3A_1125 : memref<1x64x128xf32, #tpu.memory_space<hbm>> -> memref<64x128xf32, #tpu.memory_space<hbm>>
    %dma_start3A_1127 = arith.constant 64 : i32
    %dma_start3A_1128 = arith.constant 0 : i32
    %dma_start3A_1129 = tpu.memref_slice %arg10[%dma_start3A_1127, %dma_start3A_1128] : memref<128x128xf32, #tpu.memory_space<vmem>> -> memref<64x128xf32, #tpu.memory_space<vmem>>
    tpu.enqueue_dma source(%dma_start3A_1129 : memref<64x128xf32, #tpu.memory_space<vmem>>) target(%dma_start3A_1126 : memref<64x128xf32, #tpu.memory_space<hbm>>) target_semaphore(%arg20 : memref<!tpu.dma_semaphore, #tpu.memory_space<semaphore_mem>>)
    %dma_wait3A_1130 = arith.constant 896 : i32
    %dma_wait3A_1131 = tpu.memref_slice %arg7[%dma_wait3A_1130] : memref<1024xi32, #tpu.memory_space<vmem>> -> memref<128xi32, #tpu.memory_space<vmem>>
    %dma_wait3A_1132 = arith.constant 0 : i32
    %dma_wait3A_1133 = arith.constant 0 : i32
    %dma_wait3A_1134 = tpu.memref_slice %arg3[%dma_wait3A_1132, %dma_wait3A_1133] : memref<100000x128xf32, #tpu.memory_space<hbm>> -> memref<100000x128xf32, #tpu.memory_space<hbm>>
    tpu.wait_indirect_dma semaphore(%arg16 : memref<!tpu.dma_semaphore, #tpu.memory_space<semaphore_mem>>) src(%dma_wait3A_1134 : memref<100000x128xf32, #tpu.memory_space<hbm>>) dst(%arg11 : memref<128x128xf32, #tpu.memory_space<vmem>>)
    %scan3A_1135 = arith.constant 0 : i32
    %scan3A_1136 = arith.constant 0 : i32
    %scan3A_1137 = arith.constant 64 : i32
    %scan3A_1138 = arith.addi %scan3A_1136, %scan3A_1137 : i32
    %scan3A_1139 = arith.constant 1 : i32
    scf.for %scan3A_1297 = %scan3A_1136 to %scan3A_1138 step %scan3A_1139  : i32 {
      %get3A_1298 = arith.index_cast %scan3A_1297 : i32 to index
      %get3A_1299 = arith.constant 0 : index
      %get3A_1300 = tpu.vector_load %arg8[%get3A_1298, %get3A_1299] {strides = array<i32>} : memref<64x128xf32, #tpu.memory_space<vmem>>, vector<1x16xf32>,
      %get3A_1301 = vector.shape_cast %get3A_1300 : vector<1x16xf32> to vector<16xf32>
      %swap3A_1302 = arith.index_cast %scan3A_1297 : i32 to index
      %swap3A_1303 = arith.constant 0 : index
      %swap3A_1304 = tpu.vector_load %arg11[%swap3A_1302, %swap3A_1303] {strides = array<i32>} : memref<128x128xf32, #tpu.memory_space<vmem>>, vector<1x16xf32>,
      %swap3A_1305 = vector.shape_cast %swap3A_1304 : vector<1x16xf32> to vector<16xf32>
      %swap3A_1306 = vector.shape_cast %get3A_1301 : vector<16xf32> to vector<1x16xf32>
      tpu.vector_store %arg11[%swap3A_1302, %swap3A_1303], %swap3A_1306 {add = true, strides = array<i32>} : memref<128x128xf32, #tpu.memory_space<vmem>>, vector<1x16xf32>,
      %add3A_1307 = arith.constant 64 : i32
      %add3A_1308 = arith.addi %add3A_1307, %scan3A_1297 : i32
      %swap3A_1309 = arith.index_cast %add3A_1308 : i32 to index
      %swap3A_1310 = arith.constant 0 : index
      %swap3A_1311 = tpu.vector_load %arg11[%swap3A_1309, %swap3A_1310] {strides = array<i32>} : memref<128x128xf32, #tpu.memory_space<vmem>>, vector<1x16xf32>,
      %swap3A_1312 = vector.shape_cast %swap3A_1311 : vector<1x16xf32> to vector<16xf32>
      %swap3A_1313 = vector.shape_cast %get3A_1301 : vector<16xf32> to vector<1x16xf32>
      tpu.vector_store %arg11[%swap3A_1309, %swap3A_1310], %swap3A_1313 {add = true, strides = array<i32>} : memref<128x128xf32, #tpu.memory_space<vmem>>, vector<1x16xf32>,
      %get3A_1314 = arith.index_cast %scan3A_1297 : i32 to index
      %get3A_1315 = arith.constant 16 : index
      %get3A_1316 = tpu.vector_load %arg8[%get3A_1314, %get3A_1315] {strides = array<i32>} : memref<64x128xf32, #tpu.memory_space<vmem>>, vector<1x16xf32>,
      %get3A_1317 = vector.shape_cast %get3A_1316 : vector<1x16xf32> to vector<16xf32>
      %swap3A_1318 = arith.index_cast %scan3A_1297 : i32 to index
      %swap3A_1319 = arith.constant 16 : index
      %swap3A_1320 = tpu.vector_load %arg11[%swap3A_1318, %swap3A_1319] {strides = array<i32>} : memref<128x128xf32, #tpu.memory_space<vmem>>, vector<1x16xf32>,
      %swap3A_1321 = vector.shape_cast %swap3A_1320 : vector<1x16xf32> to vector<16xf32>
      %swap3A_1322 = vector.shape_cast %get3A_1317 : vector<16xf32> to vector<1x16xf32>
      tpu.vector_store %arg11[%swap3A_1318, %swap3A_1319], %swap3A_1322 {add = true, strides = array<i32>} : memref<128x128xf32, #tpu.memory_space<vmem>>, vector<1x16xf32>,
      %add3A_1323 = arith.constant 64 : i32
      %add3A_1324 = arith.addi %add3A_1323, %scan3A_1297 : i32
      %swap3A_1325 = arith.index_cast %add3A_1324 : i32 to index
      %swap3A_1326 = arith.constant 16 : index
      %swap3A_1327 = tpu.vector_load %arg11[%swap3A_1325, %swap3A_1326] {strides = array<i32>} : memref<128x128xf32, #tpu.memory_space<vmem>>, vector<1x16xf32>,
      %swap3A_1328 = vector.shape_cast %swap3A_1327 : vector<1x16xf32> to vector<16xf32>
      %swap3A_1329 = vector.shape_cast %get3A_1317 : vector<16xf32> to vector<1x16xf32>
      tpu.vector_store %arg11[%swap3A_1325, %swap3A_1326], %swap3A_1329 {add = true, strides = array<i32>} : memref<128x128xf32, #tpu.memory_space<vmem>>, vector<1x16xf32>,
      %get3A_1330 = arith.index_cast %scan3A_1297 : i32 to index
      %get3A_1331 = arith.constant 32 : index
      %get3A_1332 = tpu.vector_load %arg8[%get3A_1330, %get3A_1331] {strides = array<i32>} : memref<64x128xf32, #tpu.memory_space<vmem>>, vector<1x16xf32>,
      %get3A_1333 = vector.shape_cast %get3A_1332 : vector<1x16xf32> to vector<16xf32>
      %swap3A_1334 = arith.index_cast %scan3A_1297 : i32 to index
      %swap3A_1335 = arith.constant 32 : index
      %swap3A_1336 = tpu.vector_load %arg11[%swap3A_1334, %swap3A_1335] {strides = array<i32>} : memref<128x128xf32, #tpu.memory_space<vmem>>, vector<1x16xf32>,
      %swap3A_1337 = vector.shape_cast %swap3A_1336 : vector<1x16xf32> to vector<16xf32>
      %swap3A_1338 = vector.shape_cast %get3A_1333 : vector<16xf32> to vector<1x16xf32>
      tpu.vector_store %arg11[%swap3A_1334, %swap3A_1335], %swap3A_1338 {add = true, strides = array<i32>} : memref<128x128xf32, #tpu.memory_space<vmem>>, vector<1x16xf32>,
      %add3A_1339 = arith.constant 64 : i32
      %add3A_1340 = arith.addi %add3A_1339, %scan3A_1297 : i32
      %swap3A_1341 = arith.index_cast %add3A_1340 : i32 to index
      %swap3A_1342 = arith.constant 32 : index
      %swap3A_1343 = tpu.vector_load %arg11[%swap3A_1341, %swap3A_1342] {strides = array<i32>} : memref<128x128xf32, #tpu.memory_space<vmem>>, vector<1x16xf32>,
      %swap3A_1344 = vector.shape_cast %swap3A_1343 : vector<1x16xf32> to vector<16xf32>
      %swap3A_1345 = vector.shape_cast %get3A_1333 : vector<16xf32> to vector<1x16xf32>
      tpu.vector_store %arg11[%swap3A_1341, %swap3A_1342], %swap3A_1345 {add = true, strides = array<i32>} : memref<128x128xf32, #tpu.memory_space<vmem>>, vector<1x16xf32>,
      %get3A_1346 = arith.index_cast %scan3A_1297 : i32 to index
      %get3A_1347 = arith.constant 48 : index
      %get3A_1348 = tpu.vector_load %arg8[%get3A_1346, %get3A_1347] {strides = array<i32>} : memref<64x128xf32, #tpu.memory_space<vmem>>, vector<1x16xf32>,
      %get3A_1349 = vector.shape_cast %get3A_1348 : vector<1x16xf32> to vector<16xf32>
      %swap3A_1350 = arith.index_cast %scan3A_1297 : i32 to index
      %swap3A_1351 = arith.constant 48 : index
      %swap3A_1352 = tpu.vector_load %arg11[%swap3A_1350, %swap3A_1351] {strides = array<i32>} : memref<128x128xf32, #tpu.memory_space<vmem>>, vector<1x16xf32>,
      %swap3A_1353 = vector.shape_cast %swap3A_1352 : vector<1x16xf32> to vector<16xf32>
      %swap3A_1354 = vector.shape_cast %get3A_1349 : vector<16xf32> to vector<1x16xf32>
      tpu.vector_store %arg11[%swap3A_1350, %swap3A_1351], %swap3A_1354 {add = true, strides = array<i32>} : memref<128x128xf32, #tpu.memory_space<vmem>>, vector<1x16xf32>,
      %add3A_1355 = arith.constant 64 : i32
      %add3A_1356 = arith.addi %add3A_1355, %scan3A_1297 : i32
      %swap3A_1357 = arith.index_cast %add3A_1356 : i32 to index
      %swap3A_1358 = arith.constant 48 : index
      %swap3A_1359 = tpu.vector_load %arg11[%swap3A_1357, %swap3A_1358] {strides = array<i32>} : memref<128x128xf32, #tpu.memory_space<vmem>>, vector<1x16xf32>,
      %swap3A_1360 = vector.shape_cast %swap3A_1359 : vector<1x16xf32> to vector<16xf32>
      %swap3A_1361 = vector.shape_cast %get3A_1349 : vector<16xf32> to vector<1x16xf32>
      tpu.vector_store %arg11[%swap3A_1357, %swap3A_1358], %swap3A_1361 {add = true, strides = array<i32>} : memref<128x128xf32, #tpu.memory_space<vmem>>, vector<1x16xf32>,
      %get3A_1362 = arith.index_cast %scan3A_1297 : i32 to index
      %get3A_1363 = arith.constant 64 : index
      %get3A_1364 = tpu.vector_load %arg8[%get3A_1362, %get3A_1363] {strides = array<i32>} : memref<64x128xf32, #tpu.memory_space<vmem>>, vector<1x16xf32>,
      %get3A_1365 = vector.shape_cast %get3A_1364 : vector<1x16xf32> to vector<16xf32>
      %swap3A_1366 = arith.index_cast %scan3A_1297 : i32 to index
      %swap3A_1367 = arith.constant 64 : index
      %swap3A_1368 = tpu.vector_load %arg11[%swap3A_1366, %swap3A_1367] {strides = array<i32>} : memref<128x128xf32, #tpu.memory_space<vmem>>, vector<1x16xf32>,
      %swap3A_1369 = vector.shape_cast %swap3A_1368 : vector<1x16xf32> to vector<16xf32>
      %swap3A_1370 = vector.shape_cast %get3A_1365 : vector<16xf32> to vector<1x16xf32>
      tpu.vector_store %arg11[%swap3A_1366, %swap3A_1367], %swap3A_1370 {add = true, strides = array<i32>} : memref<128x128xf32, #tpu.memory_space<vmem>>, vector<1x16xf32>,
      %add3A_1371 = arith.constant 64 : i32
      %add3A_1372 = arith.addi %add3A_1371, %scan3A_1297 : i32
      %swap3A_1373 = arith.index_cast %add3A_1372 : i32 to index
      %swap3A_1374 = arith.constant 64 : index
      %swap3A_1375 = tpu.vector_load %arg11[%swap3A_1373, %swap3A_1374] {strides = array<i32>} : memref<128x128xf32, #tpu.memory_space<vmem>>, vector<1x16xf32>,
      %swap3A_1376 = vector.shape_cast %swap3A_1375 : vector<1x16xf32> to vector<16xf32>
      %swap3A_1377 = vector.shape_cast %get3A_1365 : vector<16xf32> to vector<1x16xf32>
      tpu.vector_store %arg11[%swap3A_1373, %swap3A_1374], %swap3A_1377 {add = true, strides = array<i32>} : memref<128x128xf32, #tpu.memory_space<vmem>>, vector<1x16xf32>,
      %get3A_1378 = arith.index_cast %scan3A_1297 : i32 to index
      %get3A_1379 = arith.constant 80 : index
      %get3A_1380 = tpu.vector_load %arg8[%get3A_1378, %get3A_1379] {strides = array<i32>} : memref<64x128xf32, #tpu.memory_space<vmem>>, vector<1x16xf32>,
      %get3A_1381 = vector.shape_cast %get3A_1380 : vector<1x16xf32> to vector<16xf32>
      %swap3A_1382 = arith.index_cast %scan3A_1297 : i32 to index
      %swap3A_1383 = arith.constant 80 : index
      %swap3A_1384 = tpu.vector_load %arg11[%swap3A_1382, %swap3A_1383] {strides = array<i32>} : memref<128x128xf32, #tpu.memory_space<vmem>>, vector<1x16xf32>,
      %swap3A_1385 = vector.shape_cast %swap3A_1384 : vector<1x16xf32> to vector<16xf32>
      %swap3A_1386 = vector.shape_cast %get3A_1381 : vector<16xf32> to vector<1x16xf32>
      tpu.vector_store %arg11[%swap3A_1382, %swap3A_1383], %swap3A_1386 {add = true, strides = array<i32>} : memref<128x128xf32, #tpu.memory_space<vmem>>, vector<1x16xf32>,
      %add3A_1387 = arith.constant 64 : i32
      %add3A_1388 = arith.addi %add3A_1387, %scan3A_1297 : i32
      %swap3A_1389 = arith.index_cast %add3A_1388 : i32 to index
      %swap3A_1390 = arith.constant 80 : index
      %swap3A_1391 = tpu.vector_load %arg11[%swap3A_1389, %swap3A_1390] {strides = array<i32>} : memref<128x128xf32, #tpu.memory_space<vmem>>, vector<1x16xf32>,
      %swap3A_1392 = vector.shape_cast %swap3A_1391 : vector<1x16xf32> to vector<16xf32>
      %swap3A_1393 = vector.shape_cast %get3A_1381 : vector<16xf32> to vector<1x16xf32>
      tpu.vector_store %arg11[%swap3A_1389, %swap3A_1390], %swap3A_1393 {add = true, strides = array<i32>} : memref<128x128xf32, #tpu.memory_space<vmem>>, vector<1x16xf32>,
      %get3A_1394 = arith.index_cast %scan3A_1297 : i32 to index
      %get3A_1395 = arith.constant 96 : index
      %get3A_1396 = tpu.vector_load %arg8[%get3A_1394, %get3A_1395] {strides = array<i32>} : memref<64x128xf32, #tpu.memory_space<vmem>>, vector<1x16xf32>,
      %get3A_1397 = vector.shape_cast %get3A_1396 : vector<1x16xf32> to vector<16xf32>
      %swap3A_1398 = arith.index_cast %scan3A_1297 : i32 to index
      %swap3A_1399 = arith.constant 96 : index
      %swap3A_1400 = tpu.vector_load %arg11[%swap3A_1398, %swap3A_1399] {strides = array<i32>} : memref<128x128xf32, #tpu.memory_space<vmem>>, vector<1x16xf32>,
      %swap3A_1401 = vector.shape_cast %swap3A_1400 : vector<1x16xf32> to vector<16xf32>
      %swap3A_1402 = vector.shape_cast %get3A_1397 : vector<16xf32> to vector<1x16xf32>
      tpu.vector_store %arg11[%swap3A_1398, %swap3A_1399], %swap3A_1402 {add = true, strides = array<i32>} : memref<128x128xf32, #tpu.memory_space<vmem>>, vector<1x16xf32>,
      %add3A_1403 = arith.constant 64 : i32
      %add3A_1404 = arith.addi %add3A_1403, %scan3A_1297 : i32
      %swap3A_1405 = arith.index_cast %add3A_1404 : i32 to index
      %swap3A_1406 = arith.constant 96 : index
      %swap3A_1407 = tpu.vector_load %arg11[%swap3A_1405, %swap3A_1406] {strides = array<i32>} : memref<128x128xf32, #tpu.memory_space<vmem>>, vector<1x16xf32>,
      %swap3A_1408 = vector.shape_cast %swap3A_1407 : vector<1x16xf32> to vector<16xf32>
      %swap3A_1409 = vector.shape_cast %get3A_1397 : vector<16xf32> to vector<1x16xf32>
      tpu.vector_store %arg11[%swap3A_1405, %swap3A_1406], %swap3A_1409 {add = true, strides = array<i32>} : memref<128x128xf32, #tpu.memory_space<vmem>>, vector<1x16xf32>,
      %get3A_1410 = arith.index_cast %scan3A_1297 : i32 to index
      %get3A_1411 = arith.constant 112 : index
      %get3A_1412 = tpu.vector_load %arg8[%get3A_1410, %get3A_1411] {strides = array<i32>} : memref<64x128xf32, #tpu.memory_space<vmem>>, vector<1x16xf32>,
      %get3A_1413 = vector.shape_cast %get3A_1412 : vector<1x16xf32> to vector<16xf32>
      %swap3A_1414 = arith.index_cast %scan3A_1297 : i32 to index
      %swap3A_1415 = arith.constant 112 : index
      %swap3A_1416 = tpu.vector_load %arg11[%swap3A_1414, %swap3A_1415] {strides = array<i32>} : memref<128x128xf32, #tpu.memory_space<vmem>>, vector<1x16xf32>,
      %swap3A_1417 = vector.shape_cast %swap3A_1416 : vector<1x16xf32> to vector<16xf32>
      %swap3A_1418 = vector.shape_cast %get3A_1413 : vector<16xf32> to vector<1x16xf32>
      tpu.vector_store %arg11[%swap3A_1414, %swap3A_1415], %swap3A_1418 {add = true, strides = array<i32>} : memref<128x128xf32, #tpu.memory_space<vmem>>, vector<1x16xf32>,
      %add3A_1419 = arith.constant 64 : i32
      %add3A_1420 = arith.addi %add3A_1419, %scan3A_1297 : i32
      %swap3A_1421 = arith.index_cast %add3A_1420 : i32 to index
      %swap3A_1422 = arith.constant 112 : index
      %swap3A_1423 = tpu.vector_load %arg11[%swap3A_1421, %swap3A_1422] {strides = array<i32>} : memref<128x128xf32, #tpu.memory_space<vmem>>, vector<1x16xf32>,
      %swap3A_1424 = vector.shape_cast %swap3A_1423 : vector<1x16xf32> to vector<16xf32>
      %swap3A_1425 = vector.shape_cast %get3A_1413 : vector<16xf32> to vector<1x16xf32>
      tpu.vector_store %arg11[%swap3A_1421, %swap3A_1422], %swap3A_1425 {add = true, strides = array<i32>} : memref<128x128xf32, #tpu.memory_space<vmem>>, vector<1x16xf32>,
    }
    %scan3A_1140 = arith.constant 64 : i32
    %dma_start3A_1141 = arith.constant 14 : i32
    %dma_start3A_1142 = arith.constant 0 : i32
    %dma_start3A_1143 = arith.constant 0 : i32
    %dma_start3A_1144 = tpu.memref_slice %arg11[%dma_start3A_1142, %dma_start3A_1143] : memref<128x128xf32, #tpu.memory_space<vmem>> -> memref<64x128xf32, #tpu.memory_space<vmem>>
    %dma_start3A_1145 = arith.constant 0 : i32
    %dma_start3A_1146 = tpu.memref_slice %arg5[%dma_start3A_1141, %mul3A_2, %dma_start3A_1145] : memref<16x2048x128xf32, #tpu.memory_space<hbm>> -> memref<1x64x128xf32, #tpu.memory_space<hbm>>
    %dma_start3A_1147 = tpu.memref_squeeze %dma_start3A_1146 : memref<1x64x128xf32, #tpu.memory_space<hbm>> -> memref<64x128xf32, #tpu.memory_space<hbm>>
    %dma_start3A_1148 = arith.constant 0 : i32
    %dma_start3A_1149 = tpu.memref_slice %arg5[%dma_start3A_1141, %mul3A_2, %dma_start3A_1148] : memref<16x2048x128xf32, #tpu.memory_space<hbm>> -> memref<1x64x128xf32, #tpu.memory_space<hbm>>
    %dma_start3A_1150 = tpu.memref_squeeze %dma_start3A_1149 : memref<1x64x128xf32, #tpu.memory_space<hbm>> -> memref<64x128xf32, #tpu.memory_space<hbm>>
    %dma_start3A_1151 = arith.constant 0 : i32
    %dma_start3A_1152 = arith.constant 0 : i32
    %dma_start3A_1153 = tpu.memref_slice %arg11[%dma_start3A_1151, %dma_start3A_1152] : memref<128x128xf32, #tpu.memory_space<vmem>> -> memref<64x128xf32, #tpu.memory_space<vmem>>
    tpu.enqueue_dma source(%dma_start3A_1153 : memref<64x128xf32, #tpu.memory_space<vmem>>) target(%dma_start3A_1150 : memref<64x128xf32, #tpu.memory_space<hbm>>) target_semaphore(%arg21 : memref<!tpu.dma_semaphore, #tpu.memory_space<semaphore_mem>>)
    %dma_start3A_1154 = arith.constant 15 : i32
    %dma_start3A_1155 = arith.constant 64 : i32
    %dma_start3A_1156 = arith.constant 0 : i32
    %dma_start3A_1157 = tpu.memref_slice %arg11[%dma_start3A_1155, %dma_start3A_1156] : memref<128x128xf32, #tpu.memory_space<vmem>> -> memref<64x128xf32, #tpu.memory_space<vmem>>
    %dma_start3A_1158 = arith.constant 0 : i32
    %dma_start3A_1159 = tpu.memref_slice %arg5[%dma_start3A_1154, %mul3A_2, %dma_start3A_1158] : memref<16x2048x128xf32, #tpu.memory_space<hbm>> -> memref<1x64x128xf32, #tpu.memory_space<hbm>>
    %dma_start3A_1160 = tpu.memref_squeeze %dma_start3A_1159 : memref<1x64x128xf32, #tpu.memory_space<hbm>> -> memref<64x128xf32, #tpu.memory_space<hbm>>
    %dma_start3A_1161 = arith.constant 0 : i32
    %dma_start3A_1162 = tpu.memref_slice %arg5[%dma_start3A_1154, %mul3A_2, %dma_start3A_1161] : memref<16x2048x128xf32, #tpu.memory_space<hbm>> -> memref<1x64x128xf32, #tpu.memory_space<hbm>>
    %dma_start3A_1163 = tpu.memref_squeeze %dma_start3A_1162 : memref<1x64x128xf32, #tpu.memory_space<hbm>> -> memref<64x128xf32, #tpu.memory_space<hbm>>
    %dma_start3A_1164 = arith.constant 64 : i32
    %dma_start3A_1165 = arith.constant 0 : i32
    %dma_start3A_1166 = tpu.memref_slice %arg11[%dma_start3A_1164, %dma_start3A_1165] : memref<128x128xf32, #tpu.memory_space<vmem>> -> memref<64x128xf32, #tpu.memory_space<vmem>>
    tpu.enqueue_dma source(%dma_start3A_1166 : memref<64x128xf32, #tpu.memory_space<vmem>>) target(%dma_start3A_1163 : memref<64x128xf32, #tpu.memory_space<hbm>>) target_semaphore(%arg21 : memref<!tpu.dma_semaphore, #tpu.memory_space<semaphore_mem>>)
    %dma_wait3A_1167 = arith.constant 10 : i32
    %dma_wait3A_1168 = arith.constant 0 : i32
    %dma_wait3A_1169 = arith.constant 0 : i32
    %dma_wait3A_1170 = tpu.memref_slice %arg9[%dma_wait3A_1168, %dma_wait3A_1169] : memref<128x128xf32, #tpu.memory_space<vmem>> -> memref<64x128xf32, #tpu.memory_space<vmem>>
    %dma_wait3A_1171 = arith.constant 0 : i32
    %dma_wait3A_1172 = tpu.memref_slice %arg5[%dma_wait3A_1167, %mul3A_2, %dma_wait3A_1171] : memref<16x2048x128xf32, #tpu.memory_space<hbm>> -> memref<1x64x128xf32, #tpu.memory_space<hbm>>
    %dma_wait3A_1173 = tpu.memref_squeeze %dma_wait3A_1172 : memref<1x64x128xf32, #tpu.memory_space<hbm>> -> memref<64x128xf32, #tpu.memory_space<hbm>>
    %dma_wait3A_1174 = arith.constant 0 : i32
    %dma_wait3A_1175 = tpu.memref_slice %arg5[%dma_wait3A_1167, %mul3A_2, %dma_wait3A_1174] : memref<16x2048x128xf32, #tpu.memory_space<hbm>> -> memref<1x64x128xf32, #tpu.memory_space<hbm>>
    %dma_wait3A_1176 = tpu.memref_squeeze %dma_wait3A_1175 : memref<1x64x128xf32, #tpu.memory_space<hbm>> -> memref<64x128xf32, #tpu.memory_space<hbm>>
    %dma_wait3A_1177 = arith.constant 0 : i32
    %dma_wait3A_1178 = arith.constant 0 : i32
    %dma_wait3A_1179 = tpu.memref_slice %arg9[%dma_wait3A_1177, %dma_wait3A_1178] : memref<128x128xf32, #tpu.memory_space<vmem>> -> memref<64x128xf32, #tpu.memory_space<vmem>>
    tpu.wait_dma2 semaphore(%arg19 : memref<!tpu.dma_semaphore, #tpu.memory_space<semaphore_mem>>) src(%dma_wait3A_1179 : memref<64x128xf32, #tpu.memory_space<vmem>>) dst(%dma_wait3A_1176 : memref<64x128xf32, #tpu.memory_space<hbm>>)
    %dma_wait3A_1180 = arith.constant 11 : i32
    %dma_wait3A_1181 = arith.constant 64 : i32
    %dma_wait3A_1182 = arith.constant 0 : i32
    %dma_wait3A_1183 = tpu.memref_slice %arg9[%dma_wait3A_1181, %dma_wait3A_1182] : memref<128x128xf32, #tpu.memory_space<vmem>> -> memref<64x128xf32, #tpu.memory_space<vmem>>
    %dma_wait3A_1184 = arith.constant 0 : i32
    %dma_wait3A_1185 = tpu.memref_slice %arg5[%dma_wait3A_1180, %mul3A_2, %dma_wait3A_1184] : memref<16x2048x128xf32, #tpu.memory_space<hbm>> -> memref<1x64x128xf32, #tpu.memory_space<hbm>>
    %dma_wait3A_1186 = tpu.memref_squeeze %dma_wait3A_1185 : memref<1x64x128xf32, #tpu.memory_space<hbm>> -> memref<64x128xf32, #tpu.memory_space<hbm>>
    %dma_wait3A_1187 = arith.constant 0 : i32
    %dma_wait3A_1188 = tpu.memref_slice %arg5[%dma_wait3A_1180, %mul3A_2, %dma_wait3A_1187] : memref<16x2048x128xf32, #tpu.memory_space<hbm>> -> memref<1x64x128xf32, #tpu.memory_space<hbm>>
    %dma_wait3A_1189 = tpu.memref_squeeze %dma_wait3A_1188 : memref<1x64x128xf32, #tpu.memory_space<hbm>> -> memref<64x128xf32, #tpu.memory_space<hbm>>
    %dma_wait3A_1190 = arith.constant 64 : i32
    %dma_wait3A_1191 = arith.constant 0 : i32
    %dma_wait3A_1192 = tpu.memref_slice %arg9[%dma_wait3A_1190, %dma_wait3A_1191] : memref<128x128xf32, #tpu.memory_space<vmem>> -> memref<64x128xf32, #tpu.memory_space<vmem>>
    tpu.wait_dma2 semaphore(%arg19 : memref<!tpu.dma_semaphore, #tpu.memory_space<semaphore_mem>>) src(%dma_wait3A_1192 : memref<64x128xf32, #tpu.memory_space<vmem>>) dst(%dma_wait3A_1189 : memref<64x128xf32, #tpu.memory_space<hbm>>)
    %dma_wait3A_1193 = arith.constant 12 : i32
    %dma_wait3A_1194 = arith.constant 0 : i32
    %dma_wait3A_1195 = arith.constant 0 : i32
    %dma_wait3A_1196 = tpu.memref_slice %arg10[%dma_wait3A_1194, %dma_wait3A_1195] : memref<128x128xf32, #tpu.memory_space<vmem>> -> memref<64x128xf32, #tpu.memory_space<vmem>>
    %dma_wait3A_1197 = arith.constant 0 : i32
    %dma_wait3A_1198 = tpu.memref_slice %arg5[%dma_wait3A_1193, %mul3A_2, %dma_wait3A_1197] : memref<16x2048x128xf32, #tpu.memory_space<hbm>> -> memref<1x64x128xf32, #tpu.memory_space<hbm>>
    %dma_wait3A_1199 = tpu.memref_squeeze %dma_wait3A_1198 : memref<1x64x128xf32, #tpu.memory_space<hbm>> -> memref<64x128xf32, #tpu.memory_space<hbm>>
    %dma_wait3A_1200 = arith.constant 0 : i32
    %dma_wait3A_1201 = tpu.memref_slice %arg5[%dma_wait3A_1193, %mul3A_2, %dma_wait3A_1200] : memref<16x2048x128xf32, #tpu.memory_space<hbm>> -> memref<1x64x128xf32, #tpu.memory_space<hbm>>
    %dma_wait3A_1202 = tpu.memref_squeeze %dma_wait3A_1201 : memref<1x64x128xf32, #tpu.memory_space<hbm>> -> memref<64x128xf32, #tpu.memory_space<hbm>>
    %dma_wait3A_1203 = arith.constant 0 : i32
    %dma_wait3A_1204 = arith.constant 0 : i32
    %dma_wait3A_1205 = tpu.memref_slice %arg10[%dma_wait3A_1203, %dma_wait3A_1204] : memref<128x128xf32, #tpu.memory_space<vmem>> -> memref<64x128xf32, #tpu.memory_space<vmem>>
    tpu.wait_dma2 semaphore(%arg20 : memref<!tpu.dma_semaphore, #tpu.memory_space<semaphore_mem>>) src(%dma_wait3A_1205 : memref<64x128xf32, #tpu.memory_space<vmem>>) dst(%dma_wait3A_1202 : memref<64x128xf32, #tpu.memory_space<hbm>>)
    %dma_wait3A_1206 = arith.constant 13 : i32
    %dma_wait3A_1207 = arith.constant 64 : i32
    %dma_wait3A_1208 = arith.constant 0 : i32
    %dma_wait3A_1209 = tpu.memref_slice %arg10[%dma_wait3A_1207, %dma_wait3A_1208] : memref<128x128xf32, #tpu.memory_space<vmem>> -> memref<64x128xf32, #tpu.memory_space<vmem>>
    %dma_wait3A_1210 = arith.constant 0 : i32
    %dma_wait3A_1211 = tpu.memref_slice %arg5[%dma_wait3A_1206, %mul3A_2, %dma_wait3A_1210] : memref<16x2048x128xf32, #tpu.memory_space<hbm>> -> memref<1x64x128xf32, #tpu.memory_space<hbm>>
    %dma_wait3A_1212 = tpu.memref_squeeze %dma_wait3A_1211 : memref<1x64x128xf32, #tpu.memory_space<hbm>> -> memref<64x128xf32, #tpu.memory_space<hbm>>
    %dma_wait3A_1213 = arith.constant 0 : i32
    %dma_wait3A_1214 = tpu.memref_slice %arg5[%dma_wait3A_1206, %mul3A_2, %dma_wait3A_1213] : memref<16x2048x128xf32, #tpu.memory_space<hbm>> -> memref<1x64x128xf32, #tpu.memory_space<hbm>>
    %dma_wait3A_1215 = tpu.memref_squeeze %dma_wait3A_1214 : memref<1x64x128xf32, #tpu.memory_space<hbm>> -> memref<64x128xf32, #tpu.memory_space<hbm>>
    %dma_wait3A_1216 = arith.constant 64 : i32
    %dma_wait3A_1217 = arith.constant 0 : i32
    %dma_wait3A_1218 = tpu.memref_slice %arg10[%dma_wait3A_1216, %dma_wait3A_1217] : memref<128x128xf32, #tpu.memory_space<vmem>> -> memref<64x128xf32, #tpu.memory_space<vmem>>
    tpu.wait_dma2 semaphore(%arg20 : memref<!tpu.dma_semaphore, #tpu.memory_space<semaphore_mem>>) src(%dma_wait3A_1218 : memref<64x128xf32, #tpu.memory_space<vmem>>) dst(%dma_wait3A_1215 : memref<64x128xf32, #tpu.memory_space<hbm>>)
    %dma_wait3A_1219 = arith.constant 14 : i32
    %dma_wait3A_1220 = arith.constant 0 : i32
    %dma_wait3A_1221 = arith.constant 0 : i32
    %dma_wait3A_1222 = tpu.memref_slice %arg11[%dma_wait3A_1220, %dma_wait3A_1221] : memref<128x128xf32, #tpu.memory_space<vmem>> -> memref<64x128xf32, #tpu.memory_space<vmem>>
    %dma_wait3A_1223 = arith.constant 0 : i32
    %dma_wait3A_1224 = tpu.memref_slice %arg5[%dma_wait3A_1219, %mul3A_2, %dma_wait3A_1223] : memref<16x2048x128xf32, #tpu.memory_space<hbm>> -> memref<1x64x128xf32, #tpu.memory_space<hbm>>
    %dma_wait3A_1225 = tpu.memref_squeeze %dma_wait3A_1224 : memref<1x64x128xf32, #tpu.memory_space<hbm>> -> memref<64x128xf32, #tpu.memory_space<hbm>>
    %dma_wait3A_1226 = arith.constant 0 : i32
    %dma_wait3A_1227 = tpu.memref_slice %arg5[%dma_wait3A_1219, %mul3A_2, %dma_wait3A_1226] : memref<16x2048x128xf32, #tpu.memory_space<hbm>> -> memref<1x64x128xf32, #tpu.memory_space<hbm>>
    %dma_wait3A_1228 = tpu.memref_squeeze %dma_wait3A_1227 : memref<1x64x128xf32, #tpu.memory_space<hbm>> -> memref<64x128xf32, #tpu.memory_space<hbm>>
    %dma_wait3A_1229 = arith.constant 0 : i32
    %dma_wait3A_1230 = arith.constant 0 : i32
    %dma_wait3A_1231 = tpu.memref_slice %arg11[%dma_wait3A_1229, %dma_wait3A_1230] : memref<128x128xf32, #tpu.memory_space<vmem>> -> memref<64x128xf32, #tpu.memory_space<vmem>>
    tpu.wait_dma2 semaphore(%arg21 : memref<!tpu.dma_semaphore, #tpu.memory_space<semaphore_mem>>) src(%dma_wait3A_1231 : memref<64x128xf32, #tpu.memory_space<vmem>>) dst(%dma_wait3A_1228 : memref<64x128xf32, #tpu.memory_space<hbm>>)
    %dma_wait3A_1232 = arith.constant 15 : i32
    %dma_wait3A_1233 = arith.constant 64 : i32
    %dma_wait3A_1234 = arith.constant 0 : i32
    %dma_wait3A_1235 = tpu.memref_slice %arg11[%dma_wait3A_1233, %dma_wait3A_1234] : memref<128x128xf32, #tpu.memory_space<vmem>> -> memref<64x128xf32, #tpu.memory_space<vmem>>
    %dma_wait3A_1236 = arith.constant 0 : i32
    %dma_wait3A_1237 = tpu.memref_slice %arg5[%dma_wait3A_1232, %mul3A_2, %dma_wait3A_1236] : memref<16x2048x128xf32, #tpu.memory_space<hbm>> -> memref<1x64x128xf32, #tpu.memory_space<hbm>>
    %dma_wait3A_1238 = tpu.memref_squeeze %dma_wait3A_1237 : memref<1x64x128xf32, #tpu.memory_space<hbm>> -> memref<64x128xf32, #tpu.memory_space<hbm>>
    %dma_wait3A_1239 = arith.constant 0 : i32
    %dma_wait3A_1240 = tpu.memref_slice %arg5[%dma_wait3A_1232, %mul3A_2, %dma_wait3A_1239] : memref<16x2048x128xf32, #tpu.memory_space<hbm>> -> memref<1x64x128xf32, #tpu.memory_space<hbm>>
    %dma_wait3A_1241 = tpu.memref_squeeze %dma_wait3A_1240 : memref<1x64x128xf32, #tpu.memory_space<hbm>> -> memref<64x128xf32, #tpu.memory_space<hbm>>
    %dma_wait3A_1242 = arith.constant 64 : i32
    %dma_wait3A_1243 = arith.constant 0 : i32
    %dma_wait3A_1244 = tpu.memref_slice %arg11[%dma_wait3A_1242, %dma_wait3A_1243] : memref<128x128xf32, #tpu.memory_space<vmem>> -> memref<64x128xf32, #tpu.memory_space<vmem>>
    tpu.wait_dma2 semaphore(%arg21 : memref<!tpu.dma_semaphore, #tpu.memory_space<semaphore_mem>>) src(%dma_wait3A_1244 : memref<64x128xf32, #tpu.memory_space<vmem>>) dst(%dma_wait3A_1241 : memref<64x128xf32, #tpu.memory_space<hbm>>)
    %dma_wait3A_1245 = arith.constant 6 : i32
    %dma_wait3A_1246 = arith.constant 0 : i32
    %dma_wait3A_1247 = arith.constant 0 : i32
    %dma_wait3A_1248 = tpu.memref_slice %arg12[%dma_wait3A_1246, %dma_wait3A_1247] : memref<128x128xf32, #tpu.memory_space<vmem>> -> memref<64x128xf32, #tpu.memory_space<vmem>>
    %dma_wait3A_1249 = arith.constant 0 : i32
    %dma_wait3A_1250 = tpu.memref_slice %arg5[%dma_wait3A_1245, %mul3A_2, %dma_wait3A_1249] : memref<16x2048x128xf32, #tpu.memory_space<hbm>> -> memref<1x64x128xf32, #tpu.memory_space<hbm>>
    %dma_wait3A_1251 = tpu.memref_squeeze %dma_wait3A_1250 : memref<1x64x128xf32, #tpu.memory_space<hbm>> -> memref<64x128xf32, #tpu.memory_space<hbm>>
    %dma_wait3A_1252 = arith.constant 0 : i32
    %dma_wait3A_1253 = tpu.memref_slice %arg5[%dma_wait3A_1245, %mul3A_2, %dma_wait3A_1252] : memref<16x2048x128xf32, #tpu.memory_space<hbm>> -> memref<1x64x128xf32, #tpu.memory_space<hbm>>
    %dma_wait3A_1254 = tpu.memref_squeeze %dma_wait3A_1253 : memref<1x64x128xf32, #tpu.memory_space<hbm>> -> memref<64x128xf32, #tpu.memory_space<hbm>>
    %dma_wait3A_1255 = arith.constant 0 : i32
    %dma_wait3A_1256 = arith.constant 0 : i32
    %dma_wait3A_1257 = tpu.memref_slice %arg12[%dma_wait3A_1255, %dma_wait3A_1256] : memref<128x128xf32, #tpu.memory_space<vmem>> -> memref<64x128xf32, #tpu.memory_space<vmem>>
    tpu.wait_dma2 semaphore(%arg22 : memref<!tpu.dma_semaphore, #tpu.memory_space<semaphore_mem>>) src(%dma_wait3A_1257 : memref<64x128xf32, #tpu.memory_space<vmem>>) dst(%dma_wait3A_1254 : memref<64x128xf32, #tpu.memory_space<hbm>>)
    %dma_wait3A_1258 = arith.constant 7 : i32
    %dma_wait3A_1259 = arith.constant 64 : i32
    %dma_wait3A_1260 = arith.constant 0 : i32
    %dma_wait3A_1261 = tpu.memref_slice %arg12[%dma_wait3A_1259, %dma_wait3A_1260] : memref<128x128xf32, #tpu.memory_space<vmem>> -> memref<64x128xf32, #tpu.memory_space<vmem>>
    %dma_wait3A_1262 = arith.constant 0 : i32
    %dma_wait3A_1263 = tpu.memref_slice %arg5[%dma_wait3A_1258, %mul3A_2, %dma_wait3A_1262] : memref<16x2048x128xf32, #tpu.memory_space<hbm>> -> memref<1x64x128xf32, #tpu.memory_space<hbm>>
    %dma_wait3A_1264 = tpu.memref_squeeze %dma_wait3A_1263 : memref<1x64x128xf32, #tpu.memory_space<hbm>> -> memref<64x128xf32, #tpu.memory_space<hbm>>
    %dma_wait3A_1265 = arith.constant 0 : i32
    %dma_wait3A_1266 = tpu.memref_slice %arg5[%dma_wait3A_1258, %mul3A_2, %dma_wait3A_1265] : memref<16x2048x128xf32, #tpu.memory_space<hbm>> -> memref<1x64x128xf32, #tpu.memory_space<hbm>>
    %dma_wait3A_1267 = tpu.memref_squeeze %dma_wait3A_1266 : memref<1x64x128xf32, #tpu.memory_space<hbm>> -> memref<64x128xf32, #tpu.memory_space<hbm>>
    %dma_wait3A_1268 = arith.constant 64 : i32
    %dma_wait3A_1269 = arith.constant 0 : i32
    %dma_wait3A_1270 = tpu.memref_slice %arg12[%dma_wait3A_1268, %dma_wait3A_1269] : memref<128x128xf32, #tpu.memory_space<vmem>> -> memref<64x128xf32, #tpu.memory_space<vmem>>
    tpu.wait_dma2 semaphore(%arg22 : memref<!tpu.dma_semaphore, #tpu.memory_space<semaphore_mem>>) src(%dma_wait3A_1270 : memref<64x128xf32, #tpu.memory_space<vmem>>) dst(%dma_wait3A_1267 : memref<64x128xf32, #tpu.memory_space<hbm>>)
    %dma_wait3A_1271 = arith.constant 8 : i32
    %dma_wait3A_1272 = arith.constant 0 : i32
    %dma_wait3A_1273 = arith.constant 0 : i32
    %dma_wait3A_1274 = tpu.memref_slice %arg13[%dma_wait3A_1272, %dma_wait3A_1273] : memref<128x128xf32, #tpu.memory_space<vmem>> -> memref<64x128xf32, #tpu.memory_space<vmem>>
    %dma_wait3A_1275 = arith.constant 0 : i32
    %dma_wait3A_1276 = tpu.memref_slice %arg5[%dma_wait3A_1271, %mul3A_2, %dma_wait3A_1275] : memref<16x2048x128xf32, #tpu.memory_space<hbm>> -> memref<1x64x128xf32, #tpu.memory_space<hbm>>
    %dma_wait3A_1277 = tpu.memref_squeeze %dma_wait3A_1276 : memref<1x64x128xf32, #tpu.memory_space<hbm>> -> memref<64x128xf32, #tpu.memory_space<hbm>>
    %dma_wait3A_1278 = arith.constant 0 : i32
    %dma_wait3A_1279 = tpu.memref_slice %arg5[%dma_wait3A_1271, %mul3A_2, %dma_wait3A_1278] : memref<16x2048x128xf32, #tpu.memory_space<hbm>> -> memref<1x64x128xf32, #tpu.memory_space<hbm>>
    %dma_wait3A_1280 = tpu.memref_squeeze %dma_wait3A_1279 : memref<1x64x128xf32, #tpu.memory_space<hbm>> -> memref<64x128xf32, #tpu.memory_space<hbm>>
    %dma_wait3A_1281 = arith.constant 0 : i32
    %dma_wait3A_1282 = arith.constant 0 : i32
    %dma_wait3A_1283 = tpu.memref_slice %arg13[%dma_wait3A_1281, %dma_wait3A_1282] : memref<128x128xf32, #tpu.memory_space<vmem>> -> memref<64x128xf32, #tpu.memory_space<vmem>>
    tpu.wait_dma2 semaphore(%arg23 : memref<!tpu.dma_semaphore, #tpu.memory_space<semaphore_mem>>) src(%dma_wait3A_1283 : memref<64x128xf32, #tpu.memory_space<vmem>>) dst(%dma_wait3A_1280 : memref<64x128xf32, #tpu.memory_space<hbm>>)
    %dma_wait3A_1284 = arith.constant 9 : i32
    %dma_wait3A_1285 = arith.constant 64 : i32
    %dma_wait3A_1286 = arith.constant 0 : i32
    %dma_wait3A_1287 = tpu.memref_slice %arg13[%dma_wait3A_1285, %dma_wait3A_1286] : memref<128x128xf32, #tpu.memory_space<vmem>> -> memref<64x128xf32, #tpu.memory_space<vmem>>
    %dma_wait3A_1288 = arith.constant 0 : i32
    %dma_wait3A_1289 = tpu.memref_slice %arg5[%dma_wait3A_1284, %mul3A_2, %dma_wait3A_1288] : memref<16x2048x128xf32, #tpu.memory_space<hbm>> -> memref<1x64x128xf32, #tpu.memory_space<hbm>>
    %dma_wait3A_1290 = tpu.memref_squeeze %dma_wait3A_1289 : memref<1x64x128xf32, #tpu.memory_space<hbm>> -> memref<64x128xf32, #tpu.memory_space<hbm>>
    %dma_wait3A_1291 = arith.constant 0 : i32
    %dma_wait3A_1292 = tpu.memref_slice %arg5[%dma_wait3A_1284, %mul3A_2, %dma_wait3A_1291] : memref<16x2048x128xf32, #tpu.memory_space<hbm>> -> memref<1x64x128xf32, #tpu.memory_space<hbm>>
    %dma_wait3A_1293 = tpu.memref_squeeze %dma_wait3A_1292 : memref<1x64x128xf32, #tpu.memory_space<hbm>> -> memref<64x128xf32, #tpu.memory_space<hbm>>
    %dma_wait3A_1294 = arith.constant 64 : i32
    %dma_wait3A_1295 = arith.constant 0 : i32
    %dma_wait3A_1296 = tpu.memref_slice %arg13[%dma_wait3A_1294, %dma_wait3A_1295] : memref<128x128xf32, #tpu.memory_space<vmem>> -> memref<64x128xf32, #tpu.memory_space<vmem>>
    tpu.wait_dma2 semaphore(%arg23 : memref<!tpu.dma_semaphore, #tpu.memory_space<semaphore_mem>>) src(%dma_wait3A_1296 : memref<64x128xf32, #tpu.memory_space<vmem>>) dst(%dma_wait3A_1293 : memref<64x128xf32, #tpu.memory_space<hbm>>)
    return
  }
}

</mosaic_0001>

<sc_bundles>
// kernel: kernel.3.cloned.1.call-start
scs
__scs_entry_jumppad:
0x0: {  	(pc) =	sbr.rel $0x88, $3  }
0x1: {  	(tag) =	ssettag $0x0;
	lr =	simm.s32 $0x1  }
0x2: {  	[smem:$0x3F9E] =	sst lr;
	_ =	strace $0xD0000000  }
0x3: {  	_ = 	snop  }
0x4: {  	_ = 	snop  }
0x5: {  	_ = 	snop  }
0x6: {  	_ = 	snop  }
0x7: {  	_ = 	snop  }
__scs_overlays_trampoline_lowered:
0x8: {  	[smem:$0x3FAD] =	sst s0  }
0x9: {  	[smem:$0x3FAE] =	sst s1  }
0xa: {  	[smem:$0x3FAF] =	sst s2  }
0xb: {  	[smem:$0x3FB0] =	sst s3  }
0xc: {  	[smem:$0x3FB1] =	sst s4  }
0xd: {  	[smem:$0x3FB2] =	sst s5  }
0xe: {  	[smem:$0x3FB3] =	sst s6  }
0xf: {  	[smem:$0x3FB4] =	sst s7  }
0x10: {  	[smem:$0x3FB5] =	sst s8  }
0x11: {  	[smem:$0x3FB6] =	sst s9;
	s0 =	simm.s32 @!p0 $0x0  }
0x12: {  	s1 =	sld [smem:$0x3F9C];
	s0 =	simm.s32 @p0 $0x1  }
0x13: {  	[smem:$0x3FB7] =	sst s0;
	s0 =	simm.s32 @!p1 $0x0  }
0x14: {  	s2 =	sld [smem:$0x3F9B];
	s0 =	simm.s32 @p1 $0x1  }
0x15: {  	[smem:$0x3FB8] =	sst s0;
	s0 =	simm.s32 @!p2 $0x0  }
0x16: {  	s3 =	sld [smem:$0x3FDB];
	s0 =	simm.s32 @p2 $0x1  }
0x17: {  	s4 =	simm.s32 $0x1BF5;
	[smem:$0x3FBA] =	sst s0  }
0x18: {  	s0 =	sld [smem:$0x3F9D];
	_ =	swait.ge [sflag:s4], $0x0  }
0x19: {  	s7 =	sld [smem:$0x3F9E]  }
0x1a: {  	s8 =	sadd.s32 $0xFFFFE003, lr  }
0x1b: {  	s9 =	sadd.s32 $0xFFFFFEF7, lr;
	s5 =	simm.s32 $0xFFFFFFFF;
	p2 =	slt.u32 s8, $0xFFFFF086  }
0x1c: {  	p1 =	slt.u32 s9, $0xF7A;
	s5 =	simm.s32 @!p2 $0x0  }
0x1d: {  	s5 =	simm.s32 @p1 $0x1;
	p0 =	seq.s32 s7, s2  }
0x1e: {  	s7 =	smul.u32 @!p0 $0xF7A, s2;
	p2 =	seq.s32 @!p0 s5, $0x0  }
0x1f: {  	s9 =	smul.u32 $0xF7A, s1;
	s8 =	simm.s32 @!p0 $0x1BF5;
	p2 =	por !p2, p0  }
0x20: {  	[sflag:s8] =	ssyncset.s32 @!p0 $0xFFFFF086;
	s6 =	sadd.s32 @!p0 s3, s7;
	s7 =	simm.s32 @!p0 $0x108  }
0x21: {  	s3 =	sadd.s32 s3, s9;
	s6 =	sadd.s32 @!p0 $0x88, s6;
	s7 =	simm.s32 @p2 $0x1082  }
0x22: {  	[simem:s7], [sflag:s8] =	dma.local @!p0 [hbm:s6], $0xF7A  }
0x23: {  	s9 =	sor.u32 $0xD0000000, s2;
	s6 =	simm.s32 $0x108;
	_ =	swait.ge @!p0 [sflag:s8], $0x0  }
0x24: {  	s3 =	sadd.s32 $0x88, s3;
	s6 =	simm.s32 @!p1 $0x1082;
	[sflag:s4] =	ssyncset.s32 $0xFFFFF086  }
0x25: {  	[simem:s6], [sflag:s4] =	dma.local [hbm:s3], $0xF7A  }
0x26: {  	[smem:$0x3F9E] =	sst s1;
	(tag) =	ssettag s2;
	_ =	strace s9  }
0x27: {  	s1 =	sld [smem:$0x3FAE]  }
0x28: {  	s2 =	sld [smem:$0x3FAF]  }
0x29: {  	s4 =	sld [smem:$0x3FB1]  }
0x2a: {  	p0 =	seq.s32 s5, $0x0;
	s5 =	sld [smem:$0x3FB2]  }
0x2b: {  	s6 =	sld [smem:$0x3FB3]  }
0x2c: {  	s7 =	sld [smem:$0x3FB4]  }
0x2d: {  	s3 =	simm.s32 $0x108;
	s8 =	sld [smem:$0x3FB5]  }
0x2e: {  	s3 =	simm.s32 @!p0 $0x1082;
	s9 =	sld [smem:$0x3FB6]  }
0x2f: {  	lr =	sadd.s32 s0, s3;
	s0 =	sld [smem:$0x3FAD]  }
0x30: {  	s3 =	sld [smem:$0x3FB0]  }
0x31: {  	[smem:$0x3FB9] =	sst s10  }
0x32: {  	s10 =	sld [smem:$0x3FB7];
	_ =	sdelay $0x3  }
0x33: {  	p0 =	seq.s32 s10, $0x1;
	s10 =	sld [smem:$0x3FB9];
	_ =	sdelay $0x3  }
0x34: {  	[smem:$0x3FB9] =	sst s10  }
0x35: {  	s10 =	sld [smem:$0x3FB8];
	_ =	sdelay $0x3  }
0x36: {  	p1 =	seq.s32 s10, $0x1;
	s10 =	sld [smem:$0x3FB9];
	_ =	sdelay $0x3  }
0x37: {  	[smem:$0x3FB9] =	sst s10  }
0x38: {  	s10 =	sld [smem:$0x3FBA]  }
0x39: {  	_ = 	snop;
	(pc) =	sbr.ind lr, $3  }
0x3a: {  	_ = 	snop  }
0x3b: {  	_ = 	snop  }
0x3c: {  	p2 =	seq.s32 s10, $0x1;
	s10 =	sld [smem:$0x3FB9]  }
0x3d: {  	_ =	shalt  }
0x3e: {  	_ =	shalt  }
0x3f: {  	_ =	shalt  }
0x40: {  	_ =	shalt  }
0x41: {  	_ =	shalt  }
0x42: {  	_ =	shalt  }
0x43: {  	_ =	shalt  }
0x44: {  	_ =	shalt  }
0x45: {  	_ =	shalt  }
0x46: {  	_ =	shalt  }
0x47: {  	_ =	shalt  }
0x48: {  	_ =	shalt  }
0x49: {  	_ =	shalt  }
0x4a: {  	_ =	shalt  }
0x4b: {  	_ =	shalt  }
0x4c: {  	_ =	shalt  }
0x4d: {  	_ =	shalt  }
0x4e: {  	_ =	shalt  }
0x4f: {  	_ =	shalt  }
0x50: {  	_ =	shalt  }
0x51: {  	_ =	shalt  }
0x52: {  	_ =	shalt  }
0x53: {  	_ =	shalt  }
0x54: {  	_ =	shalt  }
0x55: {  	_ =	shalt  }
0x56: {  	_ =	shalt  }
0x57: {  	_ =	shalt  }
0x58: {  	_ =	shalt  }
0x59: {  	_ =	shalt  }
0x5a: {  	_ =	shalt  }
0x5b: {  	_ =	shalt  }
0x5c: {  	_ =	shalt  }
0x5d: {  	_ =	shalt  }
0x5e: {  	_ =	shalt  }
0x5f: {  	_ =	shalt  }
0x60: {  	_ =	shalt  }
0x61: {  	_ =	shalt  }
0x62: {  	_ =	shalt  }
0x63: {  	_ =	shalt  }
0x64: {  	_ =	shalt  }
0x65: {  	_ =	shalt  }
0x66: {  	_ =	shalt  }
0x67: {  	_ =	shalt  }
0x68: {  	_ =	shalt  }
0x69: {  	_ =	shalt  }
0x6a: {  	_ =	shalt  }
0x6b: {  	_ =	shalt  }
0x6c: {  	_ =	shalt  }
0x6d: {  	_ =	shalt  }
0x6e: {  	_ =	shalt  }
0x6f: {  	_ =	shalt  }
0x70: {  	_ =	shalt  }
0x71: {  	_ =	shalt  }
0x72: {  	_ =	shalt  }
0x73: {  	_ =	shalt  }
0x74: {  	_ =	shalt  }
0x75: {  	_ =	shalt  }
0x76: {  	_ =	shalt  }
0x77: {  	_ =	shalt  }
0x78: {  	_ =	shalt  }
0x79: {  	_ =	shalt  }
0x7a: {  	_ =	shalt  }
0x7b: {  	_ =	shalt  }
0x7c: {  	_ =	shalt  }
0x7d: {  	_ =	shalt  }
0x7e: {  	_ =	shalt  }
0x7f: {  	_ =	shalt  }
0x80: {  	_ =	shalt  }
0x81: {  	_ =	shalt  }
0x82: {  	_ =	shalt  }
0x83: {  	_ =	shalt  }
0x84: {  	_ =	shalt  }
0x85: {  	_ =	shalt  }
0x86: {  	_ =	shalt  }
0x87: {  	_ =	shalt  }
.Lfunc_end0:
.L_simem_size_0:
called_computation_lowered:
.L_overlay_start_0:
0x88: {  	s2 =	sld [smem:$0x3FD9]  }
0x89: {  	s3 =	sld [smem:$0x3FFE];
	_ =	sdelay $0x1  }
0x8a: {  	s1 =	srdreg.scid  }
0x8b: {  	s0 =	sand.u32 $0x1, s1  }
0x8c: {  	s18 =	sshll.u32 s0, $0xA;
	s2 =	sadd.s32 s3, s2  }
0x8d: {  	s2 =	sadd.s32 s2, s18  }
0x8e: {  	[smem:$0x3FC5] =	sst s2  }
0x8f: {  	_ = 	snop  }
0x90: {  	s2 =	sld [smem:$0x3FC9]  }
0x91: {  	s19 =	sld [smem:$0x3FC8]  }
0x92: {  	s4 =	sld [smem:$0x3FC7]  }
0x93: {  	s5 =	sld [smem:$0x3FD0];
	(tm) =	ssettm $0x1  }
0x94: {  	s6 =	sld [smem:$0x3FFB];
	_ =	sdelay $0x3  }
0x95: {  	_ =	strace s6  }
0x96: {  	s6 =	sld [smem:$0x3FFC];
	_ =	sdelay $0x3  }
0x97: {  	_ =	strace s6  }
0x98: {  	s6 =	sld [smem:$0x3FFD];
	_ =	sdelay $0x3  }
0x99: {  	_ =	strace s6  }
0x9a: {  	_ =	strace $0x8FFFFFFF  }
0x9b: {  	s20 =	sld [smem:$0x3FDB];
	_ =	sdelay $0x1  }
0x9c: {  	s7 =	simm.s32 $_scs_section_size  }
0x9d: {  	s8 =	simm.s32 $_size__tile_overlayer_lowered;
	s9 =	simm.s32 $_tile_overlayer_lowered  }
0x9e: {  	s23 =	simm.s32 $0x1BFF;
	s22 =	sshll.u32 s9, $0x1;
	s6 =	sadd.s32 s7, s20  }
0x9f: {  	s10 =	simm.s32 $0x0;
	s21 =	sshll.u32 s8, $0x1;
	s8 =	sadd.s32 s22, s6  }
0xa0: {  	[timem:s10], [sflag:s23] =	dma.local [hbm:s8], s21  }
0xa1: {  	_ =	swait.ge [sflag:s23], s21  }
0xa2: {  	s7 =	ssub.s32 $0x0, s21;
	[sflag:s23] =	ssyncset.done $0x0  }
0xa3: {  	[sflag:s23] =	ssyncadd.s32 s7;
	_ =	sdelay $0x1  }
0xa4: {  	s24 =	simm.s32 $0x1B8B  }
0xa5: {  	_ =	swait.ge [sflag:s24], $0x1  }
0xa6: {  	[sflag:s24] =	ssyncset.done $0x0  }
0xa7: {  	s25 =	simm.s32 $0x1B8E;
	[sflag:s24] =	ssyncadd.s32 $0xFFFFFFFF  }
0xa8: {  	s26 =	simm.s32 $execute0_lowered;
	[smem:$0x3FD2] =	sst s25  }
0xa9: {  	s7 =	sshll.u32 s26, $0x1;
	_ =	strace $0x80000046;
	[dreg:$0x1] =	wrdreg $0xFFFFFFFF  }
0xaa: {  	s28 =	simm.s32 $_size_execute0_lowered;
	s6 =	sadd.s32 s6, s7;
	[dreg:$0x0] =	wrdreg $0x0  }
0xab: {  	s7 =	sshll.u32 s28, $0x1;
	[dreg:$0x2] =	wrdreg s6  }
0xac: {  	[dreg:$0x3] =	wrdreg s7  }
0xad: {  	[dreg:$0x4] =	wrdreg $0xC0  }
0xae: {  	_ =	task [dreg:s10], $0x5FFFF  }
0xaf: {  	[dreg:$0x1] =	wrdreg $0xFFFFFFFF  }
0xb0: {  	[dreg:$0x0] =	wrdreg $0x60  }
0xb1: {  	[dreg:$0x2] =	wrdreg s2  }
0xb2: {  	[dreg:$0x3] =	wrdreg s19  }
0xb3: {  	[dreg:$0x4] =	wrdreg s4  }
0xb4: {  	[dreg:$0x5] =	wrdreg s5  }
0xb5: {  	[dreg:$0x6] =	wrdreg $0x9  }
0xb6: {  	_ =	task.clear_ibuf [dreg:s10], $0x7FFFF;
	_ =	strace $0x90000046  }
0xb7: {  	s29 =	simm.s32 $0x9;
	_ =	strace $0x80000048  }
0xb8: {  	_ =	swait.ge [sflag:s29], $0x1  }
0xb9: {  	[sflag:s29] =	ssyncadd.s32 $0xFFFFFFFF  }
0xba: {  	_ =	strace $0x90000048  }
0xbb: {  	_ =	sfence  }
0xbc: {  	s30 =	sld [smem:$0x0];
	_ =	sdelay $0x2  }
0xbd: {  	s31 =	sshll.u32 s1, $0xD;
	s1 =	sshrl.u32 s1, $0x2  }
0xbe: {  	s3 =	sand.u32 $0x4000, s31;
	s1 =	sadd.s32 s1, s30  }
0xbf: {  	s0 =	sor.u32 s3, s0;
	s1 =	sshll.u32 s1, $0x11  }
0xc0: {  	s0 =	sor.u32 s1, s0  }
0xc1: {  	s0 =	sadd.s32 $0x8F2B, s0  }
0xc2: {  	[sflag:s0] =	ssyncadd.remote.s32 $0x1  }
0xc3: {  	_ =	sfence.sel $0xFFFF  }
0xc4: {  	[dreg:$0x0] =	wrdreg $0xFFFFFFFF;
	(pc) =	sbr.abs _section_cstart, $3  }
0xc5: {  	[dreg:$0x1] =	wrdreg $0xFFFFFFFF  }
0xc6: {  	_ =	task.clear_ibuf [dreg:s10], $0x2FFFF;
	_ =	strace $0x9FFFFFFF  }
0xc7: {  	(tm) =	ssettm $0x7FFFFFFF  }
tec
execute0_lowered:
.L_overlay_start_1:
0x0: {  	(tag) =	ssettag $0x1  }
0x1: {  	s0 =	srdreg.scid;
	s2 =	rddreg [dreg:$0x0]  }
0x2: {  	s9 =	stileid.u32;
	s6 =	rddreg [dreg:$0x2]  }
0x3: {  	s8 =	rddreg [dreg:$0x3];
	s4 =	simm.s32 $0x1;
	s3 =	simm.s32 $0x0  }
0x4: {  	s29 =	simm.s32 $0x80;
	s0 =	sand.u32 $0x1, s0;
	s1 =	sshll.u32 s9, $0x1  }
0x5: {  	s31 =	simm.s32 $0x2C00;
	[smem:$0x7FF] =	sst s3;
	s5 =	sor.u32 s0, s1  }
0x6: {  	s28 =	simm.s32 $0x2;
	s1 =	rddreg [dreg:$0x1];
	s14 =	sshll.u32 s5, $0xA  }
0x7: {  	p0 =	seq.s32 s5, $0x0;
	s5 =	sadd.s32 s6, s14;
	s8 =	sadd.s32 s8, s14  }
0x8: {  	_ =	strace $0x80000047;
	[dreg:$0x6] =	wrdreg s5;
	s15 =	sadd.s32 $0x8000, s8  }
0x9: {  	s30 =	simm.s32 $0x12C00;
	s16 =	sadd.s32 $0x10000, s8;
	[dreg:$0x7] =	wrdreg s15  }
0xa: {  	s10 =	simm.s32 $0xCC00;
	s17 =	sadd.s32 $0x18000, s8;
	[dreg:$0x8] =	wrdreg s16  }
0xb: {  	s11 =	simm.s32 $0x7;
	s18 =	sadd.s32 $0x20000, s8;
	[dreg:$0x9] =	wrdreg s17  }
0xc: {  	p1 =	seq.s32 s0, $0x1;
	s19 =	sadd.s32 $0x28000, s8;
	[dreg:$0xa] =	wrdreg s18  }
0xd: {  	s7 =	ssub.s32 $0x2, s0;
	s20 =	sadd.s32 $0x30000, s8;
	[dreg:$0xb] =	wrdreg s19  }
0xe: {  	s12 =	sshrl.u32 s7, $0x1;
	s21 =	sadd.s32 $0x38000, s8;
	[dreg:$0xc] =	wrdreg s20  }
0xf: {  	p0 =	por !p0, !p1;
	s22 =	sadd.s32 $0x40000, s8;
	[dreg:$0xd] =	wrdreg s21  }
0x10: {  	s6 =	simm.s32 $0x6;
	s23 =	sadd.s32 $0x48000, s8;
	[dreg:$0xe] =	wrdreg s22  }
0x11: {  	s14 =	simm.s32 $0x5;
	s24 =	sadd.s32 $0x50000, s8;
	[dreg:$0xf] =	wrdreg s23  }
0x12: {  	p0 =	por !p0, !p0;
	s25 =	sadd.s32 $0x58000, s8;
	[dreg:$0x10] =	wrdreg s24  }
0x13: {  	s26 =	sadd.s32 $0x60000, s8;
	s5 =	simm.s32 $0x8C00;
	[dreg:$0x11] =	wrdreg s25  }
0x14: {  	s4 =	simm.s32 @!p0 $0x0;
	[dreg:$0x12] =	wrdreg s26;
	s21 =	sadd.s32 $0x68000, s8  }
0x15: {  	s22 =	sadd.s32 $0x70000, s8;
	s23 =	sadd.s32 $0x78000, s8;
	s26 =	simm.s32 $0xAC00  }
0x16: {  	s25 =	simm.s32 $0x4C00;
	s15 =	simm.s32 $0x9;
	s16 =	simm.s32 $0xA  }
0x17: {  	s17 =	simm.s32 $0x0;
	s4 =	ssub.s32 s9, s4;
	s9 =	ssub.s32 s7, s12  }
0x18: {  	s7 =	sshll.u32 s0, $0x6;
	s0 =	simm.s32 $0x6C00;
	s4 =	sshll.u32 s4, $0x7  }
0x19: {  	s12 =	simm.s32 $0x4;
	s24 =	smax.u32 s9, $0x1;
	s13 =	sand.u32 $0x1FFFFF80, s4  }
0x1a: {  	s9 =	simm.s32 $0x3;
	s4 =	simm.s32 $0x1;
	s2 =	sadd.s32 s2, s13  }
0x1b: {  	s13 =	simm.s32 $0x8;
	[dreg:$0x5] =	wrdreg s2;
	s2 =	simm.s32 $0xEC00  }
.LBB2_1:
0x1c: {  	s18 =	rddreg [dreg:$0x5];
	s19 =	simm.s32 $0x400;
	s20 =	simm.s32 $0x4000  }
0x1d: {  	[tilespmem:s3], [sflag:$0x1] =	stream.strided.gather [hbm4b:s18+s19], $0x800, s20, s19, $0x38;
	[tilespmem:$0x16C00] =	vst v63  }
0x1e: {  	s19 =	rddreg [dreg:$0x6];
	s20 =	simm.s32 $0xC00  }
0x1f: {  	[tilespmem:s20], [sflag:$0x2] =	stream.linear.gather [hbm4b:s19+s3], $0x2000, $0x38;
	[tilespmem:$0x16C00] =	vst v63  }
0x20: {  	_ =	swait.ge [sflag:s4], $0x800  }
0x21: {  	[sflag:s4] =	ssyncset.done $0x0  }
0x22: {  	[sflag:s4] =	ssyncadd.s32 $0xFFFFF800  }
0x23: {  	v0 =	vld [tilespmem:s7+$0x0];
	_ =	sdelay $0x4  }
0x24: {  	[tilespmem:$0x800] =	vst v0  }
0x25: {  	v0 =	vld [tilespmem:s7+$0x10];
	_ =	sdelay $0x4  }
0x26: {  	[tilespmem:$0x810] =	vst v0  }
0x27: {  	v0 =	vld [tilespmem:s7+$0x20];
	_ =	sdelay $0x4  }
0x28: {  	[tilespmem:$0x820] =	vst v0  }
0x29: {  	v0 =	vld [tilespmem:s7+$0x30];
	_ =	sdelay $0x4  }
0x2a: {  	[tilespmem:$0x830] =	vst v0  }
0x2b: {  	v0 =	vld [tilespmem:s7+$0x80];
	_ =	sdelay $0x4  }
0x2c: {  	[tilespmem:$0x840] =	vst v0  }
0x2d: {  	v0 =	vld [tilespmem:s7+$0x90];
	_ =	sdelay $0x4  }
0x2e: {  	[tilespmem:$0x850] =	vst v0  }
0x2f: {  	v0 =	vld [tilespmem:s7+$0xA0];
	_ =	sdelay $0x4  }
0x30: {  	[tilespmem:$0x860] =	vst v0  }
0x31: {  	v0 =	vld [tilespmem:s7+$0xB0];
	_ =	sdelay $0x4  }
0x32: {  	s19 =	simm.s32 $0x800;
	[tilespmem:$0x870] =	vst v0  }
0x33: {  	[tilespmem:s31], [sflag:$0x1] =	stream.indirect.gather [hbm4b:s1+s29], $0x80, s19, s29, $0xb8;
	[tilespmem:$0x16C00] =	vst v63  }
0x34: {  	v0 =	vld [tilespmem:s7+$0x100];
	_ =	sdelay $0x4  }
0x35: {  	[tilespmem:$0x880] =	vst v0  }
0x36: {  	v0 =	vld [tilespmem:s7+$0x110];
	_ =	sdelay $0x4  }
0x37: {  	[tilespmem:$0x890] =	vst v0  }
0x38: {  	v0 =	vld [tilespmem:s7+$0x120];
	_ =	sdelay $0x4  }
0x39: {  	[tilespmem:$0x8A0] =	vst v0  }
0x3a: {  	v0 =	vld [tilespmem:s7+$0x130];
	_ =	sdelay $0x4  }
0x3b: {  	[tilespmem:$0x8B0] =	vst v0  }
0x3c: {  	v0 =	vld [tilespmem:s7+$0x180];
	_ =	sdelay $0x4  }
0x3d: {  	[tilespmem:$0x8C0] =	vst v0  }
0x3e: {  	v0 =	vld [tilespmem:s7+$0x190];
	_ =	sdelay $0x4  }
0x3f: {  	[tilespmem:$0x8D0] =	vst v0  }
0x40: {  	v0 =	vld [tilespmem:s7+$0x1A0];
	_ =	sdelay $0x4  }
0x41: {  	[tilespmem:$0x8E0] =	vst v0  }
0x42: {  	v0 =	vld [tilespmem:s7+$0x1B0];
	_ =	sdelay $0x4  }
0x43: {  	[tilespmem:$0x8F0] =	vst v0  }
0x44: {  	v0 =	vld [tilespmem:s7+$0x200];
	_ =	sdelay $0x4  }
0x45: {  	[tilespmem:$0x900] =	vst v0  }
0x46: {  	v0 =	vld [tilespmem:s7+$0x210];
	_ =	sdelay $0x4  }
0x47: {  	[tilespmem:$0x910] =	vst v0  }
0x48: {  	v0 =	vld [tilespmem:s7+$0x220];
	_ =	sdelay $0x4  }
0x49: {  	[tilespmem:$0x920] =	vst v0  }
0x4a: {  	v0 =	vld [tilespmem:s7+$0x230];
	_ =	sdelay $0x4  }
0x4b: {  	[tilespmem:$0x930] =	vst v0  }
0x4c: {  	v0 =	vld [tilespmem:s7+$0x280];
	_ =	sdelay $0x4  }
0x4d: {  	[tilespmem:$0x940] =	vst v0  }
0x4e: {  	v0 =	vld [tilespmem:s7+$0x290];
	_ =	sdelay $0x4  }
0x4f: {  	[tilespmem:$0x950] =	vst v0  }
0x50: {  	v0 =	vld [tilespmem:s7+$0x2A0];
	_ =	sdelay $0x4  }
0x51: {  	[tilespmem:$0x960] =	vst v0  }
0x52: {  	v0 =	vld [tilespmem:s7+$0x2B0];
	_ =	sdelay $0x4  }
0x53: {  	[tilespmem:$0x970] =	vst v0  }
0x54: {  	v0 =	vld [tilespmem:s7+$0x300];
	_ =	sdelay $0x4  }
0x55: {  	[tilespmem:$0x980] =	vst v0  }
0x56: {  	v0 =	vld [tilespmem:s7+$0x310];
	_ =	sdelay $0x4  }
0x57: {  	[tilespmem:$0x990] =	vst v0  }
0x58: {  	v0 =	vld [tilespmem:s7+$0x320];
	_ =	sdelay $0x4  }
0x59: {  	[tilespmem:$0x9A0] =	vst v0  }
0x5a: {  	v0 =	vld [tilespmem:s7+$0x330];
	_ =	sdelay $0x4  }
0x5b: {  	[tilespmem:$0x9B0] =	vst v0  }
0x5c: {  	v0 =	vld [tilespmem:s7+$0x380];
	_ =	sdelay $0x4  }
0x5d: {  	[tilespmem:$0x9C0] =	vst v0  }
0x5e: {  	v0 =	vld [tilespmem:s7+$0x390];
	_ =	sdelay $0x4  }
0x5f: {  	[tilespmem:$0x9D0] =	vst v0  }
0x60: {  	v0 =	vld [tilespmem:s7+$0x3A0];
	_ =	sdelay $0x4  }
0x61: {  	[tilespmem:$0x9E0] =	vst v0  }
0x62: {  	v0 =	vld [tilespmem:s7+$0x3B0];
	_ =	sdelay $0x4  }
0x63: {  	[tilespmem:$0x9F0] =	vst v0  }
0x64: {  	v0 =	vld [tilespmem:s7+$0x400];
	_ =	sdelay $0x4  }
0x65: {  	[tilespmem:$0xA00] =	vst v0  }
0x66: {  	v0 =	vld [tilespmem:s7+$0x410];
	_ =	sdelay $0x4  }
0x67: {  	[tilespmem:$0xA10] =	vst v0  }
0x68: {  	v0 =	vld [tilespmem:s7+$0x420];
	_ =	sdelay $0x4  }
0x69: {  	[tilespmem:$0xA20] =	vst v0  }
0x6a: {  	v0 =	vld [tilespmem:s7+$0x430];
	_ =	sdelay $0x4  }
0x6b: {  	[tilespmem:$0xA30] =	vst v0  }
0x6c: {  	v0 =	vld [tilespmem:s7+$0x480];
	_ =	sdelay $0x4  }
0x6d: {  	[tilespmem:$0xA40] =	vst v0  }
0x6e: {  	v0 =	vld [tilespmem:s7+$0x490];
	_ =	sdelay $0x4  }
0x6f: {  	[tilespmem:$0xA50] =	vst v0  }
0x70: {  	v0 =	vld [tilespmem:s7+$0x4A0];
	_ =	sdelay $0x4  }
0x71: {  	[tilespmem:$0xA60] =	vst v0  }
0x72: {  	v0 =	vld [tilespmem:s7+$0x4B0];
	_ =	sdelay $0x4  }
0x73: {  	[tilespmem:$0xA70] =	vst v0  }
0x74: {  	v0 =	vld [tilespmem:s7+$0x500];
	_ =	sdelay $0x4  }
0x75: {  	[tilespmem:$0xA80] =	vst v0  }
0x76: {  	v0 =	vld [tilespmem:s7+$0x510];
	_ =	sdelay $0x4  }
0x77: {  	[tilespmem:$0xA90] =	vst v0  }
0x78: {  	v0 =	vld [tilespmem:s7+$0x520];
	_ =	sdelay $0x4  }
0x79: {  	[tilespmem:$0xAA0] =	vst v0  }
0x7a: {  	v0 =	vld [tilespmem:s7+$0x530];
	_ =	sdelay $0x4  }
0x7b: {  	[tilespmem:$0xAB0] =	vst v0  }
0x7c: {  	v0 =	vld [tilespmem:s7+$0x580];
	_ =	sdelay $0x4  }
0x7d: {  	[tilespmem:$0xAC0] =	vst v0  }
0x7e: {  	v0 =	vld [tilespmem:s7+$0x590];
	_ =	sdelay $0x4  }
0x7f: {  	[tilespmem:$0xAD0] =	vst v0  }
0x80: {  	v0 =	vld [tilespmem:s7+$0x5A0];
	_ =	sdelay $0x4  }
0x81: {  	[tilespmem:$0xAE0] =	vst v0  }
0x82: {  	v0 =	vld [tilespmem:s7+$0x5B0];
	_ =	sdelay $0x4  }
0x83: {  	[tilespmem:$0xAF0] =	vst v0  }
0x84: {  	v0 =	vld [tilespmem:s7+$0x600];
	_ =	sdelay $0x4  }
0x85: {  	[tilespmem:$0xB00] =	vst v0  }
0x86: {  	v0 =	vld [tilespmem:s7+$0x610];
	_ =	sdelay $0x4  }
0x87: {  	[tilespmem:$0xB10] =	vst v0  }
0x88: {  	v0 =	vld [tilespmem:s7+$0x620];
	_ =	sdelay $0x4  }
0x89: {  	[tilespmem:$0xB20] =	vst v0  }
0x8a: {  	v0 =	vld [tilespmem:s7+$0x630];
	_ =	sdelay $0x4  }
0x8b: {  	[tilespmem:$0xB30] =	vst v0  }
0x8c: {  	v0 =	vld [tilespmem:s7+$0x680];
	_ =	sdelay $0x4  }
0x8d: {  	[tilespmem:$0xB40] =	vst v0  }
0x8e: {  	v0 =	vld [tilespmem:s7+$0x690];
	_ =	sdelay $0x4  }
0x8f: {  	[tilespmem:$0xB50] =	vst v0  }
0x90: {  	v0 =	vld [tilespmem:s7+$0x6A0];
	_ =	sdelay $0x4  }
0x91: {  	[tilespmem:$0xB60] =	vst v0  }
0x92: {  	v0 =	vld [tilespmem:s7+$0x6B0];
	_ =	sdelay $0x4  }
0x93: {  	[tilespmem:$0xB70] =	vst v0  }
0x94: {  	v0 =	vld [tilespmem:s7+$0x700];
	_ =	sdelay $0x4  }
0x95: {  	[tilespmem:$0xB80] =	vst v0  }
0x96: {  	v0 =	vld [tilespmem:s7+$0x710];
	_ =	sdelay $0x4  }
0x97: {  	[tilespmem:$0xB90] =	vst v0  }
0x98: {  	v0 =	vld [tilespmem:s7+$0x720];
	_ =	sdelay $0x4  }
0x99: {  	[tilespmem:$0xBA0] =	vst v0  }
0x9a: {  	v0 =	vld [tilespmem:s7+$0x730];
	_ =	sdelay $0x4  }
0x9b: {  	[tilespmem:$0xBB0] =	vst v0  }
0x9c: {  	v0 =	vld [tilespmem:s7+$0x780];
	_ =	sdelay $0x4  }
0x9d: {  	[tilespmem:$0xBC0] =	vst v0  }
0x9e: {  	v0 =	vld [tilespmem:s7+$0x790];
	_ =	sdelay $0x4  }
0x9f: {  	[tilespmem:$0xBD0] =	vst v0  }
0xa0: {  	v0 =	vld [tilespmem:s7+$0x7A0];
	_ =	sdelay $0x4  }
0xa1: {  	[tilespmem:$0xBE0] =	vst v0  }
0xa2: {  	v0 =	vld [tilespmem:s7+$0x7B0];
	_ =	sdelay $0x4  }
0xa3: {  	s20 =	simm.s32 $0x880;
	[tilespmem:$0xBF0] =	vst v0  }
0xa4: {  	[tilespmem:s0], [sflag:$0x2] =	stream.indirect.gather [hbm4b:s1+s29], $0x80, s20, s29, $0xb8;
	[tilespmem:$0x16C00] =	vst v63  }
0xa5: {  	s19 =	simm.s32 $0x900  }
0xa6: {  	[tilespmem:s26], [sflag:$0x3] =	stream.indirect.gather [hbm4b:s1+s29], $0x80, s19, s29, $0xb8;
	[tilespmem:$0x16C00] =	vst v63  }
0xa7: {  	_ =	swait.ge [sflag:s28], $0x2000  }
0xa8: {  	[sflag:s28] =	ssyncset.done $0x0  }
0xa9: {  	s20 =	simm.s32 $0x980;
	[sflag:s28] =	ssyncadd.s32 $0xFFFFE000  }
0xaa: {  	[tilespmem:s2], [sflag:$0x4] =	stream.indirect.gather [hbm4b:s1+s29], $0x80, s20, s29, $0xb8;
	[tilespmem:$0x16C00] =	vst v63  }
0xab: {  	_ =	swait.ge [sflag:s4], $0x4000  }
0xac: {  	[sflag:s4] =	ssyncset.done $0x0  }
0xad: {  	s18 =	simm.s32 $0x0;
	s19 =	simm.s32 $0x200;
	[sflag:s4] =	ssyncadd.s32 $0xFFFFC000  }
.LBB2_2:
0xae: {  	p0 =	sne.s32 s19, $0x7E00;
	v0 =	vld [tilespmem:s18+$0xC70]  }
0xaf: {  	v1 =	vld [tilespmem:s18+$0xC00]  }
0xb0: {  	v2 =	vld [tilespmem:s18+$0xC10]  }
0xb1: {  	v3 =	vld [tilespmem:s18+$0xC20]  }
0xb2: {  	v4 =	vld [tilespmem:s18+$0xC30]  }
0xb3: {  	[tilespmem:s18+$0x4C70] =	vst.add.f32.msk $0xffff, v0  }
0xb4: {  	v5 =	vld [tilespmem:s18+$0xC40]  }
0xb5: {  	v6 =	vld [tilespmem:s18+$0xC50]  }
0xb6: {  	v7 =	vld [tilespmem:s18+$0xC60]  }
0xb7: {  	[tilespmem:s18+$0x2C00] =	vst.add.f32.msk $0xffff, v1  }
0xb8: {  	[tilespmem:s18+$0x4C00] =	vst.add.f32.msk $0xffff, v1  }
0xb9: {  	[tilespmem:s18+$0x2C10] =	vst.add.f32.msk $0xffff, v2  }
0xba: {  	[tilespmem:s18+$0x4C10] =	vst.add.f32.msk $0xffff, v2  }
0xbb: {  	[tilespmem:s18+$0x2C20] =	vst.add.f32.msk $0xffff, v3  }
0xbc: {  	[tilespmem:s18+$0x4C20] =	vst.add.f32.msk $0xffff, v3  }
0xbd: {  	[tilespmem:s18+$0x2C30] =	vst.add.f32.msk $0xffff, v4  }
0xbe: {  	[tilespmem:s18+$0x4C30] =	vst.add.f32.msk $0xffff, v4  }
0xbf: {  	[tilespmem:s18+$0x2C40] =	vst.add.f32.msk $0xffff, v5  }
0xc0: {  	[tilespmem:s18+$0x4C40] =	vst.add.f32.msk $0xffff, v5  }
.Ltmp0:
0xc1: {  	[tilespmem:s18+$0x2C50] =	vst.add.f32.msk $0xffff, v6;
	(pc) =	sbr.rel @p0 .LBB2_2-.Ltmp0, $4  }
0xc2: {  	[tilespmem:s18+$0x4C50] =	vst.add.f32.msk $0xffff, v6  }
0xc3: {  	[tilespmem:s18+$0x2C60] =	vst.add.f32.msk $0xffff, v7  }
0xc4: {  	[tilespmem:s18+$0x4C60] =	vst.add.f32.msk $0xffff, v7  }
0xc5: {  	[tilespmem:s18+$0x2C70] =	vst.add.f32.msk $0xffff, v0;
	s18 =	sshra.s32 s19, $0x2;
	s19 =	sadd.s32 $0x200, s19  }
0xc6: {  	v0 =	vld [tilespmem:s18+$0xC70]  }
0xc7: {  	v1 =	vld [tilespmem:s18+$0xC00]  }
0xc8: {  	v2 =	vld [tilespmem:s18+$0xC10]  }
0xc9: {  	v3 =	vld [tilespmem:s18+$0xC20]  }
0xca: {  	v4 =	vld [tilespmem:s18+$0xC30]  }
0xcb: {  	v5 =	vld [tilespmem:s18+$0xC40]  }
0xcc: {  	v6 =	vld [tilespmem:s18+$0xC50]  }
0xcd: {  	v7 =	vld [tilespmem:s18+$0xC60]  }
0xce: {  	[tilespmem:s18+$0x4C70] =	vst.add.f32.msk $0xffff, v0  }
0xcf: {  	[tilespmem:s18+$0x2C00] =	vst.add.f32.msk $0xffff, v1  }
0xd0: {  	[tilespmem:s18+$0x4C00] =	vst.add.f32.msk $0xffff, v1  }
0xd1: {  	[tilespmem:s18+$0x2C10] =	vst.add.f32.msk $0xffff, v2  }
0xd2: {  	[tilespmem:s18+$0x4C10] =	vst.add.f32.msk $0xffff, v2  }
0xd3: {  	[tilespmem:s18+$0x2C20] =	vst.add.f32.msk $0xffff, v3  }
0xd4: {  	[tilespmem:s18+$0x4C20] =	vst.add.f32.msk $0xffff, v3  }
0xd5: {  	[tilespmem:s18+$0x2C30] =	vst.add.f32.msk $0xffff, v4  }
0xd6: {  	[tilespmem:s18+$0x4C30] =	vst.add.f32.msk $0xffff, v4  }
0xd7: {  	[tilespmem:s18+$0x2C40] =	vst.add.f32.msk $0xffff, v5  }
0xd8: {  	[tilespmem:s18+$0x4C40] =	vst.add.f32.msk $0xffff, v5  }
0xd9: {  	[tilespmem:s18+$0x2C50] =	vst.add.f32.msk $0xffff, v6  }
0xda: {  	[tilespmem:s18+$0x4C50] =	vst.add.f32.msk $0xffff, v6  }
0xdb: {  	[tilespmem:s18+$0x2C60] =	vst.add.f32.msk $0xffff, v7  }
0xdc: {  	[tilespmem:s18+$0x4C60] =	vst.add.f32.msk $0xffff, v7  }
0xdd: {  	s20 =	simm.s32 $0x0;
	[tilespmem:s18+$0x2C70] =	vst.add.f32.msk $0xffff, v0  }
0xde: {  	[hbm4b:s8+s20] =	stream.linear.scatter [tilespmem:s31], [sflag:$0x6], $0x2000, $0x38;
	[tilespmem:$0x16C00] =	vst v63  }
0xdf: {  	s19 =	rddreg [dreg:$0x7]  }
0xe0: {  	[hbm4b:s19+s20] =	stream.linear.scatter [tilespmem:s25], [sflag:$0x6], $0x2000, $0x38;
	[tilespmem:$0x16C00] =	vst v63  }
0xe1: {  	s20 =	simm.s32 $0xA00  }
0xe2: {  	[tilespmem:s30], [sflag:$0x5] =	stream.indirect.gather [hbm4b:s1+s29], $0x80, s20, s29, $0xb8;
	[tilespmem:$0x16C00] =	vst v63  }
0xe3: {  	_ =	swait.ge [sflag:s28], $0x4000  }
0xe4: {  	[sflag:s28] =	ssyncset.done $0x0  }
0xe5: {  	s18 =	simm.s32 $0x0;
	s19 =	simm.s32 $0x200;
	[sflag:s28] =	ssyncadd.s32 $0xFFFFC000  }
.LBB2_4:
0xe6: {  	p0 =	sne.s32 s19, $0x7E00;
	v0 =	vld [tilespmem:s18+$0xC70]  }
0xe7: {  	v1 =	vld [tilespmem:s18+$0xC00]  }
0xe8: {  	v2 =	vld [tilespmem:s18+$0xC10]  }
0xe9: {  	v3 =	vld [tilespmem:s18+$0xC20]  }
0xea: {  	v4 =	vld [tilespmem:s18+$0xC30]  }
0xeb: {  	[tilespmem:s18+$0x8C70] =	vst.add.f32.msk $0xffff, v0  }
0xec: {  	v5 =	vld [tilespmem:s18+$0xC40]  }
0xed: {  	v6 =	vld [tilespmem:s18+$0xC50]  }
0xee: {  	v7 =	vld [tilespmem:s18+$0xC60]  }
0xef: {  	[tilespmem:s18+$0x6C00] =	vst.add.f32.msk $0xffff, v1  }
0xf0: {  	[tilespmem:s18+$0x8C00] =	vst.add.f32.msk $0xffff, v1  }
0xf1: {  	[tilespmem:s18+$0x6C10] =	vst.add.f32.msk $0xffff, v2  }
0xf2: {  	[tilespmem:s18+$0x8C10] =	vst.add.f32.msk $0xffff, v2  }
0xf3: {  	[tilespmem:s18+$0x6C20] =	vst.add.f32.msk $0xffff, v3  }
0xf4: {  	[tilespmem:s18+$0x8C20] =	vst.add.f32.msk $0xffff, v3  }
0xf5: {  	[tilespmem:s18+$0x6C30] =	vst.add.f32.msk $0xffff, v4  }
0xf6: {  	[tilespmem:s18+$0x8C30] =	vst.add.f32.msk $0xffff, v4  }
0xf7: {  	[tilespmem:s18+$0x6C40] =	vst.add.f32.msk $0xffff, v5  }
0xf8: {  	[tilespmem:s18+$0x8C40] =	vst.add.f32.msk $0xffff, v5  }
.Ltmp1:
0xf9: {  	[tilespmem:s18+$0x6C50] =	vst.add.f32.msk $0xffff, v6;
	(pc) =	sbr.rel @p0 .LBB2_4-.Ltmp1, $4  }
0xfa: {  	[tilespmem:s18+$0x8C50] =	vst.add.f32.msk $0xffff, v6  }
0xfb: {  	[tilespmem:s18+$0x6C60] =	vst.add.f32.msk $0xffff, v7  }
0xfc: {  	[tilespmem:s18+$0x8C60] =	vst.add.f32.msk $0xffff, v7  }
0xfd: {  	[tilespmem:s18+$0x6C70] =	vst.add.f32.msk $0xffff, v0;
	s18 =	sshra.s32 s19, $0x2;
	s19 =	sadd.s32 $0x200, s19  }
0xfe: {  	v0 =	vld [tilespmem:s18+$0xC70]  }
0xff: {  	v1 =	vld [tilespmem:s18+$0xC00]  }
0x100: {  	v2 =	vld [tilespmem:s18+$0xC10]  }
0x101: {  	v3 =	vld [tilespmem:s18+$0xC20]  }
0x102: {  	v4 =	vld [tilespmem:s18+$0xC30]  }
0x103: {  	v5 =	vld [tilespmem:s18+$0xC40]  }
0x104: {  	v6 =	vld [tilespmem:s18+$0xC50]  }
0x105: {  	v7 =	vld [tilespmem:s18+$0xC60]  }
0x106: {  	[tilespmem:s18+$0x8C70] =	vst.add.f32.msk $0xffff, v0  }
0x107: {  	[tilespmem:s18+$0x6C00] =	vst.add.f32.msk $0xffff, v1  }
0x108: {  	[tilespmem:s18+$0x8C00] =	vst.add.f32.msk $0xffff, v1  }
0x109: {  	[tilespmem:s18+$0x6C10] =	vst.add.f32.msk $0xffff, v2  }
0x10a: {  	[tilespmem:s18+$0x8C10] =	vst.add.f32.msk $0xffff, v2  }
0x10b: {  	[tilespmem:s18+$0x6C20] =	vst.add.f32.msk $0xffff, v3  }
0x10c: {  	[tilespmem:s18+$0x8C20] =	vst.add.f32.msk $0xffff, v3  }
0x10d: {  	[tilespmem:s18+$0x6C30] =	vst.add.f32.msk $0xffff, v4  }
0x10e: {  	[tilespmem:s18+$0x8C30] =	vst.add.f32.msk $0xffff, v4  }
0x10f: {  	[tilespmem:s18+$0x6C40] =	vst.add.f32.msk $0xffff, v5  }
0x110: {  	[tilespmem:s18+$0x8C40] =	vst.add.f32.msk $0xffff, v5  }
0x111: {  	[tilespmem:s18+$0x6C50] =	vst.add.f32.msk $0xffff, v6  }
0x112: {  	[tilespmem:s18+$0x8C50] =	vst.add.f32.msk $0xffff, v6  }
0x113: {  	[tilespmem:s18+$0x6C60] =	vst.add.f32.msk $0xffff, v7  }
0x114: {  	[tilespmem:s18+$0x8C60] =	vst.add.f32.msk $0xffff, v7  }
0x115: {  	s19 =	rddreg [dreg:$0x8];
	[tilespmem:s18+$0x6C70] =	vst.add.f32.msk $0xffff, v0;
	s18 =	simm.s32 $0x0  }
0x116: {  	[hbm4b:s19+s18] =	stream.linear.scatter [tilespmem:s0], [sflag:$0x7], $0x2000, $0x38;
	[tilespmem:$0x16C00] =	vst v63  }
0x117: {  	s20 =	rddreg [dreg:$0x9]  }
0x118: {  	[hbm4b:s20+s18] =	stream.linear.scatter [tilespmem:s5], [sflag:$0x7], $0x2000, $0x38;
	[tilespmem:$0x16C00] =	vst v63  }
0x119: {  	_ =	swait.ge [sflag:s6], $0x2000  }
0x11a: {  	[sflag:s6] =	ssyncset.done $0x0  }
0x11b: {  	[sflag:s6] =	ssyncadd.s32 $0xFFFFE000  }
0x11c: {  	_ =	swait.ge [sflag:s6], $0x2000  }
0x11d: {  	[sflag:s6] =	ssyncset.done $0x0  }
0x11e: {  	s20 =	simm.s32 $0xA80;
	[sflag:s6] =	ssyncadd.s32 $0xFFFFE000  }
0x11f: {  	[tilespmem:s31], [sflag:$0x1] =	stream.indirect.gather [hbm4b:s1+s29], $0x80, s20, s29, $0xb8;
	[tilespmem:$0x16C00] =	vst v63  }
0x120: {  	_ =	swait.ge [sflag:s9], $0x4000  }
0x121: {  	[sflag:s9] =	ssyncset.done $0x0  }
0x122: {  	s19 =	simm.s32 $0x200;
	s18 =	simm.s32 $0x0;
	[sflag:s9] =	ssyncadd.s32 $0xFFFFC000  }
.LBB2_6:
0x123: {  	p0 =	sne.s32 s19, $0x7E00;
	v0 =	vld [tilespmem:s18+$0xC70]  }
0x124: {  	v1 =	vld [tilespmem:s18+$0xC00]  }
0x125: {  	v2 =	vld [tilespmem:s18+$0xC10]  }
0x126: {  	v3 =	vld [tilespmem:s18+$0xC20]  }
0x127: {  	v4 =	vld [tilespmem:s18+$0xC30]  }
0x128: {  	[tilespmem:s18+$0xCC70] =	vst.add.f32.msk $0xffff, v0  }
0x129: {  	v5 =	vld [tilespmem:s18+$0xC40]  }
0x12a: {  	v6 =	vld [tilespmem:s18+$0xC50]  }
0x12b: {  	v7 =	vld [tilespmem:s18+$0xC60]  }
0x12c: {  	[tilespmem:s18+$0xAC00] =	vst.add.f32.msk $0xffff, v1  }
0x12d: {  	[tilespmem:s18+$0xCC00] =	vst.add.f32.msk $0xffff, v1  }
0x12e: {  	[tilespmem:s18+$0xAC10] =	vst.add.f32.msk $0xffff, v2  }
0x12f: {  	[tilespmem:s18+$0xCC10] =	vst.add.f32.msk $0xffff, v2  }
0x130: {  	[tilespmem:s18+$0xAC20] =	vst.add.f32.msk $0xffff, v3  }
0x131: {  	[tilespmem:s18+$0xCC20] =	vst.add.f32.msk $0xffff, v3  }
0x132: {  	[tilespmem:s18+$0xAC30] =	vst.add.f32.msk $0xffff, v4  }
0x133: {  	[tilespmem:s18+$0xCC30] =	vst.add.f32.msk $0xffff, v4  }
0x134: {  	[tilespmem:s18+$0xAC40] =	vst.add.f32.msk $0xffff, v5  }
0x135: {  	[tilespmem:s18+$0xCC40] =	vst.add.f32.msk $0xffff, v5  }
.Ltmp2:
0x136: {  	[tilespmem:s18+$0xAC50] =	vst.add.f32.msk $0xffff, v6;
	(pc) =	sbr.rel @p0 .LBB2_6-.Ltmp2, $4  }
0x137: {  	[tilespmem:s18+$0xCC50] =	vst.add.f32.msk $0xffff, v6  }
0x138: {  	[tilespmem:s18+$0xAC60] =	vst.add.f32.msk $0xffff, v7  }
0x139: {  	[tilespmem:s18+$0xCC60] =	vst.add.f32.msk $0xffff, v7  }
0x13a: {  	[tilespmem:s18+$0xAC70] =	vst.add.f32.msk $0xffff, v0;
	s18 =	sshra.s32 s19, $0x2;
	s19 =	sadd.s32 $0x200, s19  }
0x13b: {  	v0 =	vld [tilespmem:s18+$0xC70]  }
0x13c: {  	v1 =	vld [tilespmem:s18+$0xC00]  }
0x13d: {  	v2 =	vld [tilespmem:s18+$0xC10]  }
0x13e: {  	v3 =	vld [tilespmem:s18+$0xC20]  }
0x13f: {  	v4 =	vld [tilespmem:s18+$0xC30]  }
0x140: {  	v5 =	vld [tilespmem:s18+$0xC40]  }
0x141: {  	v6 =	vld [tilespmem:s18+$0xC50]  }
0x142: {  	v7 =	vld [tilespmem:s18+$0xC60]  }
0x143: {  	[tilespmem:s18+$0xCC70] =	vst.add.f32.msk $0xffff, v0  }
0x144: {  	[tilespmem:s18+$0xAC00] =	vst.add.f32.msk $0xffff, v1  }
0x145: {  	[tilespmem:s18+$0xCC00] =	vst.add.f32.msk $0xffff, v1  }
0x146: {  	[tilespmem:s18+$0xAC10] =	vst.add.f32.msk $0xffff, v2  }
0x147: {  	[tilespmem:s18+$0xCC10] =	vst.add.f32.msk $0xffff, v2  }
0x148: {  	[tilespmem:s18+$0xAC20] =	vst.add.f32.msk $0xffff, v3  }
0x149: {  	[tilespmem:s18+$0xCC20] =	vst.add.f32.msk $0xffff, v3  }
0x14a: {  	[tilespmem:s18+$0xAC30] =	vst.add.f32.msk $0xffff, v4  }
0x14b: {  	[tilespmem:s18+$0xCC30] =	vst.add.f32.msk $0xffff, v4  }
0x14c: {  	[tilespmem:s18+$0xAC40] =	vst.add.f32.msk $0xffff, v5  }
0x14d: {  	[tilespmem:s18+$0xCC40] =	vst.add.f32.msk $0xffff, v5  }
0x14e: {  	[tilespmem:s18+$0xAC50] =	vst.add.f32.msk $0xffff, v6  }
0x14f: {  	[tilespmem:s18+$0xCC50] =	vst.add.f32.msk $0xffff, v6  }
0x150: {  	[tilespmem:s18+$0xAC60] =	vst.add.f32.msk $0xffff, v7  }
0x151: {  	[tilespmem:s18+$0xCC60] =	vst.add.f32.msk $0xffff, v7  }
0x152: {  	s19 =	rddreg [dreg:$0xa];
	[tilespmem:s18+$0xAC70] =	vst.add.f32.msk $0xffff, v0;
	s18 =	simm.s32 $0x0  }
0x153: {  	[hbm4b:s19+s18] =	stream.linear.scatter [tilespmem:s26], [sflag:$0x8], $0x2000, $0x38;
	[tilespmem:$0x16C00] =	vst v63  }
0x154: {  	s20 =	rddreg [dreg:$0xb]  }
0x155: {  	[hbm4b:s20+s18] =	stream.linear.scatter [tilespmem:s10], [sflag:$0x8], $0x2000, $0x38;
	[tilespmem:$0x16C00] =	vst v63  }
0x156: {  	_ =	swait.ge [sflag:s11], $0x2000  }
0x157: {  	[sflag:s11] =	ssyncset.done $0x0  }
0x158: {  	[sflag:s11] =	ssyncadd.s32 $0xFFFFE000  }
0x159: {  	_ =	swait.ge [sflag:s11], $0x2000  }
0x15a: {  	[sflag:s11] =	ssyncset.done $0x0  }
0x15b: {  	s20 =	simm.s32 $0xB00;
	[sflag:s11] =	ssyncadd.s32 $0xFFFFE000  }
0x15c: {  	[tilespmem:s0], [sflag:$0x2] =	stream.indirect.gather [hbm4b:s1+s29], $0x80, s20, s29, $0xb8;
	[tilespmem:$0x16C00] =	vst v63  }
0x15d: {  	_ =	swait.ge [sflag:s12], $0x4000  }
0x15e: {  	[sflag:s12] =	ssyncset.done $0x0  }
0x15f: {  	s19 =	simm.s32 $0x200;
	s18 =	simm.s32 $0x0;
	[sflag:s12] =	ssyncadd.s32 $0xFFFFC000  }
.LBB2_8:
0x160: {  	p0 =	sne.s32 s19, $0x7E00;
	v0 =	vld [tilespmem:s18+$0xC70]  }
0x161: {  	v1 =	vld [tilespmem:s18+$0xC00]  }
0x162: {  	v2 =	vld [tilespmem:s18+$0xC10]  }
0x163: {  	v3 =	vld [tilespmem:s18+$0xC20]  }
0x164: {  	v4 =	vld [tilespmem:s18+$0xC30]  }
0x165: {  	[tilespmem:s18+$0x10C70] =	vst.add.f32.msk $0xffff, v0  }
0x166: {  	v5 =	vld [tilespmem:s18+$0xC40]  }
0x167: {  	v6 =	vld [tilespmem:s18+$0xC50]  }
0x168: {  	v7 =	vld [tilespmem:s18+$0xC60]  }
0x169: {  	[tilespmem:s18+$0xEC00] =	vst.add.f32.msk $0xffff, v1  }
0x16a: {  	[tilespmem:s18+$0x10C00] =	vst.add.f32.msk $0xffff, v1  }
0x16b: {  	[tilespmem:s18+$0xEC10] =	vst.add.f32.msk $0xffff, v2  }
0x16c: {  	[tilespmem:s18+$0x10C10] =	vst.add.f32.msk $0xffff, v2  }
0x16d: {  	[tilespmem:s18+$0xEC20] =	vst.add.f32.msk $0xffff, v3  }
0x16e: {  	[tilespmem:s18+$0x10C20] =	vst.add.f32.msk $0xffff, v3  }
0x16f: {  	[tilespmem:s18+$0xEC30] =	vst.add.f32.msk $0xffff, v4  }
0x170: {  	[tilespmem:s18+$0x10C30] =	vst.add.f32.msk $0xffff, v4  }
0x171: {  	[tilespmem:s18+$0xEC40] =	vst.add.f32.msk $0xffff, v5  }
0x172: {  	[tilespmem:s18+$0x10C40] =	vst.add.f32.msk $0xffff, v5  }
.Ltmp3:
0x173: {  	[tilespmem:s18+$0xEC50] =	vst.add.f32.msk $0xffff, v6;
	(pc) =	sbr.rel @p0 .LBB2_8-.Ltmp3, $4  }
0x174: {  	[tilespmem:s18+$0x10C50] =	vst.add.f32.msk $0xffff, v6  }
0x175: {  	[tilespmem:s18+$0xEC60] =	vst.add.f32.msk $0xffff, v7  }
0x176: {  	[tilespmem:s18+$0x10C60] =	vst.add.f32.msk $0xffff, v7  }
0x177: {  	[tilespmem:s18+$0xEC70] =	vst.add.f32.msk $0xffff, v0;
	s18 =	sshra.s32 s19, $0x2;
	s19 =	sadd.s32 $0x200, s19  }
0x178: {  	v0 =	vld [tilespmem:s18+$0xC70]  }
0x179: {  	v1 =	vld [tilespmem:s18+$0xC00]  }
0x17a: {  	v2 =	vld [tilespmem:s18+$0xC10]  }
0x17b: {  	v3 =	vld [tilespmem:s18+$0xC20]  }
0x17c: {  	v4 =	vld [tilespmem:s18+$0xC30]  }
0x17d: {  	v5 =	vld [tilespmem:s18+$0xC40]  }
0x17e: {  	v6 =	vld [tilespmem:s18+$0xC50]  }
0x17f: {  	v7 =	vld [tilespmem:s18+$0xC60]  }
0x180: {  	[tilespmem:s18+$0x10C70] =	vst.add.f32.msk $0xffff, v0  }
0x181: {  	[tilespmem:s18+$0xEC00] =	vst.add.f32.msk $0xffff, v1  }
0x182: {  	[tilespmem:s18+$0x10C00] =	vst.add.f32.msk $0xffff, v1  }
0x183: {  	[tilespmem:s18+$0xEC10] =	vst.add.f32.msk $0xffff, v2  }
0x184: {  	[tilespmem:s18+$0x10C10] =	vst.add.f32.msk $0xffff, v2  }
0x185: {  	[tilespmem:s18+$0xEC20] =	vst.add.f32.msk $0xffff, v3  }
0x186: {  	[tilespmem:s18+$0x10C20] =	vst.add.f32.msk $0xffff, v3  }
0x187: {  	[tilespmem:s18+$0xEC30] =	vst.add.f32.msk $0xffff, v4  }
0x188: {  	[tilespmem:s18+$0x10C30] =	vst.add.f32.msk $0xffff, v4  }
0x189: {  	[tilespmem:s18+$0xEC40] =	vst.add.f32.msk $0xffff, v5  }
0x18a: {  	[tilespmem:s18+$0x10C40] =	vst.add.f32.msk $0xffff, v5  }
0x18b: {  	[tilespmem:s18+$0xEC50] =	vst.add.f32.msk $0xffff, v6  }
0x18c: {  	[tilespmem:s18+$0x10C50] =	vst.add.f32.msk $0xffff, v6  }
0x18d: {  	[tilespmem:s18+$0xEC60] =	vst.add.f32.msk $0xffff, v7  }
0x18e: {  	[tilespmem:s18+$0x10C60] =	vst.add.f32.msk $0xffff, v7  }
0x18f: {  	s19 =	rddreg [dreg:$0xc];
	[tilespmem:s18+$0xEC70] =	vst.add.f32.msk $0xffff, v0;
	s18 =	simm.s32 $0x0  }
0x190: {  	[hbm4b:s19+s18] =	stream.linear.scatter [tilespmem:s2], [sflag:$0x9], $0x2000, $0x38;
	[tilespmem:$0x16C00] =	vst v63  }
0x191: {  	s20 =	simm.s32 $0x10C00;
	s19 =	rddreg [dreg:$0xd]  }
0x192: {  	[hbm4b:s19+s18] =	stream.linear.scatter [tilespmem:s20], [sflag:$0x9], $0x2000, $0x38;
	[tilespmem:$0x16C00] =	vst v63  }
0x193: {  	_ =	swait.ge [sflag:s13], $0x2000  }
0x194: {  	[sflag:s13] =	ssyncset.done $0x0  }
0x195: {  	[sflag:s13] =	ssyncadd.s32 $0xFFFFE000  }
0x196: {  	_ =	swait.ge [sflag:s13], $0x2000  }
0x197: {  	[sflag:s13] =	ssyncset.done $0x0  }
0x198: {  	s20 =	simm.s32 $0xB80;
	[sflag:s13] =	ssyncadd.s32 $0xFFFFE000  }
0x199: {  	[tilespmem:s26], [sflag:$0x3] =	stream.indirect.gather [hbm4b:s1+s29], $0x80, s20, s29, $0xb8;
	[tilespmem:$0x16C00] =	vst v63  }
0x19a: {  	_ =	swait.ge [sflag:s14], $0x4000  }
0x19b: {  	[sflag:s14] =	ssyncset.done $0x0  }
0x19c: {  	s18 =	simm.s32 $0x0;
	s19 =	simm.s32 $0x200;
	[sflag:s14] =	ssyncadd.s32 $0xFFFFC000  }
.LBB2_10:
0x19d: {  	p0 =	sne.s32 s19, $0x7E00;
	v0 =	vld [tilespmem:s18+$0xC70]  }
0x19e: {  	v1 =	vld [tilespmem:s18+$0xC00]  }
0x19f: {  	v2 =	vld [tilespmem:s18+$0xC10]  }
0x1a0: {  	v3 =	vld [tilespmem:s18+$0xC20]  }
0x1a1: {  	v4 =	vld [tilespmem:s18+$0xC30]  }
0x1a2: {  	[tilespmem:s18+$0x14C70] =	vst.add.f32.msk $0xffff, v0  }
0x1a3: {  	v5 =	vld [tilespmem:s18+$0xC40]  }
0x1a4: {  	v6 =	vld [tilespmem:s18+$0xC50]  }
0x1a5: {  	v7 =	vld [tilespmem:s18+$0xC60]  }
0x1a6: {  	[tilespmem:s18+$0x12C00] =	vst.add.f32.msk $0xffff, v1  }
0x1a7: {  	[tilespmem:s18+$0x14C00] =	vst.add.f32.msk $0xffff, v1  }
0x1a8: {  	[tilespmem:s18+$0x12C10] =	vst.add.f32.msk $0xffff, v2  }
0x1a9: {  	[tilespmem:s18+$0x14C10] =	vst.add.f32.msk $0xffff, v2  }
0x1aa: {  	[tilespmem:s18+$0x12C20] =	vst.add.f32.msk $0xffff, v3  }
0x1ab: {  	[tilespmem:s18+$0x14C20] =	vst.add.f32.msk $0xffff, v3  }
0x1ac: {  	[tilespmem:s18+$0x12C30] =	vst.add.f32.msk $0xffff, v4  }
0x1ad: {  	[tilespmem:s18+$0x14C30] =	vst.add.f32.msk $0xffff, v4  }
0x1ae: {  	[tilespmem:s18+$0x12C40] =	vst.add.f32.msk $0xffff, v5  }
0x1af: {  	[tilespmem:s18+$0x14C40] =	vst.add.f32.msk $0xffff, v5  }
.Ltmp4:
0x1b0: {  	[tilespmem:s18+$0x12C50] =	vst.add.f32.msk $0xffff, v6;
	(pc) =	sbr.rel @p0 .LBB2_10-.Ltmp4, $4  }
0x1b1: {  	[tilespmem:s18+$0x14C50] =	vst.add.f32.msk $0xffff, v6  }
0x1b2: {  	[tilespmem:s18+$0x12C60] =	vst.add.f32.msk $0xffff, v7  }
0x1b3: {  	[tilespmem:s18+$0x14C60] =	vst.add.f32.msk $0xffff, v7  }
0x1b4: {  	[tilespmem:s18+$0x12C70] =	vst.add.f32.msk $0xffff, v0;
	s18 =	sshra.s32 s19, $0x2;
	s19 =	sadd.s32 $0x200, s19  }
0x1b5: {  	v0 =	vld [tilespmem:s18+$0xC70]  }
0x1b6: {  	v1 =	vld [tilespmem:s18+$0xC00]  }
0x1b7: {  	v2 =	vld [tilespmem:s18+$0xC10]  }
0x1b8: {  	v3 =	vld [tilespmem:s18+$0xC20]  }
0x1b9: {  	v4 =	vld [tilespmem:s18+$0xC30]  }
0x1ba: {  	v5 =	vld [tilespmem:s18+$0xC40]  }
0x1bb: {  	v6 =	vld [tilespmem:s18+$0xC50]  }
0x1bc: {  	v7 =	vld [tilespmem:s18+$0xC60]  }
0x1bd: {  	[tilespmem:s18+$0x14C70] =	vst.add.f32.msk $0xffff, v0  }
0x1be: {  	[tilespmem:s18+$0x12C00] =	vst.add.f32.msk $0xffff, v1  }
0x1bf: {  	[tilespmem:s18+$0x14C00] =	vst.add.f32.msk $0xffff, v1  }
0x1c0: {  	[tilespmem:s18+$0x12C10] =	vst.add.f32.msk $0xffff, v2  }
0x1c1: {  	[tilespmem:s18+$0x14C10] =	vst.add.f32.msk $0xffff, v2  }
0x1c2: {  	[tilespmem:s18+$0x12C20] =	vst.add.f32.msk $0xffff, v3  }
0x1c3: {  	[tilespmem:s18+$0x14C20] =	vst.add.f32.msk $0xffff, v3  }
0x1c4: {  	[tilespmem:s18+$0x12C30] =	vst.add.f32.msk $0xffff, v4  }
0x1c5: {  	[tilespmem:s18+$0x14C30] =	vst.add.f32.msk $0xffff, v4  }
0x1c6: {  	[tilespmem:s18+$0x12C40] =	vst.add.f32.msk $0xffff, v5  }
0x1c7: {  	[tilespmem:s18+$0x14C40] =	vst.add.f32.msk $0xffff, v5  }
0x1c8: {  	[tilespmem:s18+$0x12C50] =	vst.add.f32.msk $0xffff, v6  }
0x1c9: {  	[tilespmem:s18+$0x14C50] =	vst.add.f32.msk $0xffff, v6  }
0x1ca: {  	[tilespmem:s18+$0x12C60] =	vst.add.f32.msk $0xffff, v7  }
0x1cb: {  	[tilespmem:s18+$0x14C60] =	vst.add.f32.msk $0xffff, v7  }
0x1cc: {  	s19 =	rddreg [dreg:$0xe];
	[tilespmem:s18+$0x12C70] =	vst.add.f32.msk $0xffff, v0;
	s18 =	simm.s32 $0x0  }
0x1cd: {  	[hbm4b:s19+s18] =	stream.linear.scatter [tilespmem:s30], [sflag:$0xA], $0x2000, $0x38;
	[tilespmem:$0x16C00] =	vst v63  }
0x1ce: {  	s20 =	simm.s32 $0x14C00;
	s19 =	rddreg [dreg:$0xf]  }
0x1cf: {  	[hbm4b:s19+s18] =	stream.linear.scatter [tilespmem:s20], [sflag:$0xA], $0x2000, $0x38;
	[tilespmem:$0x16C00] =	vst v63  }
0x1d0: {  	_ =	swait.ge [sflag:s4], $0x4000  }
0x1d1: {  	[sflag:s4] =	ssyncset.done $0x0  }
0x1d2: {  	s18 =	simm.s32 $0x0;
	s19 =	simm.s32 $0x200;
	[sflag:s4] =	ssyncadd.s32 $0xFFFFC000  }
.LBB2_12:
0x1d3: {  	p0 =	sne.s32 s19, $0x7E00;
	v0 =	vld [tilespmem:s18+$0xC70]  }
0x1d4: {  	v1 =	vld [tilespmem:s18+$0xC00]  }
0x1d5: {  	v2 =	vld [tilespmem:s18+$0xC10]  }
0x1d6: {  	v3 =	vld [tilespmem:s18+$0xC20]  }
0x1d7: {  	v4 =	vld [tilespmem:s18+$0xC30]  }
0x1d8: {  	[tilespmem:s18+$0x4C70] =	vst.add.f32.msk $0xffff, v0  }
0x1d9: {  	v5 =	vld [tilespmem:s18+$0xC40]  }
0x1da: {  	v6 =	vld [tilespmem:s18+$0xC50]  }
0x1db: {  	v7 =	vld [tilespmem:s18+$0xC60]  }
0x1dc: {  	[tilespmem:s18+$0x2C00] =	vst.add.f32.msk $0xffff, v1  }
0x1dd: {  	[tilespmem:s18+$0x4C00] =	vst.add.f32.msk $0xffff, v1  }
0x1de: {  	[tilespmem:s18+$0x2C10] =	vst.add.f32.msk $0xffff, v2  }
0x1df: {  	[tilespmem:s18+$0x4C10] =	vst.add.f32.msk $0xffff, v2  }
0x1e0: {  	[tilespmem:s18+$0x2C20] =	vst.add.f32.msk $0xffff, v3  }
0x1e1: {  	[tilespmem:s18+$0x4C20] =	vst.add.f32.msk $0xffff, v3  }
0x1e2: {  	[tilespmem:s18+$0x2C30] =	vst.add.f32.msk $0xffff, v4  }
0x1e3: {  	[tilespmem:s18+$0x4C30] =	vst.add.f32.msk $0xffff, v4  }
0x1e4: {  	[tilespmem:s18+$0x2C40] =	vst.add.f32.msk $0xffff, v5  }
0x1e5: {  	[tilespmem:s18+$0x4C40] =	vst.add.f32.msk $0xffff, v5  }
.Ltmp5:
0x1e6: {  	[tilespmem:s18+$0x2C50] =	vst.add.f32.msk $0xffff, v6;
	(pc) =	sbr.rel @p0 .LBB2_12-.Ltmp5, $4  }
0x1e7: {  	[tilespmem:s18+$0x4C50] =	vst.add.f32.msk $0xffff, v6  }
0x1e8: {  	[tilespmem:s18+$0x2C60] =	vst.add.f32.msk $0xffff, v7  }
0x1e9: {  	[tilespmem:s18+$0x4C60] =	vst.add.f32.msk $0xffff, v7  }
0x1ea: {  	[tilespmem:s18+$0x2C70] =	vst.add.f32.msk $0xffff, v0;
	s18 =	sshra.s32 s19, $0x2;
	s19 =	sadd.s32 $0x200, s19  }
0x1eb: {  	v0 =	vld [tilespmem:s18+$0xC70]  }
0x1ec: {  	v1 =	vld [tilespmem:s18+$0xC00]  }
0x1ed: {  	v2 =	vld [tilespmem:s18+$0xC10]  }
0x1ee: {  	v3 =	vld [tilespmem:s18+$0xC20]  }
0x1ef: {  	v4 =	vld [tilespmem:s18+$0xC30]  }
0x1f0: {  	v5 =	vld [tilespmem:s18+$0xC40]  }
0x1f1: {  	v6 =	vld [tilespmem:s18+$0xC50]  }
0x1f2: {  	v7 =	vld [tilespmem:s18+$0xC60]  }
0x1f3: {  	[tilespmem:s18+$0x4C70] =	vst.add.f32.msk $0xffff, v0  }
0x1f4: {  	[tilespmem:s18+$0x2C00] =	vst.add.f32.msk $0xffff, v1  }
0x1f5: {  	[tilespmem:s18+$0x4C00] =	vst.add.f32.msk $0xffff, v1  }
0x1f6: {  	[tilespmem:s18+$0x2C10] =	vst.add.f32.msk $0xffff, v2  }
0x1f7: {  	[tilespmem:s18+$0x4C10] =	vst.add.f32.msk $0xffff, v2  }
0x1f8: {  	[tilespmem:s18+$0x2C20] =	vst.add.f32.msk $0xffff, v3  }
0x1f9: {  	[tilespmem:s18+$0x4C20] =	vst.add.f32.msk $0xffff, v3  }
0x1fa: {  	[tilespmem:s18+$0x2C30] =	vst.add.f32.msk $0xffff, v4  }
0x1fb: {  	[tilespmem:s18+$0x4C30] =	vst.add.f32.msk $0xffff, v4  }
0x1fc: {  	[tilespmem:s18+$0x2C40] =	vst.add.f32.msk $0xffff, v5  }
0x1fd: {  	[tilespmem:s18+$0x4C40] =	vst.add.f32.msk $0xffff, v5  }
0x1fe: {  	[tilespmem:s18+$0x2C50] =	vst.add.f32.msk $0xffff, v6  }
0x1ff: {  	[tilespmem:s18+$0x4C50] =	vst.add.f32.msk $0xffff, v6  }
0x200: {  	[tilespmem:s18+$0x2C60] =	vst.add.f32.msk $0xffff, v7  }
0x201: {  	[tilespmem:s18+$0x4C60] =	vst.add.f32.msk $0xffff, v7  }
0x202: {  	s19 =	rddreg [dreg:$0x10];
	[tilespmem:s18+$0x2C70] =	vst.add.f32.msk $0xffff, v0;
	s18 =	simm.s32 $0x0  }
0x203: {  	[hbm4b:s19+s18] =	stream.linear.scatter [tilespmem:s31], [sflag:$0x6], $0x2000, $0x38;
	[tilespmem:$0x16C00] =	vst v63  }
0x204: {  	s20 =	rddreg [dreg:$0x11]  }
0x205: {  	[hbm4b:s20+s18] =	stream.linear.scatter [tilespmem:s25], [sflag:$0x6], $0x2000, $0x38;
	[tilespmem:$0x16C00] =	vst v63  }
0x206: {  	_ =	swait.ge [sflag:s28], $0x4000  }
0x207: {  	[sflag:s28] =	ssyncset.done $0x0  }
0x208: {  	s19 =	simm.s32 $0x200;
	s18 =	simm.s32 $0x0;
	[sflag:s28] =	ssyncadd.s32 $0xFFFFC000  }
.LBB2_14:
0x209: {  	p0 =	sne.s32 s19, $0x7E00;
	v0 =	vld [tilespmem:s18+$0xC70]  }
0x20a: {  	v1 =	vld [tilespmem:s18+$0xC00]  }
0x20b: {  	v2 =	vld [tilespmem:s18+$0xC10]  }
0x20c: {  	v3 =	vld [tilespmem:s18+$0xC20]  }
0x20d: {  	v4 =	vld [tilespmem:s18+$0xC30]  }
0x20e: {  	[tilespmem:s18+$0x8C70] =	vst.add.f32.msk $0xffff, v0  }
0x20f: {  	v5 =	vld [tilespmem:s18+$0xC40]  }
0x210: {  	v6 =	vld [tilespmem:s18+$0xC50]  }
0x211: {  	v7 =	vld [tilespmem:s18+$0xC60]  }
0x212: {  	[tilespmem:s18+$0x6C00] =	vst.add.f32.msk $0xffff, v1  }
0x213: {  	[tilespmem:s18+$0x8C00] =	vst.add.f32.msk $0xffff, v1  }
0x214: {  	[tilespmem:s18+$0x6C10] =	vst.add.f32.msk $0xffff, v2  }
0x215: {  	[tilespmem:s18+$0x8C10] =	vst.add.f32.msk $0xffff, v2  }
0x216: {  	[tilespmem:s18+$0x6C20] =	vst.add.f32.msk $0xffff, v3  }
0x217: {  	[tilespmem:s18+$0x8C20] =	vst.add.f32.msk $0xffff, v3  }
0x218: {  	[tilespmem:s18+$0x6C30] =	vst.add.f32.msk $0xffff, v4  }
0x219: {  	[tilespmem:s18+$0x8C30] =	vst.add.f32.msk $0xffff, v4  }
0x21a: {  	[tilespmem:s18+$0x6C40] =	vst.add.f32.msk $0xffff, v5  }
0x21b: {  	[tilespmem:s18+$0x8C40] =	vst.add.f32.msk $0xffff, v5  }
.Ltmp6:
0x21c: {  	[tilespmem:s18+$0x6C50] =	vst.add.f32.msk $0xffff, v6;
	(pc) =	sbr.rel @p0 .LBB2_14-.Ltmp6, $4  }
0x21d: {  	[tilespmem:s18+$0x8C50] =	vst.add.f32.msk $0xffff, v6  }
0x21e: {  	[tilespmem:s18+$0x6C60] =	vst.add.f32.msk $0xffff, v7  }
0x21f: {  	[tilespmem:s18+$0x8C60] =	vst.add.f32.msk $0xffff, v7  }
0x220: {  	[tilespmem:s18+$0x6C70] =	vst.add.f32.msk $0xffff, v0;
	s18 =	sshra.s32 s19, $0x2;
	s19 =	sadd.s32 $0x200, s19  }
0x221: {  	v0 =	vld [tilespmem:s18+$0xC70]  }
0x222: {  	v1 =	vld [tilespmem:s18+$0xC00]  }
0x223: {  	v2 =	vld [tilespmem:s18+$0xC10]  }
0x224: {  	v3 =	vld [tilespmem:s18+$0xC20]  }
0x225: {  	v4 =	vld [tilespmem:s18+$0xC30]  }
0x226: {  	v5 =	vld [tilespmem:s18+$0xC40]  }
0x227: {  	v6 =	vld [tilespmem:s18+$0xC50]  }
0x228: {  	v7 =	vld [tilespmem:s18+$0xC60]  }
0x229: {  	[tilespmem:s18+$0x8C70] =	vst.add.f32.msk $0xffff, v0  }
0x22a: {  	[tilespmem:s18+$0x6C00] =	vst.add.f32.msk $0xffff, v1  }
0x22b: {  	[tilespmem:s18+$0x8C00] =	vst.add.f32.msk $0xffff, v1  }
0x22c: {  	[tilespmem:s18+$0x6C10] =	vst.add.f32.msk $0xffff, v2  }
0x22d: {  	[tilespmem:s18+$0x8C10] =	vst.add.f32.msk $0xffff, v2  }
0x22e: {  	[tilespmem:s18+$0x6C20] =	vst.add.f32.msk $0xffff, v3  }
0x22f: {  	[tilespmem:s18+$0x8C20] =	vst.add.f32.msk $0xffff, v3  }
0x230: {  	[tilespmem:s18+$0x6C30] =	vst.add.f32.msk $0xffff, v4  }
0x231: {  	[tilespmem:s18+$0x8C30] =	vst.add.f32.msk $0xffff, v4  }
0x232: {  	[tilespmem:s18+$0x6C40] =	vst.add.f32.msk $0xffff, v5  }
0x233: {  	[tilespmem:s18+$0x8C40] =	vst.add.f32.msk $0xffff, v5  }
0x234: {  	[tilespmem:s18+$0x6C50] =	vst.add.f32.msk $0xffff, v6  }
0x235: {  	[tilespmem:s18+$0x8C50] =	vst.add.f32.msk $0xffff, v6  }
0x236: {  	[tilespmem:s18+$0x6C60] =	vst.add.f32.msk $0xffff, v7  }
0x237: {  	[tilespmem:s18+$0x8C60] =	vst.add.f32.msk $0xffff, v7  }
0x238: {  	s20 =	simm.s32 $0x0;
	s19 =	rddreg [dreg:$0x12];
	[tilespmem:s18+$0x6C70] =	vst.add.f32.msk $0xffff, v0  }
0x239: {  	[hbm4b:s19+s20] =	stream.linear.scatter [tilespmem:s0], [sflag:$0x7], $0x2000, $0x38;
	[tilespmem:$0x16C00] =	vst v63  }
0x23a: {  	_ = 	snop  }
0x23b: {  	[hbm4b:s21+s20] =	stream.linear.scatter [tilespmem:s5], [sflag:$0x7], $0x2000, $0x38;
	[tilespmem:$0x16C00] =	vst v63  }
0x23c: {  	_ =	swait.ge [sflag:s9], $0x4000  }
0x23d: {  	[sflag:s9] =	ssyncset.done $0x0  }
0x23e: {  	s18 =	simm.s32 $0x0;
	s19 =	simm.s32 $0x200;
	[sflag:s9] =	ssyncadd.s32 $0xFFFFC000  }
.LBB2_16:
0x23f: {  	p0 =	sne.s32 s19, $0x7E00;
	v0 =	vld [tilespmem:s18+$0xC70]  }
0x240: {  	v1 =	vld [tilespmem:s18+$0xC00]  }
0x241: {  	v2 =	vld [tilespmem:s18+$0xC10]  }
0x242: {  	v3 =	vld [tilespmem:s18+$0xC20]  }
0x243: {  	v4 =	vld [tilespmem:s18+$0xC30]  }
0x244: {  	[tilespmem:s18+$0xCC70] =	vst.add.f32.msk $0xffff, v0  }
0x245: {  	v5 =	vld [tilespmem:s18+$0xC40]  }
0x246: {  	v6 =	vld [tilespmem:s18+$0xC50]  }
0x247: {  	v7 =	vld [tilespmem:s18+$0xC60]  }
0x248: {  	[tilespmem:s18+$0xAC00] =	vst.add.f32.msk $0xffff, v1  }
0x249: {  	[tilespmem:s18+$0xCC00] =	vst.add.f32.msk $0xffff, v1  }
0x24a: {  	[tilespmem:s18+$0xAC10] =	vst.add.f32.msk $0xffff, v2  }
0x24b: {  	[tilespmem:s18+$0xCC10] =	vst.add.f32.msk $0xffff, v2  }
0x24c: {  	[tilespmem:s18+$0xAC20] =	vst.add.f32.msk $0xffff, v3  }
0x24d: {  	[tilespmem:s18+$0xCC20] =	vst.add.f32.msk $0xffff, v3  }
0x24e: {  	[tilespmem:s18+$0xAC30] =	vst.add.f32.msk $0xffff, v4  }
0x24f: {  	[tilespmem:s18+$0xCC30] =	vst.add.f32.msk $0xffff, v4  }
0x250: {  	[tilespmem:s18+$0xAC40] =	vst.add.f32.msk $0xffff, v5  }
0x251: {  	[tilespmem:s18+$0xCC40] =	vst.add.f32.msk $0xffff, v5  }
.Ltmp7:
0x252: {  	[tilespmem:s18+$0xAC50] =	vst.add.f32.msk $0xffff, v6;
	(pc) =	sbr.rel @p0 .LBB2_16-.Ltmp7, $4  }
0x253: {  	[tilespmem:s18+$0xCC50] =	vst.add.f32.msk $0xffff, v6  }
0x254: {  	[tilespmem:s18+$0xAC60] =	vst.add.f32.msk $0xffff, v7  }
0x255: {  	[tilespmem:s18+$0xCC60] =	vst.add.f32.msk $0xffff, v7  }
0x256: {  	[tilespmem:s18+$0xAC70] =	vst.add.f32.msk $0xffff, v0;
	s18 =	sshra.s32 s19, $0x2;
	s19 =	sadd.s32 $0x200, s19  }
0x257: {  	v0 =	vld [tilespmem:s18+$0xC70]  }
0x258: {  	v1 =	vld [tilespmem:s18+$0xC00]  }
0x259: {  	v2 =	vld [tilespmem:s18+$0xC10]  }
0x25a: {  	v3 =	vld [tilespmem:s18+$0xC20]  }
0x25b: {  	v4 =	vld [tilespmem:s18+$0xC30]  }
0x25c: {  	v5 =	vld [tilespmem:s18+$0xC40]  }
0x25d: {  	v6 =	vld [tilespmem:s18+$0xC50]  }
0x25e: {  	v7 =	vld [tilespmem:s18+$0xC60]  }
0x25f: {  	[tilespmem:s18+$0xCC70] =	vst.add.f32.msk $0xffff, v0  }
0x260: {  	[tilespmem:s18+$0xAC00] =	vst.add.f32.msk $0xffff, v1  }
0x261: {  	[tilespmem:s18+$0xCC00] =	vst.add.f32.msk $0xffff, v1  }
0x262: {  	[tilespmem:s18+$0xAC10] =	vst.add.f32.msk $0xffff, v2  }
0x263: {  	[tilespmem:s18+$0xCC10] =	vst.add.f32.msk $0xffff, v2  }
0x264: {  	[tilespmem:s18+$0xAC20] =	vst.add.f32.msk $0xffff, v3  }
0x265: {  	[tilespmem:s18+$0xCC20] =	vst.add.f32.msk $0xffff, v3  }
0x266: {  	[tilespmem:s18+$0xAC30] =	vst.add.f32.msk $0xffff, v4  }
0x267: {  	[tilespmem:s18+$0xCC30] =	vst.add.f32.msk $0xffff, v4  }
0x268: {  	[tilespmem:s18+$0xAC40] =	vst.add.f32.msk $0xffff, v5  }
0x269: {  	[tilespmem:s18+$0xCC40] =	vst.add.f32.msk $0xffff, v5  }
0x26a: {  	[tilespmem:s18+$0xAC50] =	vst.add.f32.msk $0xffff, v6  }
0x26b: {  	[tilespmem:s18+$0xCC50] =	vst.add.f32.msk $0xffff, v6  }
0x26c: {  	[tilespmem:s18+$0xAC60] =	vst.add.f32.msk $0xffff, v7  }
0x26d: {  	[tilespmem:s18+$0xCC60] =	vst.add.f32.msk $0xffff, v7  }
0x26e: {  	[tilespmem:s18+$0xAC70] =	vst.add.f32.msk $0xffff, v0  }
0x26f: {  	[hbm4b:s22+s3] =	stream.linear.scatter [tilespmem:s26], [sflag:$0x8], $0x2000, $0x38;
	[tilespmem:$0x16C00] =	vst v63  }
0x270: {  	_ = 	snop  }
0x271: {  	[hbm4b:s23+s3] =	stream.linear.scatter [tilespmem:s10], [sflag:$0x8], $0x2000, $0x38;
	[tilespmem:$0x16C00] =	vst v63  }
0x272: {  	_ =	swait.ge [sflag:s6], $0x2000  }
0x273: {  	[sflag:s6] =	ssyncset.done $0x0  }
0x274: {  	[sflag:s6] =	ssyncadd.s32 $0xFFFFE000  }
0x275: {  	_ =	swait.ge [sflag:s6], $0x2000  }
0x276: {  	[sflag:s6] =	ssyncset.done $0x0  }
0x277: {  	[sflag:s6] =	ssyncadd.s32 $0xFFFFE000  }
0x278: {  	_ =	swait.ge [sflag:s11], $0x2000  }
0x279: {  	[sflag:s11] =	ssyncset.done $0x0  }
0x27a: {  	[sflag:s11] =	ssyncadd.s32 $0xFFFFE000  }
0x27b: {  	_ =	swait.ge [sflag:s11], $0x2000  }
0x27c: {  	[sflag:s11] =	ssyncset.done $0x0  }
0x27d: {  	[sflag:s11] =	ssyncadd.s32 $0xFFFFE000  }
0x27e: {  	_ =	swait.ge [sflag:s13], $0x2000  }
0x27f: {  	[sflag:s13] =	ssyncset.done $0x0  }
0x280: {  	[sflag:s13] =	ssyncadd.s32 $0xFFFFE000  }
0x281: {  	_ =	swait.ge [sflag:s13], $0x2000  }
0x282: {  	[sflag:s13] =	ssyncset.done $0x0  }
0x283: {  	[sflag:s13] =	ssyncadd.s32 $0xFFFFE000  }
0x284: {  	_ =	swait.ge [sflag:s15], $0x2000  }
0x285: {  	[sflag:s15] =	ssyncset.done $0x0  }
0x286: {  	[sflag:s15] =	ssyncadd.s32 $0xFFFFE000  }
0x287: {  	_ =	swait.ge [sflag:s15], $0x2000  }
0x288: {  	[sflag:s15] =	ssyncset.done $0x0  }
0x289: {  	s17 =	sadd.s32 $0x1, s17;
	[sflag:s15] =	ssyncadd.s32 $0xFFFFE000  }
0x28a: {  	p0 =	sne.s32 s17, s24;
	_ =	swait.ge [sflag:s16], $0x2000  }
.Ltmp8:
0x28b: {  	[sflag:s16] =	ssyncset.done $0x0;
	(pc) =	sbr.rel @p0 .LBB2_1-.Ltmp8, $4  }
0x28c: {  	[sflag:s16] =	ssyncadd.s32 $0xFFFFE000  }
0x28d: {  	_ =	swait.ge [sflag:s16], $0x2000  }
0x28e: {  	[sflag:s16] =	ssyncset.done $0x0  }
0x28f: {  	[sflag:s16] =	ssyncadd.s32 $0xFFFFE000  }
0x290: {  	_ =	sfence.sel $0x180000  }
0x291: {  	[bflag:$0x0] =	sbarrier.arrive $0xFFFF  }
0x292: {  	_ =	strace $0x90000047  }
0x293: {  	s0 =	stileid.u32;
	[bflag:$0x2] =	sbarrier.arrive $0xFFFF  }
0x294: {  	p0 =	sne.s32 s0, $0x0;
	s0 =	rddreg [dreg:$0x4]  }
0x295: {  	s0 =	sadd.s32 @!p0 $0x100000, s0  }
0x296: {  	[sflag:s0] =	ssyncadd.tile.s32 @!p0 $0x1;
	_ =	shalt  }
.Lfunc_end2:
_tile_overlayer_lowered:
.L_overlay_start_2:
0x297: {  	(tag) =	ssettag $0x2  }
0x298: {  	s0 =	rddreg [dreg:$0x0];
	s2 =	stileid.u32  }
0x299: {  	s1 =	rddreg [dreg:$0x1];
	p0 =	sne.s32 s2, $0x0  }
0x29a: {  	s3 =	rddreg [dreg:$0x2];
	[bflag:$0x3] =	sbarrier.arrive $0xFFFF;
	s2 =	simm.s32 @!p0 $0x1C0B  }
0x29b: {  	[timem:s3], [sflag:s2] =	dma.local @!p0 [hbm:s0], s1  }
0x29c: {  	s0 =	simm.s32 @!p0 $0xB  }
0x29d: {  	_ =	swait.ge @!p0 [sflag:s0], s1  }
0x29e: {  	s1 =	ssub.s32 @!p0 $0x0, s1;
	[sflag:s0] =	ssyncset.done @!p0 $0x0  }
0x29f: {  	[sflag:s0] =	ssyncadd.s32 @!p0 s1  }
0x2a0: {  	[bflag:$0x3] =	sbarrier.arrive $0xFFFF  }
0x2a1: {  	_ =	shalt  }

</sc_bundles>
